<compile_context>
chip_gen: v7x
topology: tpu7x:2x2x1
jax: 0.10.2.dev20260603
libtpu: 0.0.44.dev20260713+nightly
codegen_flags: <defaults>
</compile_context>

<pallas_src>
import functools

import jax
import jax.numpy as jnp
from jax import lax
from jax.experimental import pallas as pl
from jax.experimental.pallas import tpu as pltpu
from jax.experimental.pallas import tpu_sc as plsc

N = 10000
NP = 10240
E = 320000
EP = 327680
EROWS = EP // 128
CHUNKS2 = EROWS // 32
CHUNKS1 = EROWS // 16
STRIPE = NP // 16

_mesh = plsc.VectorSubcoreMesh(core_axis_name="c", subcore_axis_name="s")


@functools.partial(
    pl.kernel,
    out_type=jax.ShapeDtypeStruct((2, NP), jnp.float32),
    mesh=_mesh,
    scratch_types=[
        pltpu.VMEM((CHUNKS2, 128), jnp.int32),
        pltpu.VMEM((128,), jnp.float32),
        pltpu.VMEM((STRIPE,), jnp.float32),
        pltpu.VMEM_SHARED((NP,), jnp.float32),
        [pltpu.SemaphoreType.DMA] * 4,
    ],
)
def _sc_degree(dst_hbm, out_hbm, dst_v, ones_v, st_v, acc_sh, ss):
    c = lax.axis_index("c")
    s = lax.axis_index("s")
    tile = c * 16 + s
    cpd = pltpu.async_copy(
        dst_hbm.at[pl.ds(tile * CHUNKS2, CHUNKS2)], dst_v, ss[0])
    one16 = jnp.full((16,), 1.0, jnp.float32)
    zero16 = jnp.zeros((16,), jnp.float32)
    for k in range(8):
        ones_v[pl.ds(k * 16, 16)] = one16

    def _zero(i, carry):
        st_v[pl.ds(i * 16, 16)] = zero16
        return carry

    lax.fori_loop(0, STRIPE // 16, _zero, 0)
    pltpu.sync_copy(st_v, acc_sh.at[pl.ds(s * STRIPE, STRIPE)])
    cpd.wait()
    plsc.subcore_barrier()

    def _scatter(g, carry):
        for b in range(4):
            ch = g * 4 + b

            @pl.when(ch - 4 >= 0)
            def _():
                pltpu.make_async_copy(
                    ones_v, acc_sh.at[dst_v.at[ch - 4]], ss[b]).wait()

            pltpu.async_copy(ones_v, acc_sh.at[dst_v.at[ch]], ss[b], add=True)
        return carry

    lax.fori_loop(0, CHUNKS2 // 4, _scatter, 0)
    for b in range(4):
        ch = CHUNKS2 - 4 + b
        pltpu.make_async_copy(ones_v, acc_sh.at[dst_v.at[ch]], ss[b]).wait()
    plsc.subcore_barrier()
    pltpu.sync_copy(acc_sh.at[pl.ds(s * STRIPE, STRIPE)], st_v)
    pltpu.sync_copy(st_v, out_hbm.at[c, pl.ds(s * STRIPE, STRIPE)])


def _unpack_idx(wv, row, colbase, out_v):
    for j in range(4):
        w16 = wv[row, pl.ds(colbase + j * 16, 16)]
        out_v[pl.ds(j * 16, 16)] = w16 & 0xFFFF
        out_v[pl.ds(64 + j * 16, 16)] = lax.shift_right_logical(w16, 16)


@functools.partial(
    pl.kernel,
    out_type=jax.ShapeDtypeStruct((2, NP, 128), jnp.float32),
    mesh=_mesh,
    scratch_types=[
        pltpu.VMEM((CHUNKS2 // 2, 128), jnp.int32),
        pltpu.VMEM((CHUNKS2 // 2, 128), jnp.int32),
        pltpu.VMEM((128,), jnp.int32),
        pltpu.VMEM((128,), jnp.int32),
        pltpu.VMEM((128,), jnp.int32),
        pltpu.VMEM((128,), jnp.int32),
        pltpu.VMEM((128, 128), jnp.float32),
        pltpu.VMEM((128, 128), jnp.float32),
        pltpu.VMEM_SHARED((NP, 128), jnp.float32),
        pltpu.SemaphoreType.DMA,
        pltpu.SemaphoreType.DMA,
        pltpu.SemaphoreType.DMA,
        pltpu.SemaphoreType.DMA,
    ],
)
def _sc_row_agg(srcw_hbm, dstw_hbm, y_hbm, out_hbm,
                srcw_v, dstw_v, sidx0, sidx1, didx0, didx1,
                buf0, buf1, acc_sh, gsem0, gsem1, ssem0, ssem1):
    c = lax.axis_index("c")
    s = lax.axis_index("s")
    tile = c * 16 + s
    nrows = CHUNKS2 // 2
    cps = pltpu.async_copy(
        srcw_hbm.at[pl.ds(tile * nrows, nrows)], srcw_v, ssem0)
    cpd = pltpu.async_copy(
        dstw_hbm.at[pl.ds(tile * nrows, nrows)], dstw_v, ssem1)

    bufs = (buf0, buf1)
    gsem = (gsem0, gsem1)
    sidx = (sidx0, sidx1)
    didx = (didx0, didx1)
    cps.wait()
    _unpack_idx(srcw_v, 0, 64, sidx[1])
    pltpu.async_copy(y_hbm.at[sidx[1]], bufs[1], gsem[1])

    zero16 = jnp.zeros((16,), jnp.float32)

    def _zero(i, carry):
        for k in range(8):
            buf0[i, pl.ds(k * 16, 16)] = zero16
        return carry

    lax.fori_loop(0, 128, _zero, 0)
    zcps = [
        pltpu.async_copy(
            buf0, acc_sh.at[pl.ds(s * STRIPE + k * 128, 128)], gsem0)
        for k in range(STRIPE // 128)
    ]
    for cp in zcps:
        cp.wait()
    cpd.wait()
    plsc.subcore_barrier()

    _unpack_idx(srcw_v, 0, 0, sidx[0])
    pltpu.async_copy(y_hbm.at[sidx[0]], bufs[0], gsem[0])

    def _body(g, carry):
        for b in range(2):
            ch = g * 2 + b
            pltpu.make_async_copy(y_hbm.at[sidx[b]], bufs[b], gsem[b]).wait()
            _unpack_idx(dstw_v, g, b * 64, didx[b])
            pltpu.sync_copy(bufs[b], acc_sh.at[didx[b]], add=True)

            @pl.when(ch + 2 < CHUNKS2)
            def _():
                _unpack_idx(srcw_v, g + 1, b * 64, sidx[b])
                pltpu.async_copy(y_hbm.at[sidx[b]], bufs[b], gsem[b])
        return carry

    lax.fori_loop(0, CHUNKS2 // 2, _body, 0)
    plsc.subcore_barrier()
    pltpu.sync_copy(acc_sh.at[pl.ds(s * STRIPE, 128)], buf0)
    for k in range(STRIPE // 128):
        bb = bufs[k % 2]
        cp = pltpu.async_copy(
            bb, out_hbm.at[c, pl.ds(s * STRIPE + k * 128, 128)], gsem[k % 2])
        if k + 1 < STRIPE // 128:
            pltpu.sync_copy(
                acc_sh.at[pl.ds(s * STRIPE + (k + 1) * 128, 128)],
                bufs[(k + 1) % 2])
        cp.wait()


@functools.partial(
    pl.kernel,
    out_type=jax.ShapeDtypeStruct((NP,), jnp.float32),
    mesh=_mesh,
    scratch_types=[
        pltpu.VMEM((CHUNKS1, 128), jnp.int32),
        pltpu.VMEM((CHUNKS1, 128), jnp.int32),
        pltpu.VMEM((128,), jnp.float32),
        pltpu.VMEM((128,), jnp.float32),
        pltpu.VMEM((128,), jnp.float32),
        pltpu.VMEM((128,), jnp.float32),
        pltpu.VMEM((STRIPE,), jnp.float32),
        pltpu.VMEM((STRIPE,), jnp.float32),
        pltpu.VMEM((STRIPE,), jnp.float32),
        pltpu.VMEM((STRIPE,), jnp.float32),
        pltpu.VMEM((16,), jnp.float32),
        pltpu.VMEM_SHARED((NP,), jnp.float32),
        pltpu.VMEM_SHARED((NP,), jnp.float32),
        [pltpu.SemaphoreType.DMA] * 4,
        [pltpu.SemaphoreType.DMA] * 4,
    ],
)
def _sc_scalar_agg(src_hbm, dst_hbm, t_hbm, dis_hbm, b2_hbm, out_hbm,
                   src_v, dst_v, vals0, vals1, vals2, vals3, av, dv, tv, ov,
                   b2_v, t_sh, acc_sh, gs, ss):
    c = lax.axis_index("c")
    s = lax.axis_index("s")

    @pl.when(c == 0)
    def _():
        cps = pltpu.async_copy(
            src_hbm.at[pl.ds(s * CHUNKS1, CHUNKS1)], src_v, gs[0])
        cpd = pltpu.async_copy(
            dst_hbm.at[pl.ds(s * CHUNKS1, CHUNKS1)], dst_v, gs[1])
        cpt = pltpu.async_copy(t_hbm.at[pl.ds(s * STRIPE, STRIPE)], tv, gs[2])
        pltpu.sync_copy(b2_hbm, b2_v)
        zero16 = jnp.zeros((16,), jnp.float32)

        def _zero(i, carry):
            av[pl.ds(i * 16, 16)] = zero16
            return carry

        lax.fori_loop(0, STRIPE // 16, _zero, 0)
        cpt.wait()
        pltpu.sync_copy(tv, t_sh.at[pl.ds(s * STRIPE, STRIPE)])
        pltpu.sync_copy(av, acc_sh.at[pl.ds(s * STRIPE, STRIPE)])
        cps.wait()
        cpd.wait()
        plsc.subcore_barrier()

        vals = (vals0, vals1, vals2, vals3)
        for b in range(2):
            pltpu.async_copy(t_sh.at[src_v.at[b]], vals[b], gs[b])

        def _scatter(g, carry):
            for b in range(4):
                ch = g * 4 + b
                pltpu.make_async_copy(
                    t_sh.at[src_v.at[ch]], vals[b], gs[b]).wait()
                pltpu.async_copy(
                    vals[b], acc_sh.at[dst_v.at[ch]], ss[b], add=True)
                b2ago = (b - 2) % 4

                @pl.when(ch - 2 >= 0)
                def _():
                    pltpu.make_async_copy(
                        vals[b2ago], acc_sh.at[dst_v.at[ch - 2]],
                        ss[b2ago]).wait()

                @pl.when(ch + 2 < CHUNKS1)
                def _():
                    pltpu.async_copy(
                        t_sh.at[src_v.at[ch + 2]], vals[b2ago], gs[b2ago])
            return carry

        lax.fori_loop(0, CHUNKS1 // 4, _scatter, 0)
        pltpu.make_async_copy(
            vals[2], acc_sh.at[dst_v.at[CHUNKS1 - 2]], ss[2]).wait()
        pltpu.make_async_copy(
            vals[3], acc_sh.at[dst_v.at[CHUNKS1 - 1]], ss[3]).wait()
        plsc.subcore_barrier()
        pltpu.sync_copy(acc_sh.at[pl.ds(s * STRIPE, STRIPE)], av)
        pltpu.sync_copy(dis_hbm.at[pl.ds(s * STRIPE, STRIPE)], dv)
        b2r = b2_v[...]

        def _combine(i, carry):
            a16 = av[pl.ds(i * 16, 16)]
            d16 = dv[pl.ds(i * 16, 16)]
            t16 = tv[pl.ds(i * 16, 16)]
            ov[pl.ds(i * 16, 16)] = d16 * (a16 + t16) + b2r
            return carry

        lax.fori_loop(0, STRIPE // 16, _combine, 0)
        pltpu.sync_copy(ov, out_hbm.at[pl.ds(s * STRIPE, STRIPE)])


def _tc1_body(x_ref, w_ref, dg_ref, y_ref, dis_ref):
    deg = 1.0 + dg_ref[:, 0:1] + dg_ref[:, 1:2]
    dis = lax.rsqrt(deg)
    xw = jnp.dot(x_ref[...], w_ref[...], preferred_element_type=jnp.float32)
    y_ref[...] = xw * dis
    dis_ref[...] = dis


def _tc1(xp, W1, degp_t):
    blk = 1024
    grid = NP // blk
    return pl.pallas_call(
        _tc1_body,
        grid=(grid,),
        in_specs=[
            pl.BlockSpec((blk, 128), lambda i: (i, 0)),
            pl.BlockSpec((128, 128), lambda i: (0, 0)),
            pl.BlockSpec((blk, 2), lambda i: (i, 0)),
        ],
        out_specs=[
            pl.BlockSpec((blk, 128), lambda i: (i, 0)),
            pl.BlockSpec((blk, 1), lambda i: (i, 0)),
        ],
        out_shape=[
            jax.ShapeDtypeStruct((NP, 128), jnp.float32),
            jax.ShapeDtypeStruct((NP, 1), jnp.float32),
        ],
    )(xp, W1, degp_t)


def _tc2_body(ap_ref, y_ref, dis_ref, b1_ref, w2_ref, t_ref):
    agg = ap_ref[0] + ap_ref[1] + y_ref[...]
    h = jnp.maximum(agg * dis_ref[...] + b1_ref[...], 0.0)
    srow = jnp.sum(h * w2_ref[...], axis=1, keepdims=True)
    t_ref[...] = srow * dis_ref[...]


def _tc2(aggp, y, dis, b1r, w2r):
    blk = 1024
    grid = NP // blk
    return pl.pallas_call(
        _tc2_body,
        grid=(grid,),
        in_specs=[
            pl.BlockSpec((2, blk, 128), lambda i: (0, i, 0)),
            pl.BlockSpec((blk, 128), lambda i: (i, 0)),
            pl.BlockSpec((blk, 1), lambda i: (i, 0)),
            pl.BlockSpec((1, 128), lambda i: (0, 0)),
            pl.BlockSpec((1, 128), lambda i: (0, 0)),
        ],
        out_specs=pl.BlockSpec((blk, 1), lambda i: (i, 0)),
        out_shape=jax.ShapeDtypeStruct((NP, 1), jnp.float32),
    )(aggp, y, dis, b1r, w2r)


def _pack2x16(idx2d):
    w = idx2d[:, :64] | (idx2d[:, 64:] << 16)
    return w.reshape(EROWS // 2, 128)


@jax.jit
def kernel(x, edge_index, W1, b1, W2, b2):
    pad = (jnp.arange(EP - E, dtype=jnp.int32) % (NP - N)) + N
    srcp = jnp.concatenate([edge_index[0], pad]).reshape(EROWS, 128)
    dstp = jnp.concatenate([edge_index[1], pad]).reshape(EROWS, 128)
    srcw = _pack2x16(srcp)
    dstw = _pack2x16(dstp)
    xp = jnp.pad(x, ((0, NP - N), (0, 0)))

    degp = _sc_degree(dstp)
    y, dis = _tc1(xp, W1, jnp.transpose(degp))
    aggp = _sc_row_agg(srcw, dstw, y)
    t = _tc2(aggp, y, dis, b1.reshape(1, 128), W2.reshape(1, 128))
    out_full = _sc_scalar_agg(
        srcp, dstp, t.reshape(-1), dis.reshape(-1),
        jnp.broadcast_to(b2, (16,)))
    return out_full[:N]

# --- scband reference (transcript-rebuilt; emitter-appended) ---
"""Pipeline reference for scband-gcn-33346126086443 (READ-ONLY COPY).

The authoritative reference and input builder live on the scoring server;
editing this copy changes nothing except your own understanding.
"""

import jax, jax.numpy as jnp
import numpy as np

N_NODES = 10000
N_EDGES = 320000
D_IN = 128
D_H = 128


def gcn_conv(x, edge_index, W, b):
    # Faithful to torch_geometric.nn.GCNConv defaults:
    # add self-loops, symmetric D^{-1/2} (A+I) D^{-1/2} normalization,
    # linear transform, scatter-add aggregation to dst, then bias.
    N = x.shape[0]
    loops = jnp.arange(N, dtype=edge_index.dtype)
    src = jnp.concatenate([edge_index[0], loops])
    dst = jnp.concatenate([edge_index[1], loops])
    deg = jnp.zeros((N,), dtype=x.dtype).at[dst].add(1.0)
    deg_inv_sqrt = jnp.where(deg > 0, 1.0 / jnp.sqrt(deg), 0.0)
    norm = deg_inv_sqrt[src] * deg_inv_sqrt[dst]
    xw = x @ W
    msg = xw[src] * norm[:, None]
    out = jnp.zeros((N, W.shape[1]), dtype=x.dtype).at[dst].add(msg)
    return out + b


def setup_inputs(seed: int = 0) -> dict:
    key = jax.random.key(seed)
    ks = jax.random.split(key, 6)
    x = jax.random.normal(ks[0], (N_NODES, D_IN), dtype=jnp.float32)
    edge_index = jax.random.randint(ks[1], (2, N_EDGES), 0, N_NODES, dtype=jnp.int32)
    # GCNConv params (glorot-like init scale)
    W1 = jax.random.normal(ks[2], (D_IN, D_H), dtype=jnp.float32) * (1.0 / np.sqrt(D_IN))
    b1 = jnp.zeros((D_H,), dtype=jnp.float32)
    W2 = jax.random.normal(ks[3], (D_H, 1), dtype=jnp.float32) * (1.0 / np.sqrt(D_H))
    b2 = jnp.zeros((1,), dtype=jnp.float32)
    return {"x": x, "edge_index": edge_index, "W1": W1, "b1": b1, "W2": W2, "b2": b2}


def reference(x, edge_index, W1, b1, W2, b2):
    # eval mode: dropout is identity
    h = jax.nn.relu(gcn_conv(x, edge_index, W1, b1))
    out = gcn_conv(h, edge_index, W2, b2).reshape(-1)
    return out

if __name__ == "__main__":
    import jax
    _d = setup_inputs()
    print(jax.jit(kernel)(*tuple(_d.values())))

</pallas_src>

<mosaic_0001>
#map = affine_map<(d0, d1) -> (0, 0)>
module attributes {stable_mosaic.version = 14 : i64} {
  func.func @_sc_degree(%arg0: i32, %arg1: i32, %arg2: memref<2560x128xi32, #tpu.memory_space<hbm>>, %arg3: memref<2x10240xf32, #tpu.memory_space<hbm>>, %arg4: memref<80x128xi32, #tpu.memory_space<vmem>>, %arg5: memref<128xf32, #tpu.memory_space<vmem>>, %arg6: memref<640xf32, #tpu.memory_space<vmem>>, %arg7: memref<10240xf32, #tpu.memory_space<vmem_shared>>, %arg8: memref<!tpu.dma_semaphore, #tpu.memory_space<semaphore_mem>>, %arg9: memref<!tpu.dma_semaphore, #tpu.memory_space<semaphore_mem>>, %arg10: memref<!tpu.dma_semaphore, #tpu.memory_space<semaphore_mem>>, %arg11: memref<!tpu.dma_semaphore, #tpu.memory_space<semaphore_mem>>) attributes {dimension_semantics = [#tpu.dimension_semantics<core_parallel>, #tpu.dimension_semantics<subcore_parallel>], iteration_bounds = array<i64: 2, 16>, scalar_prefetch = 0 : i64, scratch_operands = 8 : i64, tpu.core_type = #tpu.core_type<sc_vector_subcore>, window_params = [{transform_indices = #map}, {transform_indices = #map}]} {
    %mul3A = arith.constant 16 : i32
    %mul3A_0 = arith.muli %arg0, %mul3A : i32
    %add3A = arith.addi %mul3A_0, %arg1 : i32
    %mul3A_1 = arith.constant 80 : i32
    %mul3A_2 = arith.muli %add3A, %mul3A_1 : i32
    %dma_start3A = arith.constant 0 : i32
    %dma_start3A_3 = tpu.memref_slice %arg2[%mul3A_2, %dma_start3A] : memref<2560x128xi32, #tpu.memory_space<hbm>> -> memref<80x128xi32, #tpu.memory_space<hbm>>
    %dma_start3A_4 = arith.constant 0 : i32
    %dma_start3A_5 = tpu.memref_slice %arg2[%mul3A_2, %dma_start3A_4] : memref<2560x128xi32, #tpu.memory_space<hbm>> -> memref<80x128xi32, #tpu.memory_space<hbm>>
    tpu.enqueue_dma source(%dma_start3A_5 : memref<80x128xi32, #tpu.memory_space<hbm>>) target(%arg4 : memref<80x128xi32, #tpu.memory_space<vmem>>) target_semaphore(%arg8 : memref<!tpu.dma_semaphore, #tpu.memory_space<semaphore_mem>>)
    %broadcast_in_dim3A = arith.constant 1.000000e+00 : f32
    %broadcast_in_dim3A_6 = vector.broadcast %broadcast_in_dim3A : f32 to vector<16xf32>
    %broadcast_in_dim3A_7 = arith.constant 0.000000e+00 : f32
    %broadcast_in_dim3A_8 = vector.broadcast %broadcast_in_dim3A_7 : f32 to vector<16xf32>
    %swap3A = arith.constant 0 : index
    %swap3A_9 = tpu.vector_load %arg5[%swap3A] {strides = array<i32>} : memref<128xf32, #tpu.memory_space<vmem>>, vector<16xf32>,
    %swap3A_10 = vector.shape_cast %swap3A_9 : vector<16xf32> to vector<16xf32>
    %swap3A_11 = vector.shape_cast %broadcast_in_dim3A_6 : vector<16xf32> to vector<16xf32>
    tpu.vector_store %arg5[%swap3A], %swap3A_11 {strides = array<i32>} : memref<128xf32, #tpu.memory_space<vmem>>, vector<16xf32>,
    %swap3A_12 = arith.constant 16 : index
    %swap3A_13 = tpu.vector_load %arg5[%swap3A_12] {strides = array<i32>} : memref<128xf32, #tpu.memory_space<vmem>>, vector<16xf32>,
    %swap3A_14 = vector.shape_cast %swap3A_13 : vector<16xf32> to vector<16xf32>
    %swap3A_15 = vector.shape_cast %broadcast_in_dim3A_6 : vector<16xf32> to vector<16xf32>
    tpu.vector_store %arg5[%swap3A_12], %swap3A_15 {strides = array<i32>} : memref<128xf32, #tpu.memory_space<vmem>>, vector<16xf32>,
    %swap3A_16 = arith.constant 32 : index
    %swap3A_17 = tpu.vector_load %arg5[%swap3A_16] {strides = array<i32>} : memref<128xf32, #tpu.memory_space<vmem>>, vector<16xf32>,
    %swap3A_18 = vector.shape_cast %swap3A_17 : vector<16xf32> to vector<16xf32>
    %swap3A_19 = vector.shape_cast %broadcast_in_dim3A_6 : vector<16xf32> to vector<16xf32>
    tpu.vector_store %arg5[%swap3A_16], %swap3A_19 {strides = array<i32>} : memref<128xf32, #tpu.memory_space<vmem>>, vector<16xf32>,
    %swap3A_20 = arith.constant 48 : index
    %swap3A_21 = tpu.vector_load %arg5[%swap3A_20] {strides = array<i32>} : memref<128xf32, #tpu.memory_space<vmem>>, vector<16xf32>,
    %swap3A_22 = vector.shape_cast %swap3A_21 : vector<16xf32> to vector<16xf32>
    %swap3A_23 = vector.shape_cast %broadcast_in_dim3A_6 : vector<16xf32> to vector<16xf32>
    tpu.vector_store %arg5[%swap3A_20], %swap3A_23 {strides = array<i32>} : memref<128xf32, #tpu.memory_space<vmem>>, vector<16xf32>,
    %swap3A_24 = arith.constant 64 : index
    %swap3A_25 = tpu.vector_load %arg5[%swap3A_24] {strides = array<i32>} : memref<128xf32, #tpu.memory_space<vmem>>, vector<16xf32>,
    %swap3A_26 = vector.shape_cast %swap3A_25 : vector<16xf32> to vector<16xf32>
    %swap3A_27 = vector.shape_cast %broadcast_in_dim3A_6 : vector<16xf32> to vector<16xf32>
    tpu.vector_store %arg5[%swap3A_24], %swap3A_27 {strides = array<i32>} : memref<128xf32, #tpu.memory_space<vmem>>, vector<16xf32>,
    %swap3A_28 = arith.constant 80 : index
    %swap3A_29 = tpu.vector_load %arg5[%swap3A_28] {strides = array<i32>} : memref<128xf32, #tpu.memory_space<vmem>>, vector<16xf32>,
    %swap3A_30 = vector.shape_cast %swap3A_29 : vector<16xf32> to vector<16xf32>
    %swap3A_31 = vector.shape_cast %broadcast_in_dim3A_6 : vector<16xf32> to vector<16xf32>
    tpu.vector_store %arg5[%swap3A_28], %swap3A_31 {strides = array<i32>} : memref<128xf32, #tpu.memory_space<vmem>>, vector<16xf32>,
    %swap3A_32 = arith.constant 96 : index
    %swap3A_33 = tpu.vector_load %arg5[%swap3A_32] {strides = array<i32>} : memref<128xf32, #tpu.memory_space<vmem>>, vector<16xf32>,
    %swap3A_34 = vector.shape_cast %swap3A_33 : vector<16xf32> to vector<16xf32>
    %swap3A_35 = vector.shape_cast %broadcast_in_dim3A_6 : vector<16xf32> to vector<16xf32>
    tpu.vector_store %arg5[%swap3A_32], %swap3A_35 {strides = array<i32>} : memref<128xf32, #tpu.memory_space<vmem>>, vector<16xf32>,
    %swap3A_36 = arith.constant 112 : index
    %swap3A_37 = tpu.vector_load %arg5[%swap3A_36] {strides = array<i32>} : memref<128xf32, #tpu.memory_space<vmem>>, vector<16xf32>,
    %swap3A_38 = vector.shape_cast %swap3A_37 : vector<16xf32> to vector<16xf32>
    %swap3A_39 = vector.shape_cast %broadcast_in_dim3A_6 : vector<16xf32> to vector<16xf32>
    tpu.vector_store %arg5[%swap3A_36], %swap3A_39 {strides = array<i32>} : memref<128xf32, #tpu.memory_space<vmem>>, vector<16xf32>,
    %scan3A = arith.constant 0 : i32
    %scan3A_40 = arith.constant 0 : i32
    %scan3A_41 = arith.constant 40 : i32
    %scan3A_42 = arith.addi %scan3A_40, %scan3A_41 : i32
    %scan3A_43 = arith.constant 1 : i32
    scf.for %scan3A_85 = %scan3A_40 to %scan3A_42 step %scan3A_43  : i32 {
      %mul3A_86 = arith.constant 16 : i32
      %mul3A_87 = arith.muli %scan3A_85, %mul3A_86 : i32
      %swap3A_88 = arith.index_cast %mul3A_87 : i32 to index
      %swap3A_89 = tpu.vector_load %arg6[%swap3A_88] {strides = array<i32>} : memref<640xf32, #tpu.memory_space<vmem>>, vector<16xf32>,
      %swap3A_90 = vector.shape_cast %swap3A_89 : vector<16xf32> to vector<16xf32>
      %swap3A_91 = vector.shape_cast %broadcast_in_dim3A_8 : vector<16xf32> to vector<16xf32>
      tpu.vector_store %arg6[%swap3A_88], %swap3A_91 {strides = array<i32>} : memref<640xf32, #tpu.memory_space<vmem>>, vector<16xf32>,
    }
    %scan3A_44 = arith.constant 40 : i32
    %mul3A_45 = arith.constant 640 : i32
    %mul3A_46 = arith.muli %arg1, %mul3A_45 : i32
    "tpu.region"() ({
      %run_scoped3A = tpu.sem_alloc : memref<!tpu.dma_semaphore, #tpu.memory_space<semaphore_mem>>
      %dma_start3A_85 = tpu.memref_slice %arg7[%mul3A_46] : memref<10240xf32, #tpu.memory_space<vmem_shared>> -> memref<640xf32, #tpu.memory_space<vmem_shared>>
      %dma_start3A_86 = tpu.memref_slice %arg7[%mul3A_46] : memref<10240xf32, #tpu.memory_space<vmem_shared>> -> memref<640xf32, #tpu.memory_space<vmem_shared>>
      tpu.enqueue_dma source(%arg6 : memref<640xf32, #tpu.memory_space<vmem>>) target(%dma_start3A_86 : memref<640xf32, #tpu.memory_space<vmem_shared>>) target_semaphore(%run_scoped3A : memref<!tpu.dma_semaphore, #tpu.memory_space<semaphore_mem>>)
      %dma_wait3A_87 = tpu.memref_slice %arg7[%mul3A_46] : memref<10240xf32, #tpu.memory_space<vmem_shared>> -> memref<640xf32, #tpu.memory_space<vmem_shared>>
      %dma_wait3A_88 = tpu.memref_slice %arg7[%mul3A_46] : memref<10240xf32, #tpu.memory_space<vmem_shared>> -> memref<640xf32, #tpu.memory_space<vmem_shared>>
      tpu.wait_dma2 semaphore(%run_scoped3A : memref<!tpu.dma_semaphore, #tpu.memory_space<semaphore_mem>>) src(%arg6 : memref<640xf32, #tpu.memory_space<vmem>>) dst(%dma_wait3A_88 : memref<640xf32, #tpu.memory_space<vmem_shared>>)
      tpu.yield
    }) : () -> ()
    %dma_wait3A = arith.constant 0 : i32
    %dma_wait3A_47 = tpu.memref_slice %arg2[%mul3A_2, %dma_wait3A] : memref<2560x128xi32, #tpu.memory_space<hbm>> -> memref<80x128xi32, #tpu.memory_space<hbm>>
    %dma_wait3A_48 = arith.constant 0 : i32
    %dma_wait3A_49 = tpu.memref_slice %arg2[%mul3A_2, %dma_wait3A_48] : memref<2560x128xi32, #tpu.memory_space<hbm>> -> memref<80x128xi32, #tpu.memory_space<hbm>>
    tpu.wait_dma2 semaphore(%arg8 : memref<!tpu.dma_semaphore, #tpu.memory_space<semaphore_mem>>) src(%dma_wait3A_49 : memref<80x128xi32, #tpu.memory_space<hbm>>) dst(%arg4 : memref<80x128xi32, #tpu.memory_space<vmem>>)
    %barrier3A = arith.constant 0 : index
    tpu.barrier barrier_id(%barrier3A)
    %scan3A_50 = arith.constant 0 : i32
    %scan3A_51 = arith.constant 0 : i32
    %scan3A_52 = arith.constant 20 : i32
    %scan3A_53 = arith.addi %scan3A_51, %scan3A_52 : i32
    %scan3A_54 = arith.constant 1 : i32
    scf.for %scan3A_85 = %scan3A_51 to %scan3A_53 step %scan3A_54  : i32 {
      %mul3A_86 = arith.constant 4 : i32
      %mul3A_87 = arith.muli %scan3A_85, %mul3A_86 : i32
      %add3A_88 = arith.constant 0 : i32
      %add3A_89 = arith.addi %mul3A_87, %add3A_88 : i32
      %sub3A = arith.constant 4 : i32
      %sub3A_90 = arith.subi %add3A_89, %sub3A : i32
      %ge3A = arith.constant 0 : i32
      %ge3A_91 = arith.cmpi sge, %sub3A_90, %ge3A : i32
      %convert_element_type3A = arith.extui %ge3A_91 : i1 to i32
      %cond3A = arith.constant 0 : i32
      %cond3A_92 = arith.cmpi ne, %convert_element_type3A, %cond3A : i32
      scf.if %cond3A_92 {
        %sub3A_146 = arith.constant 4 : i32
        %sub3A_147 = arith.subi %add3A_89, %sub3A_146 : i32
        %dma_wait3A_148 = arith.constant 0 : i32
        %dma_wait3A_149 = tpu.memref_slice %arg4[%sub3A_147, %dma_wait3A_148] : memref<80x128xi32, #tpu.memory_space<vmem>> -> memref<1x128xi32, #tpu.memory_space<vmem>>
        %dma_wait3A_150 = tpu.memref_squeeze %dma_wait3A_149 : memref<1x128xi32, #tpu.memory_space<vmem>> -> memref<128xi32, #tpu.memory_space<vmem>>
        %dma_wait3A_151 = arith.constant 0 : i32
        %dma_wait3A_152 = tpu.memref_slice %arg7[%dma_wait3A_151] : memref<10240xf32, #tpu.memory_space<vmem_shared>> -> memref<10240xf32, #tpu.memory_space<vmem_shared>>
        tpu.wait_indirect_dma semaphore(%arg8 : memref<!tpu.dma_semaphore, #tpu.memory_space<semaphore_mem>>) src(%arg5 : memref<128xf32, #tpu.memory_space<vmem>>) dst(%dma_wait3A_152 : memref<10240xf32, #tpu.memory_space<vmem_shared>>)
      } else {
      }
      %dma_start3A_93 = arith.constant 0 : i32
      %dma_start3A_94 = tpu.memref_slice %arg4[%add3A_89, %dma_start3A_93] : memref<80x128xi32, #tpu.memory_space<vmem>> -> memref<1x128xi32, #tpu.memory_space<vmem>>
      %dma_start3A_95 = tpu.memref_squeeze %dma_start3A_94 : memref<1x128xi32, #tpu.memory_space<vmem>> -> memref<128xi32, #tpu.memory_space<vmem>>
      %dma_start3A_96 = arith.constant 0 : i32
      %dma_start3A_97 = tpu.memref_slice %arg7[%dma_start3A_96] : memref<10240xf32, #tpu.memory_space<vmem_shared>> -> memref<10240xf32, #tpu.memory_space<vmem_shared>>
      tpu.enqueue_indirect_dma source(%arg5 : memref<128xf32, #tpu.memory_space<vmem>>) target(%dma_start3A_97 : memref<10240xf32, #tpu.memory_space<vmem_shared>>) offsets(%dma_start3A_95 : memref<128xi32, #tpu.memory_space<vmem>>) semaphore(%arg8 : memref<!tpu.dma_semaphore, #tpu.memory_space<semaphore_mem>>) {add = true}
      %mul3A_98 = arith.constant 4 : i32
      %mul3A_99 = arith.muli %scan3A_85, %mul3A_98 : i32
      %add3A_100 = arith.constant 1 : i32
      %add3A_101 = arith.addi %mul3A_99, %add3A_100 : i32
      %sub3A_102 = arith.constant 4 : i32
      %sub3A_103 = arith.subi %add3A_101, %sub3A_102 : i32
      %ge3A_104 = arith.constant 0 : i32
      %ge3A_105 = arith.cmpi sge, %sub3A_103, %ge3A_104 : i32
      %convert_element_type3A_106 = arith.extui %ge3A_105 : i1 to i32
      %cond3A_107 = arith.constant 0 : i32
      %cond3A_108 = arith.cmpi ne, %convert_element_type3A_106, %cond3A_107 : i32
      scf.if %cond3A_108 {
        %sub3A_146 = arith.constant 4 : i32
        %sub3A_147 = arith.subi %add3A_101, %sub3A_146 : i32
        %dma_wait3A_148 = arith.constant 0 : i32
        %dma_wait3A_149 = tpu.memref_slice %arg4[%sub3A_147, %dma_wait3A_148] : memref<80x128xi32, #tpu.memory_space<vmem>> -> memref<1x128xi32, #tpu.memory_space<vmem>>
        %dma_wait3A_150 = tpu.memref_squeeze %dma_wait3A_149 : memref<1x128xi32, #tpu.memory_space<vmem>> -> memref<128xi32, #tpu.memory_space<vmem>>
        %dma_wait3A_151 = arith.constant 0 : i32
        %dma_wait3A_152 = tpu.memref_slice %arg7[%dma_wait3A_151] : memref<10240xf32, #tpu.memory_space<vmem_shared>> -> memref<10240xf32, #tpu.memory_space<vmem_shared>>
        tpu.wait_indirect_dma semaphore(%arg9 : memref<!tpu.dma_semaphore, #tpu.memory_space<semaphore_mem>>) src(%arg5 : memref<128xf32, #tpu.memory_space<vmem>>) dst(%dma_wait3A_152 : memref<10240xf32, #tpu.memory_space<vmem_shared>>)
      } else {
      }
      %dma_start3A_109 = arith.constant 0 : i32
      %dma_start3A_110 = tpu.memref_slice %arg4[%add3A_101, %dma_start3A_109] : memref<80x128xi32, #tpu.memory_space<vmem>> -> memref<1x128xi32, #tpu.memory_space<vmem>>
      %dma_start3A_111 = tpu.memref_squeeze %dma_start3A_110 : memref<1x128xi32, #tpu.memory_space<vmem>> -> memref<128xi32, #tpu.memory_space<vmem>>
      %dma_start3A_112 = arith.constant 0 : i32
      %dma_start3A_113 = tpu.memref_slice %arg7[%dma_start3A_112] : memref<10240xf32, #tpu.memory_space<vmem_shared>> -> memref<10240xf32, #tpu.memory_space<vmem_shared>>
      tpu.enqueue_indirect_dma source(%arg5 : memref<128xf32, #tpu.memory_space<vmem>>) target(%dma_start3A_113 : memref<10240xf32, #tpu.memory_space<vmem_shared>>) offsets(%dma_start3A_111 : memref<128xi32, #tpu.memory_space<vmem>>) semaphore(%arg9 : memref<!tpu.dma_semaphore, #tpu.memory_space<semaphore_mem>>) {add = true}
      %mul3A_114 = arith.constant 4 : i32
      %mul3A_115 = arith.muli %scan3A_85, %mul3A_114 : i32
      %add3A_116 = arith.constant 2 : i32
      %add3A_117 = arith.addi %mul3A_115, %add3A_116 : i32
      %sub3A_118 = arith.constant 4 : i32
      %sub3A_119 = arith.subi %add3A_117, %sub3A_118 : i32
      %ge3A_120 = arith.constant 0 : i32
      %ge3A_121 = arith.cmpi sge, %sub3A_119, %ge3A_120 : i32
      %convert_element_type3A_122 = arith.extui %ge3A_121 : i1 to i32
      %cond3A_123 = arith.constant 0 : i32
      %cond3A_124 = arith.cmpi ne, %convert_element_type3A_122, %cond3A_123 : i32
      scf.if %cond3A_124 {
        %sub3A_146 = arith.constant 4 : i32
        %sub3A_147 = arith.subi %add3A_117, %sub3A_146 : i32
        %dma_wait3A_148 = arith.constant 0 : i32
        %dma_wait3A_149 = tpu.memref_slice %arg4[%sub3A_147, %dma_wait3A_148] : memref<80x128xi32, #tpu.memory_space<vmem>> -> memref<1x128xi32, #tpu.memory_space<vmem>>
        %dma_wait3A_150 = tpu.memref_squeeze %dma_wait3A_149 : memref<1x128xi32, #tpu.memory_space<vmem>> -> memref<128xi32, #tpu.memory_space<vmem>>
        %dma_wait3A_151 = arith.constant 0 : i32
        %dma_wait3A_152 = tpu.memref_slice %arg7[%dma_wait3A_151] : memref<10240xf32, #tpu.memory_space<vmem_shared>> -> memref<10240xf32, #tpu.memory_space<vmem_shared>>
        tpu.wait_indirect_dma semaphore(%arg10 : memref<!tpu.dma_semaphore, #tpu.memory_space<semaphore_mem>>) src(%arg5 : memref<128xf32, #tpu.memory_space<vmem>>) dst(%dma_wait3A_152 : memref<10240xf32, #tpu.memory_space<vmem_shared>>)
      } else {
      }
      %dma_start3A_125 = arith.constant 0 : i32
      %dma_start3A_126 = tpu.memref_slice %arg4[%add3A_117, %dma_start3A_125] : memref<80x128xi32, #tpu.memory_space<vmem>> -> memref<1x128xi32, #tpu.memory_space<vmem>>
      %dma_start3A_127 = tpu.memref_squeeze %dma_start3A_126 : memref<1x128xi32, #tpu.memory_space<vmem>> -> memref<128xi32, #tpu.memory_space<vmem>>
      %dma_start3A_128 = arith.constant 0 : i32
      %dma_start3A_129 = tpu.memref_slice %arg7[%dma_start3A_128] : memref<10240xf32, #tpu.memory_space<vmem_shared>> -> memref<10240xf32, #tpu.memory_space<vmem_shared>>
      tpu.enqueue_indirect_dma source(%arg5 : memref<128xf32, #tpu.memory_space<vmem>>) target(%dma_start3A_129 : memref<10240xf32, #tpu.memory_space<vmem_shared>>) offsets(%dma_start3A_127 : memref<128xi32, #tpu.memory_space<vmem>>) semaphore(%arg10 : memref<!tpu.dma_semaphore, #tpu.memory_space<semaphore_mem>>) {add = true}
      %mul3A_130 = arith.constant 4 : i32
      %mul3A_131 = arith.muli %scan3A_85, %mul3A_130 : i32
      %add3A_132 = arith.constant 3 : i32
      %add3A_133 = arith.addi %mul3A_131, %add3A_132 : i32
      %sub3A_134 = arith.constant 4 : i32
      %sub3A_135 = arith.subi %add3A_133, %sub3A_134 : i32
      %ge3A_136 = arith.constant 0 : i32
      %ge3A_137 = arith.cmpi sge, %sub3A_135, %ge3A_136 : i32
      %convert_element_type3A_138 = arith.extui %ge3A_137 : i1 to i32
      %cond3A_139 = arith.constant 0 : i32
      %cond3A_140 = arith.cmpi ne, %convert_element_type3A_138, %cond3A_139 : i32
      scf.if %cond3A_140 {
        %sub3A_146 = arith.constant 4 : i32
        %sub3A_147 = arith.subi %add3A_133, %sub3A_146 : i32
        %dma_wait3A_148 = arith.constant 0 : i32
        %dma_wait3A_149 = tpu.memref_slice %arg4[%sub3A_147, %dma_wait3A_148] : memref<80x128xi32, #tpu.memory_space<vmem>> -> memref<1x128xi32, #tpu.memory_space<vmem>>
        %dma_wait3A_150 = tpu.memref_squeeze %dma_wait3A_149 : memref<1x128xi32, #tpu.memory_space<vmem>> -> memref<128xi32, #tpu.memory_space<vmem>>
        %dma_wait3A_151 = arith.constant 0 : i32
        %dma_wait3A_152 = tpu.memref_slice %arg7[%dma_wait3A_151] : memref<10240xf32, #tpu.memory_space<vmem_shared>> -> memref<10240xf32, #tpu.memory_space<vmem_shared>>
        tpu.wait_indirect_dma semaphore(%arg11 : memref<!tpu.dma_semaphore, #tpu.memory_space<semaphore_mem>>) src(%arg5 : memref<128xf32, #tpu.memory_space<vmem>>) dst(%dma_wait3A_152 : memref<10240xf32, #tpu.memory_space<vmem_shared>>)
      } else {
      }
      %dma_start3A_141 = arith.constant 0 : i32
      %dma_start3A_142 = tpu.memref_slice %arg4[%add3A_133, %dma_start3A_141] : memref<80x128xi32, #tpu.memory_space<vmem>> -> memref<1x128xi32, #tpu.memory_space<vmem>>
      %dma_start3A_143 = tpu.memref_squeeze %dma_start3A_142 : memref<1x128xi32, #tpu.memory_space<vmem>> -> memref<128xi32, #tpu.memory_space<vmem>>
      %dma_start3A_144 = arith.constant 0 : i32
      %dma_start3A_145 = tpu.memref_slice %arg7[%dma_start3A_144] : memref<10240xf32, #tpu.memory_space<vmem_shared>> -> memref<10240xf32, #tpu.memory_space<vmem_shared>>
      tpu.enqueue_indirect_dma source(%arg5 : memref<128xf32, #tpu.memory_space<vmem>>) target(%dma_start3A_145 : memref<10240xf32, #tpu.memory_space<vmem_shared>>) offsets(%dma_start3A_143 : memref<128xi32, #tpu.memory_space<vmem>>) semaphore(%arg11 : memref<!tpu.dma_semaphore, #tpu.memory_space<semaphore_mem>>) {add = true}
    }
    %scan3A_55 = arith.constant 20 : i32
    %dma_wait3A_56 = arith.constant 76 : i32
    %dma_wait3A_57 = arith.constant 0 : i32
    %dma_wait3A_58 = tpu.memref_slice %arg4[%dma_wait3A_56, %dma_wait3A_57] : memref<80x128xi32, #tpu.memory_space<vmem>> -> memref<1x128xi32, #tpu.memory_space<vmem>>
    %dma_wait3A_59 = tpu.memref_squeeze %dma_wait3A_58 : memref<1x128xi32, #tpu.memory_space<vmem>> -> memref<128xi32, #tpu.memory_space<vmem>>
    %dma_wait3A_60 = arith.constant 0 : i32
    %dma_wait3A_61 = tpu.memref_slice %arg7[%dma_wait3A_60] : memref<10240xf32, #tpu.memory_space<vmem_shared>> -> memref<10240xf32, #tpu.memory_space<vmem_shared>>
    tpu.wait_indirect_dma semaphore(%arg8 : memref<!tpu.dma_semaphore, #tpu.memory_space<semaphore_mem>>) src(%arg5 : memref<128xf32, #tpu.memory_space<vmem>>) dst(%dma_wait3A_61 : memref<10240xf32, #tpu.memory_space<vmem_shared>>)
    %dma_wait3A_62 = arith.constant 77 : i32
    %dma_wait3A_63 = arith.constant 0 : i32
    %dma_wait3A_64 = tpu.memref_slice %arg4[%dma_wait3A_62, %dma_wait3A_63] : memref<80x128xi32, #tpu.memory_space<vmem>> -> memref<1x128xi32, #tpu.memory_space<vmem>>
    %dma_wait3A_65 = tpu.memref_squeeze %dma_wait3A_64 : memref<1x128xi32, #tpu.memory_space<vmem>> -> memref<128xi32, #tpu.memory_space<vmem>>
    %dma_wait3A_66 = arith.constant 0 : i32
    %dma_wait3A_67 = tpu.memref_slice %arg7[%dma_wait3A_66] : memref<10240xf32, #tpu.memory_space<vmem_shared>> -> memref<10240xf32, #tpu.memory_space<vmem_shared>>
    tpu.wait_indirect_dma semaphore(%arg9 : memref<!tpu.dma_semaphore, #tpu.memory_space<semaphore_mem>>) src(%arg5 : memref<128xf32, #tpu.memory_space<vmem>>) dst(%dma_wait3A_67 : memref<10240xf32, #tpu.memory_space<vmem_shared>>)
    %dma_wait3A_68 = arith.constant 78 : i32
    %dma_wait3A_69 = arith.constant 0 : i32
    %dma_wait3A_70 = tpu.memref_slice %arg4[%dma_wait3A_68, %dma_wait3A_69] : memref<80x128xi32, #tpu.memory_space<vmem>> -> memref<1x128xi32, #tpu.memory_space<vmem>>
    %dma_wait3A_71 = tpu.memref_squeeze %dma_wait3A_70 : memref<1x128xi32, #tpu.memory_space<vmem>> -> memref<128xi32, #tpu.memory_space<vmem>>
    %dma_wait3A_72 = arith.constant 0 : i32
    %dma_wait3A_73 = tpu.memref_slice %arg7[%dma_wait3A_72] : memref<10240xf32, #tpu.memory_space<vmem_shared>> -> memref<10240xf32, #tpu.memory_space<vmem_shared>>
    tpu.wait_indirect_dma semaphore(%arg10 : memref<!tpu.dma_semaphore, #tpu.memory_space<semaphore_mem>>) src(%arg5 : memref<128xf32, #tpu.memory_space<vmem>>) dst(%dma_wait3A_73 : memref<10240xf32, #tpu.memory_space<vmem_shared>>)
    %dma_wait3A_74 = arith.constant 79 : i32
    %dma_wait3A_75 = arith.constant 0 : i32
    %dma_wait3A_76 = tpu.memref_slice %arg4[%dma_wait3A_74, %dma_wait3A_75] : memref<80x128xi32, #tpu.memory_space<vmem>> -> memref<1x128xi32, #tpu.memory_space<vmem>>
    %dma_wait3A_77 = tpu.memref_squeeze %dma_wait3A_76 : memref<1x128xi32, #tpu.memory_space<vmem>> -> memref<128xi32, #tpu.memory_space<vmem>>
    %dma_wait3A_78 = arith.constant 0 : i32
    %dma_wait3A_79 = tpu.memref_slice %arg7[%dma_wait3A_78] : memref<10240xf32, #tpu.memory_space<vmem_shared>> -> memref<10240xf32, #tpu.memory_space<vmem_shared>>
    tpu.wait_indirect_dma semaphore(%arg11 : memref<!tpu.dma_semaphore, #tpu.memory_space<semaphore_mem>>) src(%arg5 : memref<128xf32, #tpu.memory_space<vmem>>) dst(%dma_wait3A_79 : memref<10240xf32, #tpu.memory_space<vmem_shared>>)
    %barrier3A_80 = arith.constant 0 : index
    tpu.barrier barrier_id(%barrier3A_80)
    %mul3A_81 = arith.constant 640 : i32
    %mul3A_82 = arith.muli %arg1, %mul3A_81 : i32
    "tpu.region"() ({
      %run_scoped3A = tpu.sem_alloc : memref<!tpu.dma_semaphore, #tpu.memory_space<semaphore_mem>>
      %dma_start3A_85 = tpu.memref_slice %arg7[%mul3A_82] : memref<10240xf32, #tpu.memory_space<vmem_shared>> -> memref<640xf32, #tpu.memory_space<vmem_shared>>
      %dma_start3A_86 = tpu.memref_slice %arg7[%mul3A_82] : memref<10240xf32, #tpu.memory_space<vmem_shared>> -> memref<640xf32, #tpu.memory_space<vmem_shared>>
      tpu.enqueue_dma source(%dma_start3A_86 : memref<640xf32, #tpu.memory_space<vmem_shared>>) target(%arg6 : memref<640xf32, #tpu.memory_space<vmem>>) target_semaphore(%run_scoped3A : memref<!tpu.dma_semaphore, #tpu.memory_space<semaphore_mem>>)
      %dma_wait3A_87 = tpu.memref_slice %arg7[%mul3A_82] : memref<10240xf32, #tpu.memory_space<vmem_shared>> -> memref<640xf32, #tpu.memory_space<vmem_shared>>
      %dma_wait3A_88 = tpu.memref_slice %arg7[%mul3A_82] : memref<10240xf32, #tpu.memory_space<vmem_shared>> -> memref<640xf32, #tpu.memory_space<vmem_shared>>
      tpu.wait_dma2 semaphore(%run_scoped3A : memref<!tpu.dma_semaphore, #tpu.memory_space<semaphore_mem>>) src(%dma_wait3A_88 : memref<640xf32, #tpu.memory_space<vmem_shared>>) dst(%arg6 : memref<640xf32, #tpu.memory_space<vmem>>)
      tpu.yield
    }) : () -> ()
    %mul3A_83 = arith.constant 640 : i32
    %mul3A_84 = arith.muli %arg1, %mul3A_83 : i32
    "tpu.region"() ({
      %run_scoped3A = tpu.sem_alloc : memref<!tpu.dma_semaphore, #tpu.memory_space<semaphore_mem>>
      %dma_start3A_85 = tpu.memref_slice %arg3[%arg0, %mul3A_84] : memref<2x10240xf32, #tpu.memory_space<hbm>> -> memref<1x640xf32, #tpu.memory_space<hbm>>
      %dma_start3A_86 = tpu.memref_squeeze %dma_start3A_85 : memref<1x640xf32, #tpu.memory_space<hbm>> -> memref<640xf32, #tpu.memory_space<hbm>>
      %dma_start3A_87 = tpu.memref_slice %arg3[%arg0, %mul3A_84] : memref<2x10240xf32, #tpu.memory_space<hbm>> -> memref<1x640xf32, #tpu.memory_space<hbm>>
      %dma_start3A_88 = tpu.memref_squeeze %dma_start3A_87 : memref<1x640xf32, #tpu.memory_space<hbm>> -> memref<640xf32, #tpu.memory_space<hbm>>
      tpu.enqueue_dma source(%arg6 : memref<640xf32, #tpu.memory_space<vmem>>) target(%dma_start3A_88 : memref<640xf32, #tpu.memory_space<hbm>>) target_semaphore(%run_scoped3A : memref<!tpu.dma_semaphore, #tpu.memory_space<semaphore_mem>>)
      %dma_wait3A_89 = tpu.memref_slice %arg3[%arg0, %mul3A_84] : memref<2x10240xf32, #tpu.memory_space<hbm>> -> memref<1x640xf32, #tpu.memory_space<hbm>>
      %dma_wait3A_90 = tpu.memref_squeeze %dma_wait3A_89 : memref<1x640xf32, #tpu.memory_space<hbm>> -> memref<640xf32, #tpu.memory_space<hbm>>
      %dma_wait3A_91 = tpu.memref_slice %arg3[%arg0, %mul3A_84] : memref<2x10240xf32, #tpu.memory_space<hbm>> -> memref<1x640xf32, #tpu.memory_space<hbm>>
      %dma_wait3A_92 = tpu.memref_squeeze %dma_wait3A_91 : memref<1x640xf32, #tpu.memory_space<hbm>> -> memref<640xf32, #tpu.memory_space<hbm>>
      tpu.wait_dma2 semaphore(%run_scoped3A : memref<!tpu.dma_semaphore, #tpu.memory_space<semaphore_mem>>) src(%arg6 : memref<640xf32, #tpu.memory_space<vmem>>) dst(%dma_wait3A_92 : memref<640xf32, #tpu.memory_space<hbm>>)
      tpu.yield
    }) : () -> ()
    return
  }
}

#map = affine_map<(d0, d1) -> (0, 0)>
#map1 = affine_map<(d0, d1) -> (0, 0, 0)>
module attributes {stable_mosaic.version = 14 : i64} {
  func.func @_sc_row_agg(%arg0: i32, %arg1: i32, %arg2: memref<1280x128xi32, #tpu.memory_space<hbm>>, %arg3: memref<1280x128xi32, #tpu.memory_space<hbm>>, %arg4: memref<10240x128xf32, #tpu.memory_space<hbm>>, %arg5: memref<2x10240x128xf32, #tpu.memory_space<hbm>>, %arg6: memref<40x128xi32, #tpu.memory_space<vmem>>, %arg7: memref<40x128xi32, #tpu.memory_space<vmem>>, %arg8: memref<128xi32, #tpu.memory_space<vmem>>, %arg9: memref<128xi32, #tpu.memory_space<vmem>>, %arg10: memref<128xi32, #tpu.memory_space<vmem>>, %arg11: memref<128xi32, #tpu.memory_space<vmem>>, %arg12: memref<128x128xf32, #tpu.memory_space<vmem>>, %arg13: memref<128x128xf32, #tpu.memory_space<vmem>>, %arg14: memref<10240x128xf32, #tpu.memory_space<vmem_shared>>, %arg15: memref<!tpu.dma_semaphore, #tpu.memory_space<semaphore_mem>>, %arg16: memref<!tpu.dma_semaphore, #tpu.memory_space<semaphore_mem>>, %arg17: memref<!tpu.dma_semaphore, #tpu.memory_space<semaphore_mem>>, %arg18: memref<!tpu.dma_semaphore, #tpu.memory_space<semaphore_mem>>) attributes {dimension_semantics = [#tpu.dimension_semantics<core_parallel>, #tpu.dimension_semantics<subcore_parallel>], iteration_bounds = array<i64: 2, 16>, scalar_prefetch = 0 : i64, scratch_operands = 13 : i64, tpu.core_type = #tpu.core_type<sc_vector_subcore>, window_params = [{transform_indices = #map}, {transform_indices = #map}, {transform_indices = #map}, {transform_indices = #map1}]} {
    %mul3A = arith.constant 16 : i32
    %mul3A_0 = arith.muli %arg0, %mul3A : i32
    %add3A = arith.addi %mul3A_0, %arg1 : i32
    %mul3A_1 = arith.constant 40 : i32
    %mul3A_2 = arith.muli %add3A, %mul3A_1 : i32
    %dma_start3A = arith.constant 0 : i32
    %dma_start3A_3 = tpu.memref_slice %arg2[%mul3A_2, %dma_start3A] : memref<1280x128xi32, #tpu.memory_space<hbm>> -> memref<40x128xi32, #tpu.memory_space<hbm>>
    %dma_start3A_4 = arith.constant 0 : i32
    %dma_start3A_5 = tpu.memref_slice %arg2[%mul3A_2, %dma_start3A_4] : memref<1280x128xi32, #tpu.memory_space<hbm>> -> memref<40x128xi32, #tpu.memory_space<hbm>>
    tpu.enqueue_dma source(%dma_start3A_5 : memref<40x128xi32, #tpu.memory_space<hbm>>) target(%arg6 : memref<40x128xi32, #tpu.memory_space<vmem>>) target_semaphore(%arg17 : memref<!tpu.dma_semaphore, #tpu.memory_space<semaphore_mem>>)
    %mul3A_6 = arith.constant 40 : i32
    %mul3A_7 = arith.muli %add3A, %mul3A_6 : i32
    %dma_start3A_8 = arith.constant 0 : i32
    %dma_start3A_9 = tpu.memref_slice %arg3[%mul3A_7, %dma_start3A_8] : memref<1280x128xi32, #tpu.memory_space<hbm>> -> memref<40x128xi32, #tpu.memory_space<hbm>>
    %dma_start3A_10 = arith.constant 0 : i32
    %dma_start3A_11 = tpu.memref_slice %arg3[%mul3A_7, %dma_start3A_10] : memref<1280x128xi32, #tpu.memory_space<hbm>> -> memref<40x128xi32, #tpu.memory_space<hbm>>
    tpu.enqueue_dma source(%dma_start3A_11 : memref<40x128xi32, #tpu.memory_space<hbm>>) target(%arg7 : memref<40x128xi32, #tpu.memory_space<vmem>>) target_semaphore(%arg18 : memref<!tpu.dma_semaphore, #tpu.memory_space<semaphore_mem>>)
    %dma_wait3A = arith.constant 0 : i32
    %dma_wait3A_12 = tpu.memref_slice %arg2[%mul3A_2, %dma_wait3A] : memref<1280x128xi32, #tpu.memory_space<hbm>> -> memref<40x128xi32, #tpu.memory_space<hbm>>
    %dma_wait3A_13 = arith.constant 0 : i32
    %dma_wait3A_14 = tpu.memref_slice %arg2[%mul3A_2, %dma_wait3A_13] : memref<1280x128xi32, #tpu.memory_space<hbm>> -> memref<40x128xi32, #tpu.memory_space<hbm>>
    tpu.wait_dma2 semaphore(%arg17 : memref<!tpu.dma_semaphore, #tpu.memory_space<semaphore_mem>>) src(%dma_wait3A_14 : memref<40x128xi32, #tpu.memory_space<hbm>>) dst(%arg6 : memref<40x128xi32, #tpu.memory_space<vmem>>)
    %get3A = arith.constant 0 : i32
    %get3A_15 = arith.index_cast %get3A : i32 to index
    %get3A_16 = arith.constant 64 : index
    %get3A_17 = tpu.vector_load %arg6[%get3A_15, %get3A_16] {strides = array<i32>} : memref<40x128xi32, #tpu.memory_space<vmem>>, vector<1x16xi32>,
    %get3A_18 = vector.shape_cast %get3A_17 : vector<1x16xi32> to vector<16xi32>
    %and3A = arith.constant 65535 : i32
    %and3A_19 = vector.broadcast %and3A : i32 to vector<16xi32>
    %and3A_20 = arith.andi %get3A_18, %and3A_19 : vector<16xi32>
    %swap3A = arith.constant 0 : index
    %swap3A_21 = tpu.vector_load %arg9[%swap3A] {strides = array<i32>} : memref<128xi32, #tpu.memory_space<vmem>>, vector<16xi32>,
    %swap3A_22 = vector.shape_cast %swap3A_21 : vector<16xi32> to vector<16xi32>
    %swap3A_23 = vector.shape_cast %and3A_20 : vector<16xi32> to vector<16xi32>
    tpu.vector_store %arg9[%swap3A], %swap3A_23 {strides = array<i32>} : memref<128xi32, #tpu.memory_space<vmem>>, vector<16xi32>,
    %shift_right_logical3A = arith.constant 16 : i32
    %shift_right_logical3A_24 = vector.broadcast %shift_right_logical3A : i32 to vector<16xi32>
    %shift_right_logical3A_25 = arith.shrui %get3A_18, %shift_right_logical3A_24 : vector<16xi32>
    %swap3A_26 = arith.constant 64 : index
    %swap3A_27 = tpu.vector_load %arg9[%swap3A_26] {strides = array<i32>} : memref<128xi32, #tpu.memory_space<vmem>>, vector<16xi32>,
    %swap3A_28 = vector.shape_cast %swap3A_27 : vector<16xi32> to vector<16xi32>
    %swap3A_29 = vector.shape_cast %shift_right_logical3A_25 : vector<16xi32> to vector<16xi32>
    tpu.vector_store %arg9[%swap3A_26], %swap3A_29 {strides = array<i32>} : memref<128xi32, #tpu.memory_space<vmem>>, vector<16xi32>,
    %get3A_30 = arith.constant 0 : i32
    %get3A_31 = arith.index_cast %get3A_30 : i32 to index
    %get3A_32 = arith.constant 80 : index
    %get3A_33 = tpu.vector_load %arg6[%get3A_31, %get3A_32] {strides = array<i32>} : memref<40x128xi32, #tpu.memory_space<vmem>>, vector<1x16xi32>,
    %get3A_34 = vector.shape_cast %get3A_33 : vector<1x16xi32> to vector<16xi32>
    %and3A_35 = arith.constant 65535 : i32
    %and3A_36 = vector.broadcast %and3A_35 : i32 to vector<16xi32>
    %and3A_37 = arith.andi %get3A_34, %and3A_36 : vector<16xi32>
    %swap3A_38 = arith.constant 16 : index
    %swap3A_39 = tpu.vector_load %arg9[%swap3A_38] {strides = array<i32>} : memref<128xi32, #tpu.memory_space<vmem>>, vector<16xi32>,
    %swap3A_40 = vector.shape_cast %swap3A_39 : vector<16xi32> to vector<16xi32>
    %swap3A_41 = vector.shape_cast %and3A_37 : vector<16xi32> to vector<16xi32>
    tpu.vector_store %arg9[%swap3A_38], %swap3A_41 {strides = array<i32>} : memref<128xi32, #tpu.memory_space<vmem>>, vector<16xi32>,
    %shift_right_logical3A_42 = arith.constant 16 : i32
    %shift_right_logical3A_43 = vector.broadcast %shift_right_logical3A_42 : i32 to vector<16xi32>
    %shift_right_logical3A_44 = arith.shrui %get3A_34, %shift_right_logical3A_43 : vector<16xi32>
    %swap3A_45 = arith.constant 80 : index
    %swap3A_46 = tpu.vector_load %arg9[%swap3A_45] {strides = array<i32>} : memref<128xi32, #tpu.memory_space<vmem>>, vector<16xi32>,
    %swap3A_47 = vector.shape_cast %swap3A_46 : vector<16xi32> to vector<16xi32>
    %swap3A_48 = vector.shape_cast %shift_right_logical3A_44 : vector<16xi32> to vector<16xi32>
    tpu.vector_store %arg9[%swap3A_45], %swap3A_48 {strides = array<i32>} : memref<128xi32, #tpu.memory_space<vmem>>, vector<16xi32>,
    %get3A_49 = arith.constant 0 : i32
    %get3A_50 = arith.index_cast %get3A_49 : i32 to index
    %get3A_51 = arith.constant 96 : index
    %get3A_52 = tpu.vector_load %arg6[%get3A_50, %get3A_51] {strides = array<i32>} : memref<40x128xi32, #tpu.memory_space<vmem>>, vector<1x16xi32>,
    %get3A_53 = vector.shape_cast %get3A_52 : vector<1x16xi32> to vector<16xi32>
    %and3A_54 = arith.constant 65535 : i32
    %and3A_55 = vector.broadcast %and3A_54 : i32 to vector<16xi32>
    %and3A_56 = arith.andi %get3A_53, %and3A_55 : vector<16xi32>
    %swap3A_57 = arith.constant 32 : index
    %swap3A_58 = tpu.vector_load %arg9[%swap3A_57] {strides = array<i32>} : memref<128xi32, #tpu.memory_space<vmem>>, vector<16xi32>,
    %swap3A_59 = vector.shape_cast %swap3A_58 : vector<16xi32> to vector<16xi32>
    %swap3A_60 = vector.shape_cast %and3A_56 : vector<16xi32> to vector<16xi32>
    tpu.vector_store %arg9[%swap3A_57], %swap3A_60 {strides = array<i32>} : memref<128xi32, #tpu.memory_space<vmem>>, vector<16xi32>,
    %shift_right_logical3A_61 = arith.constant 16 : i32
    %shift_right_logical3A_62 = vector.broadcast %shift_right_logical3A_61 : i32 to vector<16xi32>
    %shift_right_logical3A_63 = arith.shrui %get3A_53, %shift_right_logical3A_62 : vector<16xi32>
    %swap3A_64 = arith.constant 96 : index
    %swap3A_65 = tpu.vector_load %arg9[%swap3A_64] {strides = array<i32>} : memref<128xi32, #tpu.memory_space<vmem>>, vector<16xi32>,
    %swap3A_66 = vector.shape_cast %swap3A_65 : vector<16xi32> to vector<16xi32>
    %swap3A_67 = vector.shape_cast %shift_right_logical3A_63 : vector<16xi32> to vector<16xi32>
    tpu.vector_store %arg9[%swap3A_64], %swap3A_67 {strides = array<i32>} : memref<128xi32, #tpu.memory_space<vmem>>, vector<16xi32>,
    %get3A_68 = arith.constant 0 : i32
    %get3A_69 = arith.index_cast %get3A_68 : i32 to index
    %get3A_70 = arith.constant 112 : index
    %get3A_71 = tpu.vector_load %arg6[%get3A_69, %get3A_70] {strides = array<i32>} : memref<40x128xi32, #tpu.memory_space<vmem>>, vector<1x16xi32>,
    %get3A_72 = vector.shape_cast %get3A_71 : vector<1x16xi32> to vector<16xi32>
    %and3A_73 = arith.constant 65535 : i32
    %and3A_74 = vector.broadcast %and3A_73 : i32 to vector<16xi32>
    %and3A_75 = arith.andi %get3A_72, %and3A_74 : vector<16xi32>
    %swap3A_76 = arith.constant 48 : index
    %swap3A_77 = tpu.vector_load %arg9[%swap3A_76] {strides = array<i32>} : memref<128xi32, #tpu.memory_space<vmem>>, vector<16xi32>,
    %swap3A_78 = vector.shape_cast %swap3A_77 : vector<16xi32> to vector<16xi32>
    %swap3A_79 = vector.shape_cast %and3A_75 : vector<16xi32> to vector<16xi32>
    tpu.vector_store %arg9[%swap3A_76], %swap3A_79 {strides = array<i32>} : memref<128xi32, #tpu.memory_space<vmem>>, vector<16xi32>,
    %shift_right_logical3A_80 = arith.constant 16 : i32
    %shift_right_logical3A_81 = vector.broadcast %shift_right_logical3A_80 : i32 to vector<16xi32>
    %shift_right_logical3A_82 = arith.shrui %get3A_72, %shift_right_logical3A_81 : vector<16xi32>
    %swap3A_83 = arith.constant 112 : index
    %swap3A_84 = tpu.vector_load %arg9[%swap3A_83] {strides = array<i32>} : memref<128xi32, #tpu.memory_space<vmem>>, vector<16xi32>,
    %swap3A_85 = vector.shape_cast %swap3A_84 : vector<16xi32> to vector<16xi32>
    %swap3A_86 = vector.shape_cast %shift_right_logical3A_82 : vector<16xi32> to vector<16xi32>
    tpu.vector_store %arg9[%swap3A_83], %swap3A_86 {strides = array<i32>} : memref<128xi32, #tpu.memory_space<vmem>>, vector<16xi32>,
    %dma_start3A_87 = arith.constant 0 : i32
    %dma_start3A_88 = arith.constant 0 : i32
    %dma_start3A_89 = tpu.memref_slice %arg4[%dma_start3A_87, %dma_start3A_88] : memref<10240x128xf32, #tpu.memory_space<hbm>> -> memref<10240x128xf32, #tpu.memory_space<hbm>>
    tpu.enqueue_indirect_dma source(%dma_start3A_89 : memref<10240x128xf32, #tpu.memory_space<hbm>>) target(%arg13 : memref<128x128xf32, #tpu.memory_space<vmem>>) offsets(%arg9 : memref<128xi32, #tpu.memory_space<vmem>>) semaphore(%arg16 : memref<!tpu.dma_semaphore, #tpu.memory_space<semaphore_mem>>)
    %broadcast_in_dim3A = arith.constant 0.000000e+00 : f32
    %broadcast_in_dim3A_90 = vector.broadcast %broadcast_in_dim3A : f32 to vector<16xf32>
    %scan3A = arith.constant 0 : i32
    %scan3A_91 = arith.constant 0 : i32
    %scan3A_92 = arith.constant 128 : i32
    %scan3A_93 = arith.addi %scan3A_91, %scan3A_92 : i32
    %scan3A_94 = arith.constant 1 : i32
    scf.for %scan3A_344 = %scan3A_91 to %scan3A_93 step %scan3A_94  : i32 {
      %swap3A_345 = arith.index_cast %scan3A_344 : i32 to index
      %swap3A_346 = arith.constant 0 : index
      %swap3A_347 = tpu.vector_load %arg12[%swap3A_345, %swap3A_346] {strides = array<i32>} : memref<128x128xf32, #tpu.memory_space<vmem>>, vector<1x16xf32>,
      %swap3A_348 = vector.shape_cast %swap3A_347 : vector<1x16xf32> to vector<16xf32>
      %swap3A_349 = vector.shape_cast %broadcast_in_dim3A_90 : vector<16xf32> to vector<1x16xf32>
      tpu.vector_store %arg12[%swap3A_345, %swap3A_346], %swap3A_349 {strides = array<i32>} : memref<128x128xf32, #tpu.memory_space<vmem>>, vector<1x16xf32>,
      %swap3A_350 = arith.index_cast %scan3A_344 : i32 to index
      %swap3A_351 = arith.constant 16 : index
      %swap3A_352 = tpu.vector_load %arg12[%swap3A_350, %swap3A_351] {strides = array<i32>} : memref<128x128xf32, #tpu.memory_space<vmem>>, vector<1x16xf32>,
      %swap3A_353 = vector.shape_cast %swap3A_352 : vector<1x16xf32> to vector<16xf32>
      %swap3A_354 = vector.shape_cast %broadcast_in_dim3A_90 : vector<16xf32> to vector<1x16xf32>
      tpu.vector_store %arg12[%swap3A_350, %swap3A_351], %swap3A_354 {strides = array<i32>} : memref<128x128xf32, #tpu.memory_space<vmem>>, vector<1x16xf32>,
      %swap3A_355 = arith.index_cast %scan3A_344 : i32 to index
      %swap3A_356 = arith.constant 32 : index
      %swap3A_357 = tpu.vector_load %arg12[%swap3A_355, %swap3A_356] {strides = array<i32>} : memref<128x128xf32, #tpu.memory_space<vmem>>, vector<1x16xf32>,
      %swap3A_358 = vector.shape_cast %swap3A_357 : vector<1x16xf32> to vector<16xf32>
      %swap3A_359 = vector.shape_cast %broadcast_in_dim3A_90 : vector<16xf32> to vector<1x16xf32>
      tpu.vector_store %arg12[%swap3A_355, %swap3A_356], %swap3A_359 {strides = array<i32>} : memref<128x128xf32, #tpu.memory_space<vmem>>, vector<1x16xf32>,
      %swap3A_360 = arith.index_cast %scan3A_344 : i32 to index
      %swap3A_361 = arith.constant 48 : index
      %swap3A_362 = tpu.vector_load %arg12[%swap3A_360, %swap3A_361] {strides = array<i32>} : memref<128x128xf32, #tpu.memory_space<vmem>>, vector<1x16xf32>,
      %swap3A_363 = vector.shape_cast %swap3A_362 : vector<1x16xf32> to vector<16xf32>
      %swap3A_364 = vector.shape_cast %broadcast_in_dim3A_90 : vector<16xf32> to vector<1x16xf32>
      tpu.vector_store %arg12[%swap3A_360, %swap3A_361], %swap3A_364 {strides = array<i32>} : memref<128x128xf32, #tpu.memory_space<vmem>>, vector<1x16xf32>,
      %swap3A_365 = arith.index_cast %scan3A_344 : i32 to index
      %swap3A_366 = arith.constant 64 : index
      %swap3A_367 = tpu.vector_load %arg12[%swap3A_365, %swap3A_366] {strides = array<i32>} : memref<128x128xf32, #tpu.memory_space<vmem>>, vector<1x16xf32>,
      %swap3A_368 = vector.shape_cast %swap3A_367 : vector<1x16xf32> to vector<16xf32>
      %swap3A_369 = vector.shape_cast %broadcast_in_dim3A_90 : vector<16xf32> to vector<1x16xf32>
      tpu.vector_store %arg12[%swap3A_365, %swap3A_366], %swap3A_369 {strides = array<i32>} : memref<128x128xf32, #tpu.memory_space<vmem>>, vector<1x16xf32>,
      %swap3A_370 = arith.index_cast %scan3A_344 : i32 to index
      %swap3A_371 = arith.constant 80 : index
      %swap3A_372 = tpu.vector_load %arg12[%swap3A_370, %swap3A_371] {strides = array<i32>} : memref<128x128xf32, #tpu.memory_space<vmem>>, vector<1x16xf32>,
      %swap3A_373 = vector.shape_cast %swap3A_372 : vector<1x16xf32> to vector<16xf32>
      %swap3A_374 = vector.shape_cast %broadcast_in_dim3A_90 : vector<16xf32> to vector<1x16xf32>
      tpu.vector_store %arg12[%swap3A_370, %swap3A_371], %swap3A_374 {strides = array<i32>} : memref<128x128xf32, #tpu.memory_space<vmem>>, vector<1x16xf32>,
      %swap3A_375 = arith.index_cast %scan3A_344 : i32 to index
      %swap3A_376 = arith.constant 96 : index
      %swap3A_377 = tpu.vector_load %arg12[%swap3A_375, %swap3A_376] {strides = array<i32>} : memref<128x128xf32, #tpu.memory_space<vmem>>, vector<1x16xf32>,
      %swap3A_378 = vector.shape_cast %swap3A_377 : vector<1x16xf32> to vector<16xf32>
      %swap3A_379 = vector.shape_cast %broadcast_in_dim3A_90 : vector<16xf32> to vector<1x16xf32>
      tpu.vector_store %arg12[%swap3A_375, %swap3A_376], %swap3A_379 {strides = array<i32>} : memref<128x128xf32, #tpu.memory_space<vmem>>, vector<1x16xf32>,
      %swap3A_380 = arith.index_cast %scan3A_344 : i32 to index
      %swap3A_381 = arith.constant 112 : index
      %swap3A_382 = tpu.vector_load %arg12[%swap3A_380, %swap3A_381] {strides = array<i32>} : memref<128x128xf32, #tpu.memory_space<vmem>>, vector<1x16xf32>,
      %swap3A_383 = vector.shape_cast %swap3A_382 : vector<1x16xf32> to vector<16xf32>
      %swap3A_384 = vector.shape_cast %broadcast_in_dim3A_90 : vector<16xf32> to vector<1x16xf32>
      tpu.vector_store %arg12[%swap3A_380, %swap3A_381], %swap3A_384 {strides = array<i32>} : memref<128x128xf32, #tpu.memory_space<vmem>>, vector<1x16xf32>,
    }
    %scan3A_95 = arith.constant 128 : i32
    %mul3A_96 = arith.constant 640 : i32
    %mul3A_97 = arith.muli %arg1, %mul3A_96 : i32
    %add3A_98 = arith.constant 0 : i32
    %add3A_99 = arith.addi %mul3A_97, %add3A_98 : i32
    %dma_start3A_100 = arith.constant 0 : i32
    %dma_start3A_101 = tpu.memref_slice %arg14[%add3A_99, %dma_start3A_100] : memref<10240x128xf32, #tpu.memory_space<vmem_shared>> -> memref<128x128xf32, #tpu.memory_space<vmem_shared>>
    %dma_start3A_102 = arith.constant 0 : i32
    %dma_start3A_103 = tpu.memref_slice %arg14[%add3A_99, %dma_start3A_102] : memref<10240x128xf32, #tpu.memory_space<vmem_shared>> -> memref<128x128xf32, #tpu.memory_space<vmem_shared>>
    tpu.enqueue_dma source(%arg12 : memref<128x128xf32, #tpu.memory_space<vmem>>) target(%dma_start3A_103 : memref<128x128xf32, #tpu.memory_space<vmem_shared>>) target_semaphore(%arg15 : memref<!tpu.dma_semaphore, #tpu.memory_space<semaphore_mem>>)
    %mul3A_104 = arith.constant 640 : i32
    %mul3A_105 = arith.muli %arg1, %mul3A_104 : i32
    %add3A_106 = arith.constant 128 : i32
    %add3A_107 = arith.addi %mul3A_105, %add3A_106 : i32
    %dma_start3A_108 = arith.constant 0 : i32
    %dma_start3A_109 = tpu.memref_slice %arg14[%add3A_107, %dma_start3A_108] : memref<10240x128xf32, #tpu.memory_space<vmem_shared>> -> memref<128x128xf32, #tpu.memory_space<vmem_shared>>
    %dma_start3A_110 = arith.constant 0 : i32
    %dma_start3A_111 = tpu.memref_slice %arg14[%add3A_107, %dma_start3A_110] : memref<10240x128xf32, #tpu.memory_space<vmem_shared>> -> memref<128x128xf32, #tpu.memory_space<vmem_shared>>
    tpu.enqueue_dma source(%arg12 : memref<128x128xf32, #tpu.memory_space<vmem>>) target(%dma_start3A_111 : memref<128x128xf32, #tpu.memory_space<vmem_shared>>) target_semaphore(%arg15 : memref<!tpu.dma_semaphore, #tpu.memory_space<semaphore_mem>>)
    %mul3A_112 = arith.constant 640 : i32
    %mul3A_113 = arith.muli %arg1, %mul3A_112 : i32
    %add3A_114 = arith.constant 256 : i32
    %add3A_115 = arith.addi %mul3A_113, %add3A_114 : i32
    %dma_start3A_116 = arith.constant 0 : i32
    %dma_start3A_117 = tpu.memref_slice %arg14[%add3A_115, %dma_start3A_116] : memref<10240x128xf32, #tpu.memory_space<vmem_shared>> -> memref<128x128xf32, #tpu.memory_space<vmem_shared>>
    %dma_start3A_118 = arith.constant 0 : i32
    %dma_start3A_119 = tpu.memref_slice %arg14[%add3A_115, %dma_start3A_118] : memref<10240x128xf32, #tpu.memory_space<vmem_shared>> -> memref<128x128xf32, #tpu.memory_space<vmem_shared>>
    tpu.enqueue_dma source(%arg12 : memref<128x128xf32, #tpu.memory_space<vmem>>) target(%dma_start3A_119 : memref<128x128xf32, #tpu.memory_space<vmem_shared>>) target_semaphore(%arg15 : memref<!tpu.dma_semaphore, #tpu.memory_space<semaphore_mem>>)
    %mul3A_120 = arith.constant 640 : i32
    %mul3A_121 = arith.muli %arg1, %mul3A_120 : i32
    %add3A_122 = arith.constant 384 : i32
    %add3A_123 = arith.addi %mul3A_121, %add3A_122 : i32
    %dma_start3A_124 = arith.constant 0 : i32
    %dma_start3A_125 = tpu.memref_slice %arg14[%add3A_123, %dma_start3A_124] : memref<10240x128xf32, #tpu.memory_space<vmem_shared>> -> memref<128x128xf32, #tpu.memory_space<vmem_shared>>
    %dma_start3A_126 = arith.constant 0 : i32
    %dma_start3A_127 = tpu.memref_slice %arg14[%add3A_123, %dma_start3A_126] : memref<10240x128xf32, #tpu.memory_space<vmem_shared>> -> memref<128x128xf32, #tpu.memory_space<vmem_shared>>
    tpu.enqueue_dma source(%arg12 : memref<128x128xf32, #tpu.memory_space<vmem>>) target(%dma_start3A_127 : memref<128x128xf32, #tpu.memory_space<vmem_shared>>) target_semaphore(%arg15 : memref<!tpu.dma_semaphore, #tpu.memory_space<semaphore_mem>>)
    %mul3A_128 = arith.constant 640 : i32
    %mul3A_129 = arith.muli %arg1, %mul3A_128 : i32
    %add3A_130 = arith.constant 512 : i32
    %add3A_131 = arith.addi %mul3A_129, %add3A_130 : i32
    %dma_start3A_132 = arith.constant 0 : i32
    %dma_start3A_133 = tpu.memref_slice %arg14[%add3A_131, %dma_start3A_132] : memref<10240x128xf32, #tpu.memory_space<vmem_shared>> -> memref<128x128xf32, #tpu.memory_space<vmem_shared>>
    %dma_start3A_134 = arith.constant 0 : i32
    %dma_start3A_135 = tpu.memref_slice %arg14[%add3A_131, %dma_start3A_134] : memref<10240x128xf32, #tpu.memory_space<vmem_shared>> -> memref<128x128xf32, #tpu.memory_space<vmem_shared>>
    tpu.enqueue_dma source(%arg12 : memref<128x128xf32, #tpu.memory_space<vmem>>) target(%dma_start3A_135 : memref<128x128xf32, #tpu.memory_space<vmem_shared>>) target_semaphore(%arg15 : memref<!tpu.dma_semaphore, #tpu.memory_space<semaphore_mem>>)
    %dma_wait3A_136 = arith.constant 0 : i32
    %dma_wait3A_137 = tpu.memref_slice %arg14[%add3A_99, %dma_wait3A_136] : memref<10240x128xf32, #tpu.memory_space<vmem_shared>> -> memref<128x128xf32, #tpu.memory_space<vmem_shared>>
    %dma_wait3A_138 = arith.constant 0 : i32
    %dma_wait3A_139 = tpu.memref_slice %arg14[%add3A_99, %dma_wait3A_138] : memref<10240x128xf32, #tpu.memory_space<vmem_shared>> -> memref<128x128xf32, #tpu.memory_space<vmem_shared>>
    tpu.wait_dma2 semaphore(%arg15 : memref<!tpu.dma_semaphore, #tpu.memory_space<semaphore_mem>>) src(%arg12 : memref<128x128xf32, #tpu.memory_space<vmem>>) dst(%dma_wait3A_139 : memref<128x128xf32, #tpu.memory_space<vmem_shared>>)
    %dma_wait3A_140 = arith.constant 0 : i32
    %dma_wait3A_141 = tpu.memref_slice %arg14[%add3A_107, %dma_wait3A_140] : memref<10240x128xf32, #tpu.memory_space<vmem_shared>> -> memref<128x128xf32, #tpu.memory_space<vmem_shared>>
    %dma_wait3A_142 = arith.constant 0 : i32
    %dma_wait3A_143 = tpu.memref_slice %arg14[%add3A_107, %dma_wait3A_142] : memref<10240x128xf32, #tpu.memory_space<vmem_shared>> -> memref<128x128xf32, #tpu.memory_space<vmem_shared>>
    tpu.wait_dma2 semaphore(%arg15 : memref<!tpu.dma_semaphore, #tpu.memory_space<semaphore_mem>>) src(%arg12 : memref<128x128xf32, #tpu.memory_space<vmem>>) dst(%dma_wait3A_143 : memref<128x128xf32, #tpu.memory_space<vmem_shared>>)
    %dma_wait3A_144 = arith.constant 0 : i32
    %dma_wait3A_145 = tpu.memref_slice %arg14[%add3A_115, %dma_wait3A_144] : memref<10240x128xf32, #tpu.memory_space<vmem_shared>> -> memref<128x128xf32, #tpu.memory_space<vmem_shared>>
    %dma_wait3A_146 = arith.constant 0 : i32
    %dma_wait3A_147 = tpu.memref_slice %arg14[%add3A_115, %dma_wait3A_146] : memref<10240x128xf32, #tpu.memory_space<vmem_shared>> -> memref<128x128xf32, #tpu.memory_space<vmem_shared>>
    tpu.wait_dma2 semaphore(%arg15 : memref<!tpu.dma_semaphore, #tpu.memory_space<semaphore_mem>>) src(%arg12 : memref<128x128xf32, #tpu.memory_space<vmem>>) dst(%dma_wait3A_147 : memref<128x128xf32, #tpu.memory_space<vmem_shared>>)
    %dma_wait3A_148 = arith.constant 0 : i32
    %dma_wait3A_149 = tpu.memref_slice %arg14[%add3A_123, %dma_wait3A_148] : memref<10240x128xf32, #tpu.memory_space<vmem_shared>> -> memref<128x128xf32, #tpu.memory_space<vmem_shared>>
    %dma_wait3A_150 = arith.constant 0 : i32
    %dma_wait3A_151 = tpu.memref_slice %arg14[%add3A_123, %dma_wait3A_150] : memref<10240x128xf32, #tpu.memory_space<vmem_shared>> -> memref<128x128xf32, #tpu.memory_space<vmem_shared>>
    tpu.wait_dma2 semaphore(%arg15 : memref<!tpu.dma_semaphore, #tpu.memory_space<semaphore_mem>>) src(%arg12 : memref<128x128xf32, #tpu.memory_space<vmem>>) dst(%dma_wait3A_151 : memref<128x128xf32, #tpu.memory_space<vmem_shared>>)
    %dma_wait3A_152 = arith.constant 0 : i32
    %dma_wait3A_153 = tpu.memref_slice %arg14[%add3A_131, %dma_wait3A_152] : memref<10240x128xf32, #tpu.memory_space<vmem_shared>> -> memref<128x128xf32, #tpu.memory_space<vmem_shared>>
    %dma_wait3A_154 = arith.constant 0 : i32
    %dma_wait3A_155 = tpu.memref_slice %arg14[%add3A_131, %dma_wait3A_154] : memref<10240x128xf32, #tpu.memory_space<vmem_shared>> -> memref<128x128xf32, #tpu.memory_space<vmem_shared>>
    tpu.wait_dma2 semaphore(%arg15 : memref<!tpu.dma_semaphore, #tpu.memory_space<semaphore_mem>>) src(%arg12 : memref<128x128xf32, #tpu.memory_space<vmem>>) dst(%dma_wait3A_155 : memref<128x128xf32, #tpu.memory_space<vmem_shared>>)
    %dma_wait3A_156 = arith.constant 0 : i32
    %dma_wait3A_157 = tpu.memref_slice %arg3[%mul3A_7, %dma_wait3A_156] : memref<1280x128xi32, #tpu.memory_space<hbm>> -> memref<40x128xi32, #tpu.memory_space<hbm>>
    %dma_wait3A_158 = arith.constant 0 : i32
    %dma_wait3A_159 = tpu.memref_slice %arg3[%mul3A_7, %dma_wait3A_158] : memref<1280x128xi32, #tpu.memory_space<hbm>> -> memref<40x128xi32, #tpu.memory_space<hbm>>
    tpu.wait_dma2 semaphore(%arg18 : memref<!tpu.dma_semaphore, #tpu.memory_space<semaphore_mem>>) src(%dma_wait3A_159 : memref<40x128xi32, #tpu.memory_space<hbm>>) dst(%arg7 : memref<40x128xi32, #tpu.memory_space<vmem>>)
    %barrier3A = arith.constant 0 : index
    tpu.barrier barrier_id(%barrier3A)
    %get3A_160 = arith.constant 0 : i32
    %get3A_161 = arith.index_cast %get3A_160 : i32 to index
    %get3A_162 = arith.constant 0 : index
    %get3A_163 = tpu.vector_load %arg6[%get3A_161, %get3A_162] {strides = array<i32>} : memref<40x128xi32, #tpu.memory_space<vmem>>, vector<1x16xi32>,
    %get3A_164 = vector.shape_cast %get3A_163 : vector<1x16xi32> to vector<16xi32>
    %and3A_165 = arith.constant 65535 : i32
    %and3A_166 = vector.broadcast %and3A_165 : i32 to vector<16xi32>
    %and3A_167 = arith.andi %get3A_164, %and3A_166 : vector<16xi32>
    %swap3A_168 = arith.constant 0 : index
    %swap3A_169 = tpu.vector_load %arg8[%swap3A_168] {strides = array<i32>} : memref<128xi32, #tpu.memory_space<vmem>>, vector<16xi32>,
    %swap3A_170 = vector.shape_cast %swap3A_169 : vector<16xi32> to vector<16xi32>
    %swap3A_171 = vector.shape_cast %and3A_167 : vector<16xi32> to vector<16xi32>
    tpu.vector_store %arg8[%swap3A_168], %swap3A_171 {strides = array<i32>} : memref<128xi32, #tpu.memory_space<vmem>>, vector<16xi32>,
    %shift_right_logical3A_172 = arith.constant 16 : i32
    %shift_right_logical3A_173 = vector.broadcast %shift_right_logical3A_172 : i32 to vector<16xi32>
    %shift_right_logical3A_174 = arith.shrui %get3A_164, %shift_right_logical3A_173 : vector<16xi32>
    %swap3A_175 = arith.constant 64 : index
    %swap3A_176 = tpu.vector_load %arg8[%swap3A_175] {strides = array<i32>} : memref<128xi32, #tpu.memory_space<vmem>>, vector<16xi32>,
    %swap3A_177 = vector.shape_cast %swap3A_176 : vector<16xi32> to vector<16xi32>
    %swap3A_178 = vector.shape_cast %shift_right_logical3A_174 : vector<16xi32> to vector<16xi32>
    tpu.vector_store %arg8[%swap3A_175], %swap3A_178 {strides = array<i32>} : memref<128xi32, #tpu.memory_space<vmem>>, vector<16xi32>,
    %get3A_179 = arith.constant 0 : i32
    %get3A_180 = arith.index_cast %get3A_179 : i32 to index
    %get3A_181 = arith.constant 16 : index
    %get3A_182 = tpu.vector_load %arg6[%get3A_180, %get3A_181] {strides = array<i32>} : memref<40x128xi32, #tpu.memory_space<vmem>>, vector<1x16xi32>,
    %get3A_183 = vector.shape_cast %get3A_182 : vector<1x16xi32> to vector<16xi32>
    %and3A_184 = arith.constant 65535 : i32
    %and3A_185 = vector.broadcast %and3A_184 : i32 to vector<16xi32>
    %and3A_186 = arith.andi %get3A_183, %and3A_185 : vector<16xi32>
    %swap3A_187 = arith.constant 16 : index
    %swap3A_188 = tpu.vector_load %arg8[%swap3A_187] {strides = array<i32>} : memref<128xi32, #tpu.memory_space<vmem>>, vector<16xi32>,
    %swap3A_189 = vector.shape_cast %swap3A_188 : vector<16xi32> to vector<16xi32>
    %swap3A_190 = vector.shape_cast %and3A_186 : vector<16xi32> to vector<16xi32>
    tpu.vector_store %arg8[%swap3A_187], %swap3A_190 {strides = array<i32>} : memref<128xi32, #tpu.memory_space<vmem>>, vector<16xi32>,
    %shift_right_logical3A_191 = arith.constant 16 : i32
    %shift_right_logical3A_192 = vector.broadcast %shift_right_logical3A_191 : i32 to vector<16xi32>
    %shift_right_logical3A_193 = arith.shrui %get3A_183, %shift_right_logical3A_192 : vector<16xi32>
    %swap3A_194 = arith.constant 80 : index
    %swap3A_195 = tpu.vector_load %arg8[%swap3A_194] {strides = array<i32>} : memref<128xi32, #tpu.memory_space<vmem>>, vector<16xi32>,
    %swap3A_196 = vector.shape_cast %swap3A_195 : vector<16xi32> to vector<16xi32>
    %swap3A_197 = vector.shape_cast %shift_right_logical3A_193 : vector<16xi32> to vector<16xi32>
    tpu.vector_store %arg8[%swap3A_194], %swap3A_197 {strides = array<i32>} : memref<128xi32, #tpu.memory_space<vmem>>, vector<16xi32>,
    %get3A_198 = arith.constant 0 : i32
    %get3A_199 = arith.index_cast %get3A_198 : i32 to index
    %get3A_200 = arith.constant 32 : index
    %get3A_201 = tpu.vector_load %arg6[%get3A_199, %get3A_200] {strides = array<i32>} : memref<40x128xi32, #tpu.memory_space<vmem>>, vector<1x16xi32>,
    %get3A_202 = vector.shape_cast %get3A_201 : vector<1x16xi32> to vector<16xi32>
    %and3A_203 = arith.constant 65535 : i32
    %and3A_204 = vector.broadcast %and3A_203 : i32 to vector<16xi32>
    %and3A_205 = arith.andi %get3A_202, %and3A_204 : vector<16xi32>
    %swap3A_206 = arith.constant 32 : index
    %swap3A_207 = tpu.vector_load %arg8[%swap3A_206] {strides = array<i32>} : memref<128xi32, #tpu.memory_space<vmem>>, vector<16xi32>,
    %swap3A_208 = vector.shape_cast %swap3A_207 : vector<16xi32> to vector<16xi32>
    %swap3A_209 = vector.shape_cast %and3A_205 : vector<16xi32> to vector<16xi32>
    tpu.vector_store %arg8[%swap3A_206], %swap3A_209 {strides = array<i32>} : memref<128xi32, #tpu.memory_space<vmem>>, vector<16xi32>,
    %shift_right_logical3A_210 = arith.constant 16 : i32
    %shift_right_logical3A_211 = vector.broadcast %shift_right_logical3A_210 : i32 to vector<16xi32>
    %shift_right_logical3A_212 = arith.shrui %get3A_202, %shift_right_logical3A_211 : vector<16xi32>
    %swap3A_213 = arith.constant 96 : index
    %swap3A_214 = tpu.vector_load %arg8[%swap3A_213] {strides = array<i32>} : memref<128xi32, #tpu.memory_space<vmem>>, vector<16xi32>,
    %swap3A_215 = vector.shape_cast %swap3A_214 : vector<16xi32> to vector<16xi32>
    %swap3A_216 = vector.shape_cast %shift_right_logical3A_212 : vector<16xi32> to vector<16xi32>
    tpu.vector_store %arg8[%swap3A_213], %swap3A_216 {strides = array<i32>} : memref<128xi32, #tpu.memory_space<vmem>>, vector<16xi32>,
    %get3A_217 = arith.constant 0 : i32
    %get3A_218 = arith.index_cast %get3A_217 : i32 to index
    %get3A_219 = arith.constant 48 : index
    %get3A_220 = tpu.vector_load %arg6[%get3A_218, %get3A_219] {strides = array<i32>} : memref<40x128xi32, #tpu.memory_space<vmem>>, vector<1x16xi32>,
    %get3A_221 = vector.shape_cast %get3A_220 : vector<1x16xi32> to vector<16xi32>
    %and3A_222 = arith.constant 65535 : i32
    %and3A_223 = vector.broadcast %and3A_222 : i32 to vector<16xi32>
    %and3A_224 = arith.andi %get3A_221, %and3A_223 : vector<16xi32>
    %swap3A_225 = arith.constant 48 : index
    %swap3A_226 = tpu.vector_load %arg8[%swap3A_225] {strides = array<i32>} : memref<128xi32, #tpu.memory_space<vmem>>, vector<16xi32>,
    %swap3A_227 = vector.shape_cast %swap3A_226 : vector<16xi32> to vector<16xi32>
    %swap3A_228 = vector.shape_cast %and3A_224 : vector<16xi32> to vector<16xi32>
    tpu.vector_store %arg8[%swap3A_225], %swap3A_228 {strides = array<i32>} : memref<128xi32, #tpu.memory_space<vmem>>, vector<16xi32>,
    %shift_right_logical3A_229 = arith.constant 16 : i32
    %shift_right_logical3A_230 = vector.broadcast %shift_right_logical3A_229 : i32 to vector<16xi32>
    %shift_right_logical3A_231 = arith.shrui %get3A_221, %shift_right_logical3A_230 : vector<16xi32>
    %swap3A_232 = arith.constant 112 : index
    %swap3A_233 = tpu.vector_load %arg8[%swap3A_232] {strides = array<i32>} : memref<128xi32, #tpu.memory_space<vmem>>, vector<16xi32>,
    %swap3A_234 = vector.shape_cast %swap3A_233 : vector<16xi32> to vector<16xi32>
    %swap3A_235 = vector.shape_cast %shift_right_logical3A_231 : vector<16xi32> to vector<16xi32>
    tpu.vector_store %arg8[%swap3A_232], %swap3A_235 {strides = array<i32>} : memref<128xi32, #tpu.memory_space<vmem>>, vector<16xi32>,
    %dma_start3A_236 = arith.constant 0 : i32
    %dma_start3A_237 = arith.constant 0 : i32
    %dma_start3A_238 = tpu.memref_slice %arg4[%dma_start3A_236, %dma_start3A_237] : memref<10240x128xf32, #tpu.memory_space<hbm>> -> memref<10240x128xf32, #tpu.memory_space<hbm>>
    tpu.enqueue_indirect_dma source(%dma_start3A_238 : memref<10240x128xf32, #tpu.memory_space<hbm>>) target(%arg12 : memref<128x128xf32, #tpu.memory_space<vmem>>) offsets(%arg8 : memref<128xi32, #tpu.memory_space<vmem>>) semaphore(%arg15 : memref<!tpu.dma_semaphore, #tpu.memory_space<semaphore_mem>>)
    %scan3A_239 = arith.constant 0 : i32
    %scan3A_240 = arith.constant 0 : i32
    %scan3A_241 = arith.constant 40 : i32
    %scan3A_242 = arith.addi %scan3A_240, %scan3A_241 : i32
    %scan3A_243 = arith.constant 1 : i32
    scf.for %scan3A_344 = %scan3A_240 to %scan3A_242 step %scan3A_243  : i32 {
      %mul3A_345 = arith.constant 2 : i32
      %mul3A_346 = arith.muli %scan3A_344, %mul3A_345 : i32
      %add3A_347 = arith.constant 0 : i32
      %add3A_348 = arith.addi %mul3A_346, %add3A_347 : i32
      %dma_wait3A_349 = arith.constant 0 : i32
      %dma_wait3A_350 = arith.constant 0 : i32
      %dma_wait3A_351 = tpu.memref_slice %arg4[%dma_wait3A_349, %dma_wait3A_350] : memref<10240x128xf32, #tpu.memory_space<hbm>> -> memref<10240x128xf32, #tpu.memory_space<hbm>>
      tpu.wait_indirect_dma semaphore(%arg15 : memref<!tpu.dma_semaphore, #tpu.memory_space<semaphore_mem>>) src(%dma_wait3A_351 : memref<10240x128xf32, #tpu.memory_space<hbm>>) dst(%arg12 : memref<128x128xf32, #tpu.memory_space<vmem>>)
      %get3A_352 = arith.index_cast %scan3A_344 : i32 to index
      %get3A_353 = arith.constant 0 : index
      %get3A_354 = tpu.vector_load %arg7[%get3A_352, %get3A_353] {strides = array<i32>} : memref<40x128xi32, #tpu.memory_space<vmem>>, vector<1x16xi32>,
      %get3A_355 = vector.shape_cast %get3A_354 : vector<1x16xi32> to vector<16xi32>
      %and3A_356 = arith.constant 65535 : i32
      %and3A_357 = vector.broadcast %and3A_356 : i32 to vector<16xi32>
      %and3A_358 = arith.andi %get3A_355, %and3A_357 : vector<16xi32>
      %swap3A_359 = arith.constant 0 : index
      %swap3A_360 = tpu.vector_load %arg10[%swap3A_359] {strides = array<i32>} : memref<128xi32, #tpu.memory_space<vmem>>, vector<16xi32>,
      %swap3A_361 = vector.shape_cast %swap3A_360 : vector<16xi32> to vector<16xi32>
      %swap3A_362 = vector.shape_cast %and3A_358 : vector<16xi32> to vector<16xi32>
      tpu.vector_store %arg10[%swap3A_359], %swap3A_362 {strides = array<i32>} : memref<128xi32, #tpu.memory_space<vmem>>, vector<16xi32>,
      %shift_right_logical3A_363 = arith.constant 16 : i32
      %shift_right_logical3A_364 = vector.broadcast %shift_right_logical3A_363 : i32 to vector<16xi32>
      %shift_right_logical3A_365 = arith.shrui %get3A_355, %shift_right_logical3A_364 : vector<16xi32>
      %swap3A_366 = arith.constant 64 : index
      %swap3A_367 = tpu.vector_load %arg10[%swap3A_366] {strides = array<i32>} : memref<128xi32, #tpu.memory_space<vmem>>, vector<16xi32>,
      %swap3A_368 = vector.shape_cast %swap3A_367 : vector<16xi32> to vector<16xi32>
      %swap3A_369 = vector.shape_cast %shift_right_logical3A_365 : vector<16xi32> to vector<16xi32>
      tpu.vector_store %arg10[%swap3A_366], %swap3A_369 {strides = array<i32>} : memref<128xi32, #tpu.memory_space<vmem>>, vector<16xi32>,
      %get3A_370 = arith.index_cast %scan3A_344 : i32 to index
      %get3A_371 = arith.constant 16 : index
      %get3A_372 = tpu.vector_load %arg7[%get3A_370, %get3A_371] {strides = array<i32>} : memref<40x128xi32, #tpu.memory_space<vmem>>, vector<1x16xi32>,
      %get3A_373 = vector.shape_cast %get3A_372 : vector<1x16xi32> to vector<16xi32>
      %and3A_374 = arith.constant 65535 : i32
      %and3A_375 = vector.broadcast %and3A_374 : i32 to vector<16xi32>
      %and3A_376 = arith.andi %get3A_373, %and3A_375 : vector<16xi32>
      %swap3A_377 = arith.constant 16 : index
      %swap3A_378 = tpu.vector_load %arg10[%swap3A_377] {strides = array<i32>} : memref<128xi32, #tpu.memory_space<vmem>>, vector<16xi32>,
      %swap3A_379 = vector.shape_cast %swap3A_378 : vector<16xi32> to vector<16xi32>
      %swap3A_380 = vector.shape_cast %and3A_376 : vector<16xi32> to vector<16xi32>
      tpu.vector_store %arg10[%swap3A_377], %swap3A_380 {strides = array<i32>} : memref<128xi32, #tpu.memory_space<vmem>>, vector<16xi32>,
      %shift_right_logical3A_381 = arith.constant 16 : i32
      %shift_right_logical3A_382 = vector.broadcast %shift_right_logical3A_381 : i32 to vector<16xi32>
      %shift_right_logical3A_383 = arith.shrui %get3A_373, %shift_right_logical3A_382 : vector<16xi32>
      %swap3A_384 = arith.constant 80 : index
      %swap3A_385 = tpu.vector_load %arg10[%swap3A_384] {strides = array<i32>} : memref<128xi32, #tpu.memory_space<vmem>>, vector<16xi32>,
      %swap3A_386 = vector.shape_cast %swap3A_385 : vector<16xi32> to vector<16xi32>
      %swap3A_387 = vector.shape_cast %shift_right_logical3A_383 : vector<16xi32> to vector<16xi32>
      tpu.vector_store %arg10[%swap3A_384], %swap3A_387 {strides = array<i32>} : memref<128xi32, #tpu.memory_space<vmem>>, vector<16xi32>,
      %get3A_388 = arith.index_cast %scan3A_344 : i32 to index
      %get3A_389 = arith.constant 32 : index
      %get3A_390 = tpu.vector_load %arg7[%get3A_388, %get3A_389] {strides = array<i32>} : memref<40x128xi32, #tpu.memory_space<vmem>>, vector<1x16xi32>,
      %get3A_391 = vector.shape_cast %get3A_390 : vector<1x16xi32> to vector<16xi32>
      %and3A_392 = arith.constant 65535 : i32
      %and3A_393 = vector.broadcast %and3A_392 : i32 to vector<16xi32>
      %and3A_394 = arith.andi %get3A_391, %and3A_393 : vector<16xi32>
      %swap3A_395 = arith.constant 32 : index
      %swap3A_396 = tpu.vector_load %arg10[%swap3A_395] {strides = array<i32>} : memref<128xi32, #tpu.memory_space<vmem>>, vector<16xi32>,
      %swap3A_397 = vector.shape_cast %swap3A_396 : vector<16xi32> to vector<16xi32>
      %swap3A_398 = vector.shape_cast %and3A_394 : vector<16xi32> to vector<16xi32>
      tpu.vector_store %arg10[%swap3A_395], %swap3A_398 {strides = array<i32>} : memref<128xi32, #tpu.memory_space<vmem>>, vector<16xi32>,
      %shift_right_logical3A_399 = arith.constant 16 : i32
      %shift_right_logical3A_400 = vector.broadcast %shift_right_logical3A_399 : i32 to vector<16xi32>
      %shift_right_logical3A_401 = arith.shrui %get3A_391, %shift_right_logical3A_400 : vector<16xi32>
      %swap3A_402 = arith.constant 96 : index
      %swap3A_403 = tpu.vector_load %arg10[%swap3A_402] {strides = array<i32>} : memref<128xi32, #tpu.memory_space<vmem>>, vector<16xi32>,
      %swap3A_404 = vector.shape_cast %swap3A_403 : vector<16xi32> to vector<16xi32>
      %swap3A_405 = vector.shape_cast %shift_right_logical3A_401 : vector<16xi32> to vector<16xi32>
      tpu.vector_store %arg10[%swap3A_402], %swap3A_405 {strides = array<i32>} : memref<128xi32, #tpu.memory_space<vmem>>, vector<16xi32>,
      %get3A_406 = arith.index_cast %scan3A_344 : i32 to index
      %get3A_407 = arith.constant 48 : index
      %get3A_408 = tpu.vector_load %arg7[%get3A_406, %get3A_407] {strides = array<i32>} : memref<40x128xi32, #tpu.memory_space<vmem>>, vector<1x16xi32>,
      %get3A_409 = vector.shape_cast %get3A_408 : vector<1x16xi32> to vector<16xi32>
      %and3A_410 = arith.constant 65535 : i32
      %and3A_411 = vector.broadcast %and3A_410 : i32 to vector<16xi32>
      %and3A_412 = arith.andi %get3A_409, %and3A_411 : vector<16xi32>
      %swap3A_413 = arith.constant 48 : index
      %swap3A_414 = tpu.vector_load %arg10[%swap3A_413] {strides = array<i32>} : memref<128xi32, #tpu.memory_space<vmem>>, vector<16xi32>,
      %swap3A_415 = vector.shape_cast %swap3A_414 : vector<16xi32> to vector<16xi32>
      %swap3A_416 = vector.shape_cast %and3A_412 : vector<16xi32> to vector<16xi32>
      tpu.vector_store %arg10[%swap3A_413], %swap3A_416 {strides = array<i32>} : memref<128xi32, #tpu.memory_space<vmem>>, vector<16xi32>,
      %shift_right_logical3A_417 = arith.constant 16 : i32
      %shift_right_logical3A_418 = vector.broadcast %shift_right_logical3A_417 : i32 to vector<16xi32>
      %shift_right_logical3A_419 = arith.shrui %get3A_409, %shift_right_logical3A_418 : vector<16xi32>
      %swap3A_420 = arith.constant 112 : index
      %swap3A_421 = tpu.vector_load %arg10[%swap3A_420] {strides = array<i32>} : memref<128xi32, #tpu.memory_space<vmem>>, vector<16xi32>,
      %swap3A_422 = vector.shape_cast %swap3A_421 : vector<16xi32> to vector<16xi32>
      %swap3A_423 = vector.shape_cast %shift_right_logical3A_419 : vector<16xi32> to vector<16xi32>
      tpu.vector_store %arg10[%swap3A_420], %swap3A_423 {strides = array<i32>} : memref<128xi32, #tpu.memory_space<vmem>>, vector<16xi32>,
      "tpu.region"() ({
        %run_scoped3A = tpu.sem_alloc : memref<!tpu.dma_semaphore, #tpu.memory_space<semaphore_mem>>
        %dma_start3A_514 = arith.constant 0 : i32
        %dma_start3A_515 = arith.constant 0 : i32
        %dma_start3A_516 = tpu.memref_slice %arg14[%dma_start3A_514, %dma_start3A_515] : memref<10240x128xf32, #tpu.memory_space<vmem_shared>> -> memref<10240x128xf32, #tpu.memory_space<vmem_shared>>
        tpu.enqueue_indirect_dma source(%arg12 : memref<128x128xf32, #tpu.memory_space<vmem>>) target(%dma_start3A_516 : memref<10240x128xf32, #tpu.memory_space<vmem_shared>>) offsets(%arg10 : memref<128xi32, #tpu.memory_space<vmem>>) semaphore(%run_scoped3A : memref<!tpu.dma_semaphore, #tpu.memory_space<semaphore_mem>>) {add = true}
        %dma_wait3A_517 = arith.constant 0 : i32
        %dma_wait3A_518 = arith.constant 0 : i32
        %dma_wait3A_519 = tpu.memref_slice %arg14[%dma_wait3A_517, %dma_wait3A_518] : memref<10240x128xf32, #tpu.memory_space<vmem_shared>> -> memref<10240x128xf32, #tpu.memory_space<vmem_shared>>
        tpu.wait_indirect_dma semaphore(%run_scoped3A : memref<!tpu.dma_semaphore, #tpu.memory_space<semaphore_mem>>) src(%arg12 : memref<128x128xf32, #tpu.memory_space<vmem>>) dst(%dma_wait3A_519 : memref<10240x128xf32, #tpu.memory_space<vmem_shared>>)
        tpu.yield
      }) : () -> ()
      %add3A_424 = arith.constant 2 : i32
      %add3A_425 = arith.addi %add3A_348, %add3A_424 : i32
      %lt3A = arith.constant 80 : i32
      %lt3A_426 = arith.cmpi slt, %add3A_425, %lt3A : i32
      %convert_element_type3A = arith.extui %lt3A_426 : i1 to i32
      %cond3A = arith.constant 0 : i32
      %cond3A_427 = arith.cmpi ne, %convert_element_type3A, %cond3A : i32
      scf.if %cond3A_427 {
        %add3A_514 = arith.constant 1 : i32
        %add3A_515 = arith.addi %scan3A_344, %add3A_514 : i32
        %get3A_516 = arith.index_cast %add3A_515 : i32 to index
        %get3A_517 = arith.constant 0 : index
        %get3A_518 = tpu.vector_load %arg6[%get3A_516, %get3A_517] {strides = array<i32>} : memref<40x128xi32, #tpu.memory_space<vmem>>, vector<1x16xi32>,
        %get3A_519 = vector.shape_cast %get3A_518 : vector<1x16xi32> to vector<16xi32>
        %and3A_520 = arith.constant 65535 : i32
        %and3A_521 = vector.broadcast %and3A_520 : i32 to vector<16xi32>
        %and3A_522 = arith.andi %get3A_519, %and3A_521 : vector<16xi32>
        %swap3A_523 = arith.constant 0 : index
        %swap3A_524 = tpu.vector_load %arg8[%swap3A_523] {strides = array<i32>} : memref<128xi32, #tpu.memory_space<vmem>>, vector<16xi32>,
        %swap3A_525 = vector.shape_cast %swap3A_524 : vector<16xi32> to vector<16xi32>
        %swap3A_526 = vector.shape_cast %and3A_522 : vector<16xi32> to vector<16xi32>
        tpu.vector_store %arg8[%swap3A_523], %swap3A_526 {strides = array<i32>} : memref<128xi32, #tpu.memory_space<vmem>>, vector<16xi32>,
        %shift_right_logical3A_527 = arith.constant 16 : i32
        %shift_right_logical3A_528 = vector.broadcast %shift_right_logical3A_527 : i32 to vector<16xi32>
        %shift_right_logical3A_529 = arith.shrui %get3A_519, %shift_right_logical3A_528 : vector<16xi32>
        %swap3A_530 = arith.constant 64 : index
        %swap3A_531 = tpu.vector_load %arg8[%swap3A_530] {strides = array<i32>} : memref<128xi32, #tpu.memory_space<vmem>>, vector<16xi32>,
        %swap3A_532 = vector.shape_cast %swap3A_531 : vector<16xi32> to vector<16xi32>
        %swap3A_533 = vector.shape_cast %shift_right_logical3A_529 : vector<16xi32> to vector<16xi32>
        tpu.vector_store %arg8[%swap3A_530], %swap3A_533 {strides = array<i32>} : memref<128xi32, #tpu.memory_space<vmem>>, vector<16xi32>,
        %get3A_534 = arith.index_cast %add3A_515 : i32 to index
        %get3A_535 = arith.constant 16 : index
        %get3A_536 = tpu.vector_load %arg6[%get3A_534, %get3A_535] {strides = array<i32>} : memref<40x128xi32, #tpu.memory_space<vmem>>, vector<1x16xi32>,
        %get3A_537 = vector.shape_cast %get3A_536 : vector<1x16xi32> to vector<16xi32>
        %and3A_538 = arith.constant 65535 : i32
        %and3A_539 = vector.broadcast %and3A_538 : i32 to vector<16xi32>
        %and3A_540 = arith.andi %get3A_537, %and3A_539 : vector<16xi32>
        %swap3A_541 = arith.constant 16 : index
        %swap3A_542 = tpu.vector_load %arg8[%swap3A_541] {strides = array<i32>} : memref<128xi32, #tpu.memory_space<vmem>>, vector<16xi32>,
        %swap3A_543 = vector.shape_cast %swap3A_542 : vector<16xi32> to vector<16xi32>
        %swap3A_544 = vector.shape_cast %and3A_540 : vector<16xi32> to vector<16xi32>
        tpu.vector_store %arg8[%swap3A_541], %swap3A_544 {strides = array<i32>} : memref<128xi32, #tpu.memory_space<vmem>>, vector<16xi32>,
        %shift_right_logical3A_545 = arith.constant 16 : i32
        %shift_right_logical3A_546 = vector.broadcast %shift_right_logical3A_545 : i32 to vector<16xi32>
        %shift_right_logical3A_547 = arith.shrui %get3A_537, %shift_right_logical3A_546 : vector<16xi32>
        %swap3A_548 = arith.constant 80 : index
        %swap3A_549 = tpu.vector_load %arg8[%swap3A_548] {strides = array<i32>} : memref<128xi32, #tpu.memory_space<vmem>>, vector<16xi32>,
        %swap3A_550 = vector.shape_cast %swap3A_549 : vector<16xi32> to vector<16xi32>
        %swap3A_551 = vector.shape_cast %shift_right_logical3A_547 : vector<16xi32> to vector<16xi32>
        tpu.vector_store %arg8[%swap3A_548], %swap3A_551 {strides = array<i32>} : memref<128xi32, #tpu.memory_space<vmem>>, vector<16xi32>,
        %get3A_552 = arith.index_cast %add3A_515 : i32 to index
        %get3A_553 = arith.constant 32 : index
        %get3A_554 = tpu.vector_load %arg6[%get3A_552, %get3A_553] {strides = array<i32>} : memref<40x128xi32, #tpu.memory_space<vmem>>, vector<1x16xi32>,
        %get3A_555 = vector.shape_cast %get3A_554 : vector<1x16xi32> to vector<16xi32>
        %and3A_556 = arith.constant 65535 : i32
        %and3A_557 = vector.broadcast %and3A_556 : i32 to vector<16xi32>
        %and3A_558 = arith.andi %get3A_555, %and3A_557 : vector<16xi32>
        %swap3A_559 = arith.constant 32 : index
        %swap3A_560 = tpu.vector_load %arg8[%swap3A_559] {strides = array<i32>} : memref<128xi32, #tpu.memory_space<vmem>>, vector<16xi32>,
        %swap3A_561 = vector.shape_cast %swap3A_560 : vector<16xi32> to vector<16xi32>
        %swap3A_562 = vector.shape_cast %and3A_558 : vector<16xi32> to vector<16xi32>
        tpu.vector_store %arg8[%swap3A_559], %swap3A_562 {strides = array<i32>} : memref<128xi32, #tpu.memory_space<vmem>>, vector<16xi32>,
        %shift_right_logical3A_563 = arith.constant 16 : i32
        %shift_right_logical3A_564 = vector.broadcast %shift_right_logical3A_563 : i32 to vector<16xi32>
        %shift_right_logical3A_565 = arith.shrui %get3A_555, %shift_right_logical3A_564 : vector<16xi32>
        %swap3A_566 = arith.constant 96 : index
        %swap3A_567 = tpu.vector_load %arg8[%swap3A_566] {strides = array<i32>} : memref<128xi32, #tpu.memory_space<vmem>>, vector<16xi32>,
        %swap3A_568 = vector.shape_cast %swap3A_567 : vector<16xi32> to vector<16xi32>
        %swap3A_569 = vector.shape_cast %shift_right_logical3A_565 : vector<16xi32> to vector<16xi32>
        tpu.vector_store %arg8[%swap3A_566], %swap3A_569 {strides = array<i32>} : memref<128xi32, #tpu.memory_space<vmem>>, vector<16xi32>,
        %get3A_570 = arith.index_cast %add3A_515 : i32 to index
        %get3A_571 = arith.constant 48 : index
        %get3A_572 = tpu.vector_load %arg6[%get3A_570, %get3A_571] {strides = array<i32>} : memref<40x128xi32, #tpu.memory_space<vmem>>, vector<1x16xi32>,
        %get3A_573 = vector.shape_cast %get3A_572 : vector<1x16xi32> to vector<16xi32>
        %and3A_574 = arith.constant 65535 : i32
        %and3A_575 = vector.broadcast %and3A_574 : i32 to vector<16xi32>
        %and3A_576 = arith.andi %get3A_573, %and3A_575 : vector<16xi32>
        %swap3A_577 = arith.constant 48 : index
        %swap3A_578 = tpu.vector_load %arg8[%swap3A_577] {strides = array<i32>} : memref<128xi32, #tpu.memory_space<vmem>>, vector<16xi32>,
        %swap3A_579 = vector.shape_cast %swap3A_578 : vector<16xi32> to vector<16xi32>
        %swap3A_580 = vector.shape_cast %and3A_576 : vector<16xi32> to vector<16xi32>
        tpu.vector_store %arg8[%swap3A_577], %swap3A_580 {strides = array<i32>} : memref<128xi32, #tpu.memory_space<vmem>>, vector<16xi32>,
        %shift_right_logical3A_581 = arith.constant 16 : i32
        %shift_right_logical3A_582 = vector.broadcast %shift_right_logical3A_581 : i32 to vector<16xi32>
        %shift_right_logical3A_583 = arith.shrui %get3A_573, %shift_right_logical3A_582 : vector<16xi32>
        %swap3A_584 = arith.constant 112 : index
        %swap3A_585 = tpu.vector_load %arg8[%swap3A_584] {strides = array<i32>} : memref<128xi32, #tpu.memory_space<vmem>>, vector<16xi32>,
        %swap3A_586 = vector.shape_cast %swap3A_585 : vector<16xi32> to vector<16xi32>
        %swap3A_587 = vector.shape_cast %shift_right_logical3A_583 : vector<16xi32> to vector<16xi32>
        tpu.vector_store %arg8[%swap3A_584], %swap3A_587 {strides = array<i32>} : memref<128xi32, #tpu.memory_space<vmem>>, vector<16xi32>,
        %dma_start3A_588 = arith.constant 0 : i32
        %dma_start3A_589 = arith.constant 0 : i32
        %dma_start3A_590 = tpu.memref_slice %arg4[%dma_start3A_588, %dma_start3A_589] : memref<10240x128xf32, #tpu.memory_space<hbm>> -> memref<10240x128xf32, #tpu.memory_space<hbm>>
        tpu.enqueue_indirect_dma source(%dma_start3A_590 : memref<10240x128xf32, #tpu.memory_space<hbm>>) target(%arg12 : memref<128x128xf32, #tpu.memory_space<vmem>>) offsets(%arg8 : memref<128xi32, #tpu.memory_space<vmem>>) semaphore(%arg15 : memref<!tpu.dma_semaphore, #tpu.memory_space<semaphore_mem>>)
      } else {
      }
      %mul3A_428 = arith.constant 2 : i32
      %mul3A_429 = arith.muli %scan3A_344, %mul3A_428 : i32
      %add3A_430 = arith.constant 1 : i32
      %add3A_431 = arith.addi %mul3A_429, %add3A_430 : i32
      %dma_wait3A_432 = arith.constant 0 : i32
      %dma_wait3A_433 = arith.constant 0 : i32
      %dma_wait3A_434 = tpu.memref_slice %arg4[%dma_wait3A_432, %dma_wait3A_433] : memref<10240x128xf32, #tpu.memory_space<hbm>> -> memref<10240x128xf32, #tpu.memory_space<hbm>>
      tpu.wait_indirect_dma semaphore(%arg16 : memref<!tpu.dma_semaphore, #tpu.memory_space<semaphore_mem>>) src(%dma_wait3A_434 : memref<10240x128xf32, #tpu.memory_space<hbm>>) dst(%arg13 : memref<128x128xf32, #tpu.memory_space<vmem>>)
      %get3A_435 = arith.index_cast %scan3A_344 : i32 to index
      %get3A_436 = arith.constant 64 : index
      %get3A_437 = tpu.vector_load %arg7[%get3A_435, %get3A_436] {strides = array<i32>} : memref<40x128xi32, #tpu.memory_space<vmem>>, vector<1x16xi32>,
      %get3A_438 = vector.shape_cast %get3A_437 : vector<1x16xi32> to vector<16xi32>
      %and3A_439 = arith.constant 65535 : i32
      %and3A_440 = vector.broadcast %and3A_439 : i32 to vector<16xi32>
      %and3A_441 = arith.andi %get3A_438, %and3A_440 : vector<16xi32>
      %swap3A_442 = arith.constant 0 : index
      %swap3A_443 = tpu.vector_load %arg11[%swap3A_442] {strides = array<i32>} : memref<128xi32, #tpu.memory_space<vmem>>, vector<16xi32>,
      %swap3A_444 = vector.shape_cast %swap3A_443 : vector<16xi32> to vector<16xi32>
      %swap3A_445 = vector.shape_cast %and3A_441 : vector<16xi32> to vector<16xi32>
      tpu.vector_store %arg11[%swap3A_442], %swap3A_445 {strides = array<i32>} : memref<128xi32, #tpu.memory_space<vmem>>, vector<16xi32>,
      %shift_right_logical3A_446 = arith.constant 16 : i32
      %shift_right_logical3A_447 = vector.broadcast %shift_right_logical3A_446 : i32 to vector<16xi32>
      %shift_right_logical3A_448 = arith.shrui %get3A_438, %shift_right_logical3A_447 : vector<16xi32>
      %swap3A_449 = arith.constant 64 : index
      %swap3A_450 = tpu.vector_load %arg11[%swap3A_449] {strides = array<i32>} : memref<128xi32, #tpu.memory_space<vmem>>, vector<16xi32>,
      %swap3A_451 = vector.shape_cast %swap3A_450 : vector<16xi32> to vector<16xi32>
      %swap3A_452 = vector.shape_cast %shift_right_logical3A_448 : vector<16xi32> to vector<16xi32>
      tpu.vector_store %arg11[%swap3A_449], %swap3A_452 {strides = array<i32>} : memref<128xi32, #tpu.memory_space<vmem>>, vector<16xi32>,
      %get3A_453 = arith.index_cast %scan3A_344 : i32 to index
      %get3A_454 = arith.constant 80 : index
      %get3A_455 = tpu.vector_load %arg7[%get3A_453, %get3A_454] {strides = array<i32>} : memref<40x128xi32, #tpu.memory_space<vmem>>, vector<1x16xi32>,
      %get3A_456 = vector.shape_cast %get3A_455 : vector<1x16xi32> to vector<16xi32>
      %and3A_457 = arith.constant 65535 : i32
      %and3A_458 = vector.broadcast %and3A_457 : i32 to vector<16xi32>
      %and3A_459 = arith.andi %get3A_456, %and3A_458 : vector<16xi32>
      %swap3A_460 = arith.constant 16 : index
      %swap3A_461 = tpu.vector_load %arg11[%swap3A_460] {strides = array<i32>} : memref<128xi32, #tpu.memory_space<vmem>>, vector<16xi32>,
      %swap3A_462 = vector.shape_cast %swap3A_461 : vector<16xi32> to vector<16xi32>
      %swap3A_463 = vector.shape_cast %and3A_459 : vector<16xi32> to vector<16xi32>
      tpu.vector_store %arg11[%swap3A_460], %swap3A_463 {strides = array<i32>} : memref<128xi32, #tpu.memory_space<vmem>>, vector<16xi32>,
      %shift_right_logical3A_464 = arith.constant 16 : i32
      %shift_right_logical3A_465 = vector.broadcast %shift_right_logical3A_464 : i32 to vector<16xi32>
      %shift_right_logical3A_466 = arith.shrui %get3A_456, %shift_right_logical3A_465 : vector<16xi32>
      %swap3A_467 = arith.constant 80 : index
      %swap3A_468 = tpu.vector_load %arg11[%swap3A_467] {strides = array<i32>} : memref<128xi32, #tpu.memory_space<vmem>>, vector<16xi32>,
      %swap3A_469 = vector.shape_cast %swap3A_468 : vector<16xi32> to vector<16xi32>
      %swap3A_470 = vector.shape_cast %shift_right_logical3A_466 : vector<16xi32> to vector<16xi32>
      tpu.vector_store %arg11[%swap3A_467], %swap3A_470 {strides = array<i32>} : memref<128xi32, #tpu.memory_space<vmem>>, vector<16xi32>,
      %get3A_471 = arith.index_cast %scan3A_344 : i32 to index
      %get3A_472 = arith.constant 96 : index
      %get3A_473 = tpu.vector_load %arg7[%get3A_471, %get3A_472] {strides = array<i32>} : memref<40x128xi32, #tpu.memory_space<vmem>>, vector<1x16xi32>,
      %get3A_474 = vector.shape_cast %get3A_473 : vector<1x16xi32> to vector<16xi32>
      %and3A_475 = arith.constant 65535 : i32
      %and3A_476 = vector.broadcast %and3A_475 : i32 to vector<16xi32>
      %and3A_477 = arith.andi %get3A_474, %and3A_476 : vector<16xi32>
      %swap3A_478 = arith.constant 32 : index
      %swap3A_479 = tpu.vector_load %arg11[%swap3A_478] {strides = array<i32>} : memref<128xi32, #tpu.memory_space<vmem>>, vector<16xi32>,
      %swap3A_480 = vector.shape_cast %swap3A_479 : vector<16xi32> to vector<16xi32>
      %swap3A_481 = vector.shape_cast %and3A_477 : vector<16xi32> to vector<16xi32>
      tpu.vector_store %arg11[%swap3A_478], %swap3A_481 {strides = array<i32>} : memref<128xi32, #tpu.memory_space<vmem>>, vector<16xi32>,
      %shift_right_logical3A_482 = arith.constant 16 : i32
      %shift_right_logical3A_483 = vector.broadcast %shift_right_logical3A_482 : i32 to vector<16xi32>
      %shift_right_logical3A_484 = arith.shrui %get3A_474, %shift_right_logical3A_483 : vector<16xi32>
      %swap3A_485 = arith.constant 96 : index
      %swap3A_486 = tpu.vector_load %arg11[%swap3A_485] {strides = array<i32>} : memref<128xi32, #tpu.memory_space<vmem>>, vector<16xi32>,
      %swap3A_487 = vector.shape_cast %swap3A_486 : vector<16xi32> to vector<16xi32>
      %swap3A_488 = vector.shape_cast %shift_right_logical3A_484 : vector<16xi32> to vector<16xi32>
      tpu.vector_store %arg11[%swap3A_485], %swap3A_488 {strides = array<i32>} : memref<128xi32, #tpu.memory_space<vmem>>, vector<16xi32>,
      %get3A_489 = arith.index_cast %scan3A_344 : i32 to index
      %get3A_490 = arith.constant 112 : index
      %get3A_491 = tpu.vector_load %arg7[%get3A_489, %get3A_490] {strides = array<i32>} : memref<40x128xi32, #tpu.memory_space<vmem>>, vector<1x16xi32>,
      %get3A_492 = vector.shape_cast %get3A_491 : vector<1x16xi32> to vector<16xi32>
      %and3A_493 = arith.constant 65535 : i32
      %and3A_494 = vector.broadcast %and3A_493 : i32 to vector<16xi32>
      %and3A_495 = arith.andi %get3A_492, %and3A_494 : vector<16xi32>
      %swap3A_496 = arith.constant 48 : index
      %swap3A_497 = tpu.vector_load %arg11[%swap3A_496] {strides = array<i32>} : memref<128xi32, #tpu.memory_space<vmem>>, vector<16xi32>,
      %swap3A_498 = vector.shape_cast %swap3A_497 : vector<16xi32> to vector<16xi32>
      %swap3A_499 = vector.shape_cast %and3A_495 : vector<16xi32> to vector<16xi32>
      tpu.vector_store %arg11[%swap3A_496], %swap3A_499 {strides = array<i32>} : memref<128xi32, #tpu.memory_space<vmem>>, vector<16xi32>,
      %shift_right_logical3A_500 = arith.constant 16 : i32
      %shift_right_logical3A_501 = vector.broadcast %shift_right_logical3A_500 : i32 to vector<16xi32>
      %shift_right_logical3A_502 = arith.shrui %get3A_492, %shift_right_logical3A_501 : vector<16xi32>
      %swap3A_503 = arith.constant 112 : index
      %swap3A_504 = tpu.vector_load %arg11[%swap3A_503] {strides = array<i32>} : memref<128xi32, #tpu.memory_space<vmem>>, vector<16xi32>,
      %swap3A_505 = vector.shape_cast %swap3A_504 : vector<16xi32> to vector<16xi32>
      %swap3A_506 = vector.shape_cast %shift_right_logical3A_502 : vector<16xi32> to vector<16xi32>
      tpu.vector_store %arg11[%swap3A_503], %swap3A_506 {strides = array<i32>} : memref<128xi32, #tpu.memory_space<vmem>>, vector<16xi32>,
      "tpu.region"() ({
        %run_scoped3A = tpu.sem_alloc : memref<!tpu.dma_semaphore, #tpu.memory_space<semaphore_mem>>
        %dma_start3A_514 = arith.constant 0 : i32
        %dma_start3A_515 = arith.constant 0 : i32
        %dma_start3A_516 = tpu.memref_slice %arg14[%dma_start3A_514, %dma_start3A_515] : memref<10240x128xf32, #tpu.memory_space<vmem_shared>> -> memref<10240x128xf32, #tpu.memory_space<vmem_shared>>
        tpu.enqueue_indirect_dma source(%arg13 : memref<128x128xf32, #tpu.memory_space<vmem>>) target(%dma_start3A_516 : memref<10240x128xf32, #tpu.memory_space<vmem_shared>>) offsets(%arg11 : memref<128xi32, #tpu.memory_space<vmem>>) semaphore(%run_scoped3A : memref<!tpu.dma_semaphore, #tpu.memory_space<semaphore_mem>>) {add = true}
        %dma_wait3A_517 = arith.constant 0 : i32
        %dma_wait3A_518 = arith.constant 0 : i32
        %dma_wait3A_519 = tpu.memref_slice %arg14[%dma_wait3A_517, %dma_wait3A_518] : memref<10240x128xf32, #tpu.memory_space<vmem_shared>> -> memref<10240x128xf32, #tpu.memory_space<vmem_shared>>
        tpu.wait_indirect_dma semaphore(%run_scoped3A : memref<!tpu.dma_semaphore, #tpu.memory_space<semaphore_mem>>) src(%arg13 : memref<128x128xf32, #tpu.memory_space<vmem>>) dst(%dma_wait3A_519 : memref<10240x128xf32, #tpu.memory_space<vmem_shared>>)
        tpu.yield
      }) : () -> ()
      %add3A_507 = arith.constant 2 : i32
      %add3A_508 = arith.addi %add3A_431, %add3A_507 : i32
      %lt3A_509 = arith.constant 80 : i32
      %lt3A_510 = arith.cmpi slt, %add3A_508, %lt3A_509 : i32
      %convert_element_type3A_511 = arith.extui %lt3A_510 : i1 to i32
      %cond3A_512 = arith.constant 0 : i32
      %cond3A_513 = arith.cmpi ne, %convert_element_type3A_511, %cond3A_512 : i32
      scf.if %cond3A_513 {
        %add3A_514 = arith.constant 1 : i32
        %add3A_515 = arith.addi %scan3A_344, %add3A_514 : i32
        %get3A_516 = arith.index_cast %add3A_515 : i32 to index
        %get3A_517 = arith.constant 64 : index
        %get3A_518 = tpu.vector_load %arg6[%get3A_516, %get3A_517] {strides = array<i32>} : memref<40x128xi32, #tpu.memory_space<vmem>>, vector<1x16xi32>,
        %get3A_519 = vector.shape_cast %get3A_518 : vector<1x16xi32> to vector<16xi32>
        %and3A_520 = arith.constant 65535 : i32
        %and3A_521 = vector.broadcast %and3A_520 : i32 to vector<16xi32>
        %and3A_522 = arith.andi %get3A_519, %and3A_521 : vector<16xi32>
        %swap3A_523 = arith.constant 0 : index
        %swap3A_524 = tpu.vector_load %arg9[%swap3A_523] {strides = array<i32>} : memref<128xi32, #tpu.memory_space<vmem>>, vector<16xi32>,
        %swap3A_525 = vector.shape_cast %swap3A_524 : vector<16xi32> to vector<16xi32>
        %swap3A_526 = vector.shape_cast %and3A_522 : vector<16xi32> to vector<16xi32>
        tpu.vector_store %arg9[%swap3A_523], %swap3A_526 {strides = array<i32>} : memref<128xi32, #tpu.memory_space<vmem>>, vector<16xi32>,
        %shift_right_logical3A_527 = arith.constant 16 : i32
        %shift_right_logical3A_528 = vector.broadcast %shift_right_logical3A_527 : i32 to vector<16xi32>
        %shift_right_logical3A_529 = arith.shrui %get3A_519, %shift_right_logical3A_528 : vector<16xi32>
        %swap3A_530 = arith.constant 64 : index
        %swap3A_531 = tpu.vector_load %arg9[%swap3A_530] {strides = array<i32>} : memref<128xi32, #tpu.memory_space<vmem>>, vector<16xi32>,
        %swap3A_532 = vector.shape_cast %swap3A_531 : vector<16xi32> to vector<16xi32>
        %swap3A_533 = vector.shape_cast %shift_right_logical3A_529 : vector<16xi32> to vector<16xi32>
        tpu.vector_store %arg9[%swap3A_530], %swap3A_533 {strides = array<i32>} : memref<128xi32, #tpu.memory_space<vmem>>, vector<16xi32>,
        %get3A_534 = arith.index_cast %add3A_515 : i32 to index
        %get3A_535 = arith.constant 80 : index
        %get3A_536 = tpu.vector_load %arg6[%get3A_534, %get3A_535] {strides = array<i32>} : memref<40x128xi32, #tpu.memory_space<vmem>>, vector<1x16xi32>,
        %get3A_537 = vector.shape_cast %get3A_536 : vector<1x16xi32> to vector<16xi32>
        %and3A_538 = arith.constant 65535 : i32
        %and3A_539 = vector.broadcast %and3A_538 : i32 to vector<16xi32>
        %and3A_540 = arith.andi %get3A_537, %and3A_539 : vector<16xi32>
        %swap3A_541 = arith.constant 16 : index
        %swap3A_542 = tpu.vector_load %arg9[%swap3A_541] {strides = array<i32>} : memref<128xi32, #tpu.memory_space<vmem>>, vector<16xi32>,
        %swap3A_543 = vector.shape_cast %swap3A_542 : vector<16xi32> to vector<16xi32>
        %swap3A_544 = vector.shape_cast %and3A_540 : vector<16xi32> to vector<16xi32>
        tpu.vector_store %arg9[%swap3A_541], %swap3A_544 {strides = array<i32>} : memref<128xi32, #tpu.memory_space<vmem>>, vector<16xi32>,
        %shift_right_logical3A_545 = arith.constant 16 : i32
        %shift_right_logical3A_546 = vector.broadcast %shift_right_logical3A_545 : i32 to vector<16xi32>
        %shift_right_logical3A_547 = arith.shrui %get3A_537, %shift_right_logical3A_546 : vector<16xi32>
        %swap3A_548 = arith.constant 80 : index
        %swap3A_549 = tpu.vector_load %arg9[%swap3A_548] {strides = array<i32>} : memref<128xi32, #tpu.memory_space<vmem>>, vector<16xi32>,
        %swap3A_550 = vector.shape_cast %swap3A_549 : vector<16xi32> to vector<16xi32>
        %swap3A_551 = vector.shape_cast %shift_right_logical3A_547 : vector<16xi32> to vector<16xi32>
        tpu.vector_store %arg9[%swap3A_548], %swap3A_551 {strides = array<i32>} : memref<128xi32, #tpu.memory_space<vmem>>, vector<16xi32>,
        %get3A_552 = arith.index_cast %add3A_515 : i32 to index
        %get3A_553 = arith.constant 96 : index
        %get3A_554 = tpu.vector_load %arg6[%get3A_552, %get3A_553] {strides = array<i32>} : memref<40x128xi32, #tpu.memory_space<vmem>>, vector<1x16xi32>,
        %get3A_555 = vector.shape_cast %get3A_554 : vector<1x16xi32> to vector<16xi32>
        %and3A_556 = arith.constant 65535 : i32
        %and3A_557 = vector.broadcast %and3A_556 : i32 to vector<16xi32>
        %and3A_558 = arith.andi %get3A_555, %and3A_557 : vector<16xi32>
        %swap3A_559 = arith.constant 32 : index
        %swap3A_560 = tpu.vector_load %arg9[%swap3A_559] {strides = array<i32>} : memref<128xi32, #tpu.memory_space<vmem>>, vector<16xi32>,
        %swap3A_561 = vector.shape_cast %swap3A_560 : vector<16xi32> to vector<16xi32>
        %swap3A_562 = vector.shape_cast %and3A_558 : vector<16xi32> to vector<16xi32>
        tpu.vector_store %arg9[%swap3A_559], %swap3A_562 {strides = array<i32>} : memref<128xi32, #tpu.memory_space<vmem>>, vector<16xi32>,
        %shift_right_logical3A_563 = arith.constant 16 : i32
        %shift_right_logical3A_564 = vector.broadcast %shift_right_logical3A_563 : i32 to vector<16xi32>
        %shift_right_logical3A_565 = arith.shrui %get3A_555, %shift_right_logical3A_564 : vector<16xi32>
        %swap3A_566 = arith.constant 96 : index
        %swap3A_567 = tpu.vector_load %arg9[%swap3A_566] {strides = array<i32>} : memref<128xi32, #tpu.memory_space<vmem>>, vector<16xi32>,
        %swap3A_568 = vector.shape_cast %swap3A_567 : vector<16xi32> to vector<16xi32>
        %swap3A_569 = vector.shape_cast %shift_right_logical3A_565 : vector<16xi32> to vector<16xi32>
        tpu.vector_store %arg9[%swap3A_566], %swap3A_569 {strides = array<i32>} : memref<128xi32, #tpu.memory_space<vmem>>, vector<16xi32>,
        %get3A_570 = arith.index_cast %add3A_515 : i32 to index
        %get3A_571 = arith.constant 112 : index
        %get3A_572 = tpu.vector_load %arg6[%get3A_570, %get3A_571] {strides = array<i32>} : memref<40x128xi32, #tpu.memory_space<vmem>>, vector<1x16xi32>,
        %get3A_573 = vector.shape_cast %get3A_572 : vector<1x16xi32> to vector<16xi32>
        %and3A_574 = arith.constant 65535 : i32
        %and3A_575 = vector.broadcast %and3A_574 : i32 to vector<16xi32>
        %and3A_576 = arith.andi %get3A_573, %and3A_575 : vector<16xi32>
        %swap3A_577 = arith.constant 48 : index
        %swap3A_578 = tpu.vector_load %arg9[%swap3A_577] {strides = array<i32>} : memref<128xi32, #tpu.memory_space<vmem>>, vector<16xi32>,
        %swap3A_579 = vector.shape_cast %swap3A_578 : vector<16xi32> to vector<16xi32>
        %swap3A_580 = vector.shape_cast %and3A_576 : vector<16xi32> to vector<16xi32>
        tpu.vector_store %arg9[%swap3A_577], %swap3A_580 {strides = array<i32>} : memref<128xi32, #tpu.memory_space<vmem>>, vector<16xi32>,
        %shift_right_logical3A_581 = arith.constant 16 : i32
        %shift_right_logical3A_582 = vector.broadcast %shift_right_logical3A_581 : i32 to vector<16xi32>
        %shift_right_logical3A_583 = arith.shrui %get3A_573, %shift_right_logical3A_582 : vector<16xi32>
        %swap3A_584 = arith.constant 112 : index
        %swap3A_585 = tpu.vector_load %arg9[%swap3A_584] {strides = array<i32>} : memref<128xi32, #tpu.memory_space<vmem>>, vector<16xi32>,
        %swap3A_586 = vector.shape_cast %swap3A_585 : vector<16xi32> to vector<16xi32>
        %swap3A_587 = vector.shape_cast %shift_right_logical3A_583 : vector<16xi32> to vector<16xi32>
        tpu.vector_store %arg9[%swap3A_584], %swap3A_587 {strides = array<i32>} : memref<128xi32, #tpu.memory_space<vmem>>, vector<16xi32>,
        %dma_start3A_588 = arith.constant 0 : i32
        %dma_start3A_589 = arith.constant 0 : i32
        %dma_start3A_590 = tpu.memref_slice %arg4[%dma_start3A_588, %dma_start3A_589] : memref<10240x128xf32, #tpu.memory_space<hbm>> -> memref<10240x128xf32, #tpu.memory_space<hbm>>
        tpu.enqueue_indirect_dma source(%dma_start3A_590 : memref<10240x128xf32, #tpu.memory_space<hbm>>) target(%arg13 : memref<128x128xf32, #tpu.memory_space<vmem>>) offsets(%arg9 : memref<128xi32, #tpu.memory_space<vmem>>) semaphore(%arg16 : memref<!tpu.dma_semaphore, #tpu.memory_space<semaphore_mem>>)
      } else {
      }
    }
    %scan3A_244 = arith.constant 40 : i32
    %barrier3A_245 = arith.constant 0 : index
    tpu.barrier barrier_id(%barrier3A_245)
    %mul3A_246 = arith.constant 640 : i32
    %mul3A_247 = arith.muli %arg1, %mul3A_246 : i32
    "tpu.region"() ({
      %run_scoped3A = tpu.sem_alloc : memref<!tpu.dma_semaphore, #tpu.memory_space<semaphore_mem>>
      %dma_start3A_344 = arith.constant 0 : i32
      %dma_start3A_345 = tpu.memref_slice %arg14[%mul3A_247, %dma_start3A_344] : memref<10240x128xf32, #tpu.memory_space<vmem_shared>> -> memref<128x128xf32, #tpu.memory_space<vmem_shared>>
      %dma_start3A_346 = arith.constant 0 : i32
      %dma_start3A_347 = tpu.memref_slice %arg14[%mul3A_247, %dma_start3A_346] : memref<10240x128xf32, #tpu.memory_space<vmem_shared>> -> memref<128x128xf32, #tpu.memory_space<vmem_shared>>
      tpu.enqueue_dma source(%dma_start3A_347 : memref<128x128xf32, #tpu.memory_space<vmem_shared>>) target(%arg12 : memref<128x128xf32, #tpu.memory_space<vmem>>) target_semaphore(%run_scoped3A : memref<!tpu.dma_semaphore, #tpu.memory_space<semaphore_mem>>)
      %dma_wait3A_348 = arith.constant 0 : i32
      %dma_wait3A_349 = tpu.memref_slice %arg14[%mul3A_247, %dma_wait3A_348] : memref<10240x128xf32, #tpu.memory_space<vmem_shared>> -> memref<128x128xf32, #tpu.memory_space<vmem_shared>>
      %dma_wait3A_350 = arith.constant 0 : i32
      %dma_wait3A_351 = tpu.memref_slice %arg14[%mul3A_247, %dma_wait3A_350] : memref<10240x128xf32, #tpu.memory_space<vmem_shared>> -> memref<128x128xf32, #tpu.memory_space<vmem_shared>>
      tpu.wait_dma2 semaphore(%run_scoped3A : memref<!tpu.dma_semaphore, #tpu.memory_space<semaphore_mem>>) src(%dma_wait3A_351 : memref<128x128xf32, #tpu.memory_space<vmem_shared>>) dst(%arg12 : memref<128x128xf32, #tpu.memory_space<vmem>>)
      tpu.yield
    }) : () -> ()
    %mul3A_248 = arith.constant 640 : i32
    %mul3A_249 = arith.muli %arg1, %mul3A_248 : i32
    %add3A_250 = arith.constant 0 : i32
    %add3A_251 = arith.addi %mul3A_249, %add3A_250 : i32
    %dma_start3A_252 = arith.constant 0 : i32
    %dma_start3A_253 = tpu.memref_slice %arg5[%arg0, %add3A_251, %dma_start3A_252] : memref<2x10240x128xf32, #tpu.memory_space<hbm>> -> memref<1x128x128xf32, #tpu.memory_space<hbm>>
    %dma_start3A_254 = tpu.memref_squeeze %dma_start3A_253 : memref<1x128x128xf32, #tpu.memory_space<hbm>> -> memref<128x128xf32, #tpu.memory_space<hbm>>
    %dma_start3A_255 = arith.constant 0 : i32
    %dma_start3A_256 = tpu.memref_slice %arg5[%arg0, %add3A_251, %dma_start3A_255] : memref<2x10240x128xf32, #tpu.memory_space<hbm>> -> memref<1x128x128xf32, #tpu.memory_space<hbm>>
    %dma_start3A_257 = tpu.memref_squeeze %dma_start3A_256 : memref<1x128x128xf32, #tpu.memory_space<hbm>> -> memref<128x128xf32, #tpu.memory_space<hbm>>
    tpu.enqueue_dma source(%arg12 : memref<128x128xf32, #tpu.memory_space<vmem>>) target(%dma_start3A_257 : memref<128x128xf32, #tpu.memory_space<hbm>>) target_semaphore(%arg15 : memref<!tpu.dma_semaphore, #tpu.memory_space<semaphore_mem>>)
    %mul3A_258 = arith.constant 640 : i32
    %mul3A_259 = arith.muli %arg1, %mul3A_258 : i32
    %add3A_260 = arith.constant 128 : i32
    %add3A_261 = arith.addi %mul3A_259, %add3A_260 : i32
    "tpu.region"() ({
      %run_scoped3A = tpu.sem_alloc : memref<!tpu.dma_semaphore, #tpu.memory_space<semaphore_mem>>
      %dma_start3A_344 = arith.constant 0 : i32
      %dma_start3A_345 = tpu.memref_slice %arg14[%add3A_261, %dma_start3A_344] : memref<10240x128xf32, #tpu.memory_space<vmem_shared>> -> memref<128x128xf32, #tpu.memory_space<vmem_shared>>
      %dma_start3A_346 = arith.constant 0 : i32
      %dma_start3A_347 = tpu.memref_slice %arg14[%add3A_261, %dma_start3A_346] : memref<10240x128xf32, #tpu.memory_space<vmem_shared>> -> memref<128x128xf32, #tpu.memory_space<vmem_shared>>
      tpu.enqueue_dma source(%dma_start3A_347 : memref<128x128xf32, #tpu.memory_space<vmem_shared>>) target(%arg13 : memref<128x128xf32, #tpu.memory_space<vmem>>) target_semaphore(%run_scoped3A : memref<!tpu.dma_semaphore, #tpu.memory_space<semaphore_mem>>)
      %dma_wait3A_348 = arith.constant 0 : i32
      %dma_wait3A_349 = tpu.memref_slice %arg14[%add3A_261, %dma_wait3A_348] : memref<10240x128xf32, #tpu.memory_space<vmem_shared>> -> memref<128x128xf32, #tpu.memory_space<vmem_shared>>
      %dma_wait3A_350 = arith.constant 0 : i32
      %dma_wait3A_351 = tpu.memref_slice %arg14[%add3A_261, %dma_wait3A_350] : memref<10240x128xf32, #tpu.memory_space<vmem_shared>> -> memref<128x128xf32, #tpu.memory_space<vmem_shared>>
      tpu.wait_dma2 semaphore(%run_scoped3A : memref<!tpu.dma_semaphore, #tpu.memory_space<semaphore_mem>>) src(%dma_wait3A_351 : memref<128x128xf32, #tpu.memory_space<vmem_shared>>) dst(%arg13 : memref<128x128xf32, #tpu.memory_space<vmem>>)
      tpu.yield
    }) : () -> ()
    %dma_wait3A_262 = arith.constant 0 : i32
    %dma_wait3A_263 = tpu.memref_slice %arg5[%arg0, %add3A_251, %dma_wait3A_262] : memref<2x10240x128xf32, #tpu.memory_space<hbm>> -> memref<1x128x128xf32, #tpu.memory_space<hbm>>
    %dma_wait3A_264 = tpu.memref_squeeze %dma_wait3A_263 : memref<1x128x128xf32, #tpu.memory_space<hbm>> -> memref<128x128xf32, #tpu.memory_space<hbm>>
    %dma_wait3A_265 = arith.constant 0 : i32
    %dma_wait3A_266 = tpu.memref_slice %arg5[%arg0, %add3A_251, %dma_wait3A_265] : memref<2x10240x128xf32, #tpu.memory_space<hbm>> -> memref<1x128x128xf32, #tpu.memory_space<hbm>>
    %dma_wait3A_267 = tpu.memref_squeeze %dma_wait3A_266 : memref<1x128x128xf32, #tpu.memory_space<hbm>> -> memref<128x128xf32, #tpu.memory_space<hbm>>
    tpu.wait_dma2 semaphore(%arg15 : memref<!tpu.dma_semaphore, #tpu.memory_space<semaphore_mem>>) src(%arg12 : memref<128x128xf32, #tpu.memory_space<vmem>>) dst(%dma_wait3A_267 : memref<128x128xf32, #tpu.memory_space<hbm>>)
    %mul3A_268 = arith.constant 640 : i32
    %mul3A_269 = arith.muli %arg1, %mul3A_268 : i32
    %add3A_270 = arith.constant 128 : i32
    %add3A_271 = arith.addi %mul3A_269, %add3A_270 : i32
    %dma_start3A_272 = arith.constant 0 : i32
    %dma_start3A_273 = tpu.memref_slice %arg5[%arg0, %add3A_271, %dma_start3A_272] : memref<2x10240x128xf32, #tpu.memory_space<hbm>> -> memref<1x128x128xf32, #tpu.memory_space<hbm>>
    %dma_start3A_274 = tpu.memref_squeeze %dma_start3A_273 : memref<1x128x128xf32, #tpu.memory_space<hbm>> -> memref<128x128xf32, #tpu.memory_space<hbm>>
    %dma_start3A_275 = arith.constant 0 : i32
    %dma_start3A_276 = tpu.memref_slice %arg5[%arg0, %add3A_271, %dma_start3A_275] : memref<2x10240x128xf32, #tpu.memory_space<hbm>> -> memref<1x128x128xf32, #tpu.memory_space<hbm>>
    %dma_start3A_277 = tpu.memref_squeeze %dma_start3A_276 : memref<1x128x128xf32, #tpu.memory_space<hbm>> -> memref<128x128xf32, #tpu.memory_space<hbm>>
    tpu.enqueue_dma source(%arg13 : memref<128x128xf32, #tpu.memory_space<vmem>>) target(%dma_start3A_277 : memref<128x128xf32, #tpu.memory_space<hbm>>) target_semaphore(%arg16 : memref<!tpu.dma_semaphore, #tpu.memory_space<semaphore_mem>>)
    %mul3A_278 = arith.constant 640 : i32
    %mul3A_279 = arith.muli %arg1, %mul3A_278 : i32
    %add3A_280 = arith.constant 256 : i32
    %add3A_281 = arith.addi %mul3A_279, %add3A_280 : i32
    "tpu.region"() ({
      %run_scoped3A = tpu.sem_alloc : memref<!tpu.dma_semaphore, #tpu.memory_space<semaphore_mem>>
      %dma_start3A_344 = arith.constant 0 : i32
      %dma_start3A_345 = tpu.memref_slice %arg14[%add3A_281, %dma_start3A_344] : memref<10240x128xf32, #tpu.memory_space<vmem_shared>> -> memref<128x128xf32, #tpu.memory_space<vmem_shared>>
      %dma_start3A_346 = arith.constant 0 : i32
      %dma_start3A_347 = tpu.memref_slice %arg14[%add3A_281, %dma_start3A_346] : memref<10240x128xf32, #tpu.memory_space<vmem_shared>> -> memref<128x128xf32, #tpu.memory_space<vmem_shared>>
      tpu.enqueue_dma source(%dma_start3A_347 : memref<128x128xf32, #tpu.memory_space<vmem_shared>>) target(%arg12 : memref<128x128xf32, #tpu.memory_space<vmem>>) target_semaphore(%run_scoped3A : memref<!tpu.dma_semaphore, #tpu.memory_space<semaphore_mem>>)
      %dma_wait3A_348 = arith.constant 0 : i32
      %dma_wait3A_349 = tpu.memref_slice %arg14[%add3A_281, %dma_wait3A_348] : memref<10240x128xf32, #tpu.memory_space<vmem_shared>> -> memref<128x128xf32, #tpu.memory_space<vmem_shared>>
      %dma_wait3A_350 = arith.constant 0 : i32
      %dma_wait3A_351 = tpu.memref_slice %arg14[%add3A_281, %dma_wait3A_350] : memref<10240x128xf32, #tpu.memory_space<vmem_shared>> -> memref<128x128xf32, #tpu.memory_space<vmem_shared>>
      tpu.wait_dma2 semaphore(%run_scoped3A : memref<!tpu.dma_semaphore, #tpu.memory_space<semaphore_mem>>) src(%dma_wait3A_351 : memref<128x128xf32, #tpu.memory_space<vmem_shared>>) dst(%arg12 : memref<128x128xf32, #tpu.memory_space<vmem>>)
      tpu.yield
    }) : () -> ()
    %dma_wait3A_282 = arith.constant 0 : i32
    %dma_wait3A_283 = tpu.memref_slice %arg5[%arg0, %add3A_271, %dma_wait3A_282] : memref<2x10240x128xf32, #tpu.memory_space<hbm>> -> memref<1x128x128xf32, #tpu.memory_space<hbm>>
    %dma_wait3A_284 = tpu.memref_squeeze %dma_wait3A_283 : memref<1x128x128xf32, #tpu.memory_space<hbm>> -> memref<128x128xf32, #tpu.memory_space<hbm>>
    %dma_wait3A_285 = arith.constant 0 : i32
    %dma_wait3A_286 = tpu.memref_slice %arg5[%arg0, %add3A_271, %dma_wait3A_285] : memref<2x10240x128xf32, #tpu.memory_space<hbm>> -> memref<1x128x128xf32, #tpu.memory_space<hbm>>
    %dma_wait3A_287 = tpu.memref_squeeze %dma_wait3A_286 : memref<1x128x128xf32, #tpu.memory_space<hbm>> -> memref<128x128xf32, #tpu.memory_space<hbm>>
    tpu.wait_dma2 semaphore(%arg16 : memref<!tpu.dma_semaphore, #tpu.memory_space<semaphore_mem>>) src(%arg13 : memref<128x128xf32, #tpu.memory_space<vmem>>) dst(%dma_wait3A_287 : memref<128x128xf32, #tpu.memory_space<hbm>>)
    %mul3A_288 = arith.constant 640 : i32
    %mul3A_289 = arith.muli %arg1, %mul3A_288 : i32
    %add3A_290 = arith.constant 256 : i32
    %add3A_291 = arith.addi %mul3A_289, %add3A_290 : i32
    %dma_start3A_292 = arith.constant 0 : i32
    %dma_start3A_293 = tpu.memref_slice %arg5[%arg0, %add3A_291, %dma_start3A_292] : memref<2x10240x128xf32, #tpu.memory_space<hbm>> -> memref<1x128x128xf32, #tpu.memory_space<hbm>>
    %dma_start3A_294 = tpu.memref_squeeze %dma_start3A_293 : memref<1x128x128xf32, #tpu.memory_space<hbm>> -> memref<128x128xf32, #tpu.memory_space<hbm>>
    %dma_start3A_295 = arith.constant 0 : i32
    %dma_start3A_296 = tpu.memref_slice %arg5[%arg0, %add3A_291, %dma_start3A_295] : memref<2x10240x128xf32, #tpu.memory_space<hbm>> -> memref<1x128x128xf32, #tpu.memory_space<hbm>>
    %dma_start3A_297 = tpu.memref_squeeze %dma_start3A_296 : memref<1x128x128xf32, #tpu.memory_space<hbm>> -> memref<128x128xf32, #tpu.memory_space<hbm>>
    tpu.enqueue_dma source(%arg12 : memref<128x128xf32, #tpu.memory_space<vmem>>) target(%dma_start3A_297 : memref<128x128xf32, #tpu.memory_space<hbm>>) target_semaphore(%arg15 : memref<!tpu.dma_semaphore, #tpu.memory_space<semaphore_mem>>)
    %mul3A_298 = arith.constant 640 : i32
    %mul3A_299 = arith.muli %arg1, %mul3A_298 : i32
    %add3A_300 = arith.constant 384 : i32
    %add3A_301 = arith.addi %mul3A_299, %add3A_300 : i32
    "tpu.region"() ({
      %run_scoped3A = tpu.sem_alloc : memref<!tpu.dma_semaphore, #tpu.memory_space<semaphore_mem>>
      %dma_start3A_344 = arith.constant 0 : i32
      %dma_start3A_345 = tpu.memref_slice %arg14[%add3A_301, %dma_start3A_344] : memref<10240x128xf32, #tpu.memory_space<vmem_shared>> -> memref<128x128xf32, #tpu.memory_space<vmem_shared>>
      %dma_start3A_346 = arith.constant 0 : i32
      %dma_start3A_347 = tpu.memref_slice %arg14[%add3A_301, %dma_start3A_346] : memref<10240x128xf32, #tpu.memory_space<vmem_shared>> -> memref<128x128xf32, #tpu.memory_space<vmem_shared>>
      tpu.enqueue_dma source(%dma_start3A_347 : memref<128x128xf32, #tpu.memory_space<vmem_shared>>) target(%arg13 : memref<128x128xf32, #tpu.memory_space<vmem>>) target_semaphore(%run_scoped3A : memref<!tpu.dma_semaphore, #tpu.memory_space<semaphore_mem>>)
      %dma_wait3A_348 = arith.constant 0 : i32
      %dma_wait3A_349 = tpu.memref_slice %arg14[%add3A_301, %dma_wait3A_348] : memref<10240x128xf32, #tpu.memory_space<vmem_shared>> -> memref<128x128xf32, #tpu.memory_space<vmem_shared>>
      %dma_wait3A_350 = arith.constant 0 : i32
      %dma_wait3A_351 = tpu.memref_slice %arg14[%add3A_301, %dma_wait3A_350] : memref<10240x128xf32, #tpu.memory_space<vmem_shared>> -> memref<128x128xf32, #tpu.memory_space<vmem_shared>>
      tpu.wait_dma2 semaphore(%run_scoped3A : memref<!tpu.dma_semaphore, #tpu.memory_space<semaphore_mem>>) src(%dma_wait3A_351 : memref<128x128xf32, #tpu.memory_space<vmem_shared>>) dst(%arg13 : memref<128x128xf32, #tpu.memory_space<vmem>>)
      tpu.yield
    }) : () -> ()
    %dma_wait3A_302 = arith.constant 0 : i32
    %dma_wait3A_303 = tpu.memref_slice %arg5[%arg0, %add3A_291, %dma_wait3A_302] : memref<2x10240x128xf32, #tpu.memory_space<hbm>> -> memref<1x128x128xf32, #tpu.memory_space<hbm>>
    %dma_wait3A_304 = tpu.memref_squeeze %dma_wait3A_303 : memref<1x128x128xf32, #tpu.memory_space<hbm>> -> memref<128x128xf32, #tpu.memory_space<hbm>>
    %dma_wait3A_305 = arith.constant 0 : i32
    %dma_wait3A_306 = tpu.memref_slice %arg5[%arg0, %add3A_291, %dma_wait3A_305] : memref<2x10240x128xf32, #tpu.memory_space<hbm>> -> memref<1x128x128xf32, #tpu.memory_space<hbm>>
    %dma_wait3A_307 = tpu.memref_squeeze %dma_wait3A_306 : memref<1x128x128xf32, #tpu.memory_space<hbm>> -> memref<128x128xf32, #tpu.memory_space<hbm>>
    tpu.wait_dma2 semaphore(%arg15 : memref<!tpu.dma_semaphore, #tpu.memory_space<semaphore_mem>>) src(%arg12 : memref<128x128xf32, #tpu.memory_space<vmem>>) dst(%dma_wait3A_307 : memref<128x128xf32, #tpu.memory_space<hbm>>)
    %mul3A_308 = arith.constant 640 : i32
    %mul3A_309 = arith.muli %arg1, %mul3A_308 : i32
    %add3A_310 = arith.constant 384 : i32
    %add3A_311 = arith.addi %mul3A_309, %add3A_310 : i32
    %dma_start3A_312 = arith.constant 0 : i32
    %dma_start3A_313 = tpu.memref_slice %arg5[%arg0, %add3A_311, %dma_start3A_312] : memref<2x10240x128xf32, #tpu.memory_space<hbm>> -> memref<1x128x128xf32, #tpu.memory_space<hbm>>
    %dma_start3A_314 = tpu.memref_squeeze %dma_start3A_313 : memref<1x128x128xf32, #tpu.memory_space<hbm>> -> memref<128x128xf32, #tpu.memory_space<hbm>>
    %dma_start3A_315 = arith.constant 0 : i32
    %dma_start3A_316 = tpu.memref_slice %arg5[%arg0, %add3A_311, %dma_start3A_315] : memref<2x10240x128xf32, #tpu.memory_space<hbm>> -> memref<1x128x128xf32, #tpu.memory_space<hbm>>
    %dma_start3A_317 = tpu.memref_squeeze %dma_start3A_316 : memref<1x128x128xf32, #tpu.memory_space<hbm>> -> memref<128x128xf32, #tpu.memory_space<hbm>>
    tpu.enqueue_dma source(%arg13 : memref<128x128xf32, #tpu.memory_space<vmem>>) target(%dma_start3A_317 : memref<128x128xf32, #tpu.memory_space<hbm>>) target_semaphore(%arg16 : memref<!tpu.dma_semaphore, #tpu.memory_space<semaphore_mem>>)
    %mul3A_318 = arith.constant 640 : i32
    %mul3A_319 = arith.muli %arg1, %mul3A_318 : i32
    %add3A_320 = arith.constant 512 : i32
    %add3A_321 = arith.addi %mul3A_319, %add3A_320 : i32
    "tpu.region"() ({
      %run_scoped3A = tpu.sem_alloc : memref<!tpu.dma_semaphore, #tpu.memory_space<semaphore_mem>>
      %dma_start3A_344 = arith.constant 0 : i32
      %dma_start3A_345 = tpu.memref_slice %arg14[%add3A_321, %dma_start3A_344] : memref<10240x128xf32, #tpu.memory_space<vmem_shared>> -> memref<128x128xf32, #tpu.memory_space<vmem_shared>>
      %dma_start3A_346 = arith.constant 0 : i32
      %dma_start3A_347 = tpu.memref_slice %arg14[%add3A_321, %dma_start3A_346] : memref<10240x128xf32, #tpu.memory_space<vmem_shared>> -> memref<128x128xf32, #tpu.memory_space<vmem_shared>>
      tpu.enqueue_dma source(%dma_start3A_347 : memref<128x128xf32, #tpu.memory_space<vmem_shared>>) target(%arg12 : memref<128x128xf32, #tpu.memory_space<vmem>>) target_semaphore(%run_scoped3A : memref<!tpu.dma_semaphore, #tpu.memory_space<semaphore_mem>>)
      %dma_wait3A_348 = arith.constant 0 : i32
      %dma_wait3A_349 = tpu.memref_slice %arg14[%add3A_321, %dma_wait3A_348] : memref<10240x128xf32, #tpu.memory_space<vmem_shared>> -> memref<128x128xf32, #tpu.memory_space<vmem_shared>>
      %dma_wait3A_350 = arith.constant 0 : i32
      %dma_wait3A_351 = tpu.memref_slice %arg14[%add3A_321, %dma_wait3A_350] : memref<10240x128xf32, #tpu.memory_space<vmem_shared>> -> memref<128x128xf32, #tpu.memory_space<vmem_shared>>
      tpu.wait_dma2 semaphore(%run_scoped3A : memref<!tpu.dma_semaphore, #tpu.memory_space<semaphore_mem>>) src(%dma_wait3A_351 : memref<128x128xf32, #tpu.memory_space<vmem_shared>>) dst(%arg12 : memref<128x128xf32, #tpu.memory_space<vmem>>)
      tpu.yield
    }) : () -> ()
    %dma_wait3A_322 = arith.constant 0 : i32
    %dma_wait3A_323 = tpu.memref_slice %arg5[%arg0, %add3A_311, %dma_wait3A_322] : memref<2x10240x128xf32, #tpu.memory_space<hbm>> -> memref<1x128x128xf32, #tpu.memory_space<hbm>>
    %dma_wait3A_324 = tpu.memref_squeeze %dma_wait3A_323 : memref<1x128x128xf32, #tpu.memory_space<hbm>> -> memref<128x128xf32, #tpu.memory_space<hbm>>
    %dma_wait3A_325 = arith.constant 0 : i32
    %dma_wait3A_326 = tpu.memref_slice %arg5[%arg0, %add3A_311, %dma_wait3A_325] : memref<2x10240x128xf32, #tpu.memory_space<hbm>> -> memref<1x128x128xf32, #tpu.memory_space<hbm>>
    %dma_wait3A_327 = tpu.memref_squeeze %dma_wait3A_326 : memref<1x128x128xf32, #tpu.memory_space<hbm>> -> memref<128x128xf32, #tpu.memory_space<hbm>>
    tpu.wait_dma2 semaphore(%arg16 : memref<!tpu.dma_semaphore, #tpu.memory_space<semaphore_mem>>) src(%arg13 : memref<128x128xf32, #tpu.memory_space<vmem>>) dst(%dma_wait3A_327 : memref<128x128xf32, #tpu.memory_space<hbm>>)
    %mul3A_328 = arith.constant 640 : i32
    %mul3A_329 = arith.muli %arg1, %mul3A_328 : i32
    %add3A_330 = arith.constant 512 : i32
    %add3A_331 = arith.addi %mul3A_329, %add3A_330 : i32
    %dma_start3A_332 = arith.constant 0 : i32
    %dma_start3A_333 = tpu.memref_slice %arg5[%arg0, %add3A_331, %dma_start3A_332] : memref<2x10240x128xf32, #tpu.memory_space<hbm>> -> memref<1x128x128xf32, #tpu.memory_space<hbm>>
    %dma_start3A_334 = tpu.memref_squeeze %dma_start3A_333 : memref<1x128x128xf32, #tpu.memory_space<hbm>> -> memref<128x128xf32, #tpu.memory_space<hbm>>
    %dma_start3A_335 = arith.constant 0 : i32
    %dma_start3A_336 = tpu.memref_slice %arg5[%arg0, %add3A_331, %dma_start3A_335] : memref<2x10240x128xf32, #tpu.memory_space<hbm>> -> memref<1x128x128xf32, #tpu.memory_space<hbm>>
    %dma_start3A_337 = tpu.memref_squeeze %dma_start3A_336 : memref<1x128x128xf32, #tpu.memory_space<hbm>> -> memref<128x128xf32, #tpu.memory_space<hbm>>
    tpu.enqueue_dma source(%arg12 : memref<128x128xf32, #tpu.memory_space<vmem>>) target(%dma_start3A_337 : memref<128x128xf32, #tpu.memory_space<hbm>>) target_semaphore(%arg15 : memref<!tpu.dma_semaphore, #tpu.memory_space<semaphore_mem>>)
    %dma_wait3A_338 = arith.constant 0 : i32
    %dma_wait3A_339 = tpu.memref_slice %arg5[%arg0, %add3A_331, %dma_wait3A_338] : memref<2x10240x128xf32, #tpu.memory_space<hbm>> -> memref<1x128x128xf32, #tpu.memory_space<hbm>>
    %dma_wait3A_340 = tpu.memref_squeeze %dma_wait3A_339 : memref<1x128x128xf32, #tpu.memory_space<hbm>> -> memref<128x128xf32, #tpu.memory_space<hbm>>
    %dma_wait3A_341 = arith.constant 0 : i32
    %dma_wait3A_342 = tpu.memref_slice %arg5[%arg0, %add3A_331, %dma_wait3A_341] : memref<2x10240x128xf32, #tpu.memory_space<hbm>> -> memref<1x128x128xf32, #tpu.memory_space<hbm>>
    %dma_wait3A_343 = tpu.memref_squeeze %dma_wait3A_342 : memref<1x128x128xf32, #tpu.memory_space<hbm>> -> memref<128x128xf32, #tpu.memory_space<hbm>>
    tpu.wait_dma2 semaphore(%arg15 : memref<!tpu.dma_semaphore, #tpu.memory_space<semaphore_mem>>) src(%arg12 : memref<128x128xf32, #tpu.memory_space<vmem>>) dst(%dma_wait3A_343 : memref<128x128xf32, #tpu.memory_space<hbm>>)
    return
  }
}

#map = affine_map<(d0, d1) -> (0, 0)>
#map1 = affine_map<(d0, d1) -> (0)>
module attributes {stable_mosaic.version = 14 : i64} {
  func.func @_sc_scalar_agg(%arg0: i32, %arg1: i32, %arg2: memref<2560x128xi32, #tpu.memory_space<hbm>>, %arg3: memref<2560x128xi32, #tpu.memory_space<hbm>>, %arg4: memref<10240xf32, #tpu.memory_space<hbm>>, %arg5: memref<10240xf32, #tpu.memory_space<hbm>>, %arg6: memref<16xf32, #tpu.memory_space<hbm>>, %arg7: memref<10240xf32, #tpu.memory_space<hbm>>, %arg8: memref<160x128xi32, #tpu.memory_space<vmem>>, %arg9: memref<160x128xi32, #tpu.memory_space<vmem>>, %arg10: memref<128xf32, #tpu.memory_space<vmem>>, %arg11: memref<128xf32, #tpu.memory_space<vmem>>, %arg12: memref<128xf32, #tpu.memory_space<vmem>>, %arg13: memref<128xf32, #tpu.memory_space<vmem>>, %arg14: memref<640xf32, #tpu.memory_space<vmem>>, %arg15: memref<640xf32, #tpu.memory_space<vmem>>, %arg16: memref<640xf32, #tpu.memory_space<vmem>>, %arg17: memref<640xf32, #tpu.memory_space<vmem>>, %arg18: memref<16xf32, #tpu.memory_space<vmem>>, %arg19: memref<10240xf32, #tpu.memory_space<vmem_shared>>, %arg20: memref<10240xf32, #tpu.memory_space<vmem_shared>>, %arg21: memref<!tpu.dma_semaphore, #tpu.memory_space<semaphore_mem>>, %arg22: memref<!tpu.dma_semaphore, #tpu.memory_space<semaphore_mem>>, %arg23: memref<!tpu.dma_semaphore, #tpu.memory_space<semaphore_mem>>, %arg24: memref<!tpu.dma_semaphore, #tpu.memory_space<semaphore_mem>>, %arg25: memref<!tpu.dma_semaphore, #tpu.memory_space<semaphore_mem>>, %arg26: memref<!tpu.dma_semaphore, #tpu.memory_space<semaphore_mem>>, %arg27: memref<!tpu.dma_semaphore, #tpu.memory_space<semaphore_mem>>, %arg28: memref<!tpu.dma_semaphore, #tpu.memory_space<semaphore_mem>>) attributes {dimension_semantics = [#tpu.dimension_semantics<core_parallel>, #tpu.dimension_semantics<subcore_parallel>], iteration_bounds = array<i64: 2, 16>, scalar_prefetch = 0 : i64, scratch_operands = 21 : i64, tpu.core_type = #tpu.core_type<sc_vector_subcore>, window_params = [{transform_indices = #map}, {transform_indices = #map}, {transform_indices = #map1}, {transform_indices = #map1}, {transform_indices = #map1}, {transform_indices = #map1}]} {
    %eq3A = arith.constant 0 : i32
    %eq3A_0 = arith.cmpi eq, %arg0, %eq3A : i32
    %convert_element_type3A = arith.extui %eq3A_0 : i1 to i32
    %cond3A = arith.constant 0 : i32
    %cond3A_1 = arith.cmpi ne, %convert_element_type3A, %cond3A : i32
    scf.if %cond3A_1 {
      %mul3A = arith.constant 160 : i32
      %mul3A_2 = arith.muli %arg1, %mul3A : i32
      %dma_start3A = arith.constant 0 : i32
      %dma_start3A_3 = tpu.memref_slice %arg2[%mul3A_2, %dma_start3A] : memref<2560x128xi32, #tpu.memory_space<hbm>> -> memref<160x128xi32, #tpu.memory_space<hbm>>
      %dma_start3A_4 = arith.constant 0 : i32
      %dma_start3A_5 = tpu.memref_slice %arg2[%mul3A_2, %dma_start3A_4] : memref<2560x128xi32, #tpu.memory_space<hbm>> -> memref<160x128xi32, #tpu.memory_space<hbm>>
      tpu.enqueue_dma source(%dma_start3A_5 : memref<160x128xi32, #tpu.memory_space<hbm>>) target(%arg8 : memref<160x128xi32, #tpu.memory_space<vmem>>) target_semaphore(%arg21 : memref<!tpu.dma_semaphore, #tpu.memory_space<semaphore_mem>>)
      %mul3A_6 = arith.constant 160 : i32
      %mul3A_7 = arith.muli %arg1, %mul3A_6 : i32
      %dma_start3A_8 = arith.constant 0 : i32
      %dma_start3A_9 = tpu.memref_slice %arg3[%mul3A_7, %dma_start3A_8] : memref<2560x128xi32, #tpu.memory_space<hbm>> -> memref<160x128xi32, #tpu.memory_space<hbm>>
      %dma_start3A_10 = arith.constant 0 : i32
      %dma_start3A_11 = tpu.memref_slice %arg3[%mul3A_7, %dma_start3A_10] : memref<2560x128xi32, #tpu.memory_space<hbm>> -> memref<160x128xi32, #tpu.memory_space<hbm>>
      tpu.enqueue_dma source(%dma_start3A_11 : memref<160x128xi32, #tpu.memory_space<hbm>>) target(%arg9 : memref<160x128xi32, #tpu.memory_space<vmem>>) target_semaphore(%arg22 : memref<!tpu.dma_semaphore, #tpu.memory_space<semaphore_mem>>)
      %mul3A_12 = arith.constant 640 : i32
      %mul3A_13 = arith.muli %arg1, %mul3A_12 : i32
      %dma_start3A_14 = tpu.memref_slice %arg4[%mul3A_13] : memref<10240xf32, #tpu.memory_space<hbm>> -> memref<640xf32, #tpu.memory_space<hbm>>
      %dma_start3A_15 = tpu.memref_slice %arg4[%mul3A_13] : memref<10240xf32, #tpu.memory_space<hbm>> -> memref<640xf32, #tpu.memory_space<hbm>>
      tpu.enqueue_dma source(%dma_start3A_15 : memref<640xf32, #tpu.memory_space<hbm>>) target(%arg16 : memref<640xf32, #tpu.memory_space<vmem>>) target_semaphore(%arg23 : memref<!tpu.dma_semaphore, #tpu.memory_space<semaphore_mem>>)
      "tpu.region"() ({
        %run_scoped3A = tpu.sem_alloc : memref<!tpu.dma_semaphore, #tpu.memory_space<semaphore_mem>>
        tpu.enqueue_dma source(%arg6 : memref<16xf32, #tpu.memory_space<hbm>>) target(%arg18 : memref<16xf32, #tpu.memory_space<vmem>>) target_semaphore(%run_scoped3A : memref<!tpu.dma_semaphore, #tpu.memory_space<semaphore_mem>>)
        tpu.wait_dma2 semaphore(%run_scoped3A : memref<!tpu.dma_semaphore, #tpu.memory_space<semaphore_mem>>) src(%arg6 : memref<16xf32, #tpu.memory_space<hbm>>) dst(%arg18 : memref<16xf32, #tpu.memory_space<vmem>>)
        tpu.yield
      }) : () -> ()
      %broadcast_in_dim3A = arith.constant 0.000000e+00 : f32
      %broadcast_in_dim3A_16 = vector.broadcast %broadcast_in_dim3A : f32 to vector<16xf32>
      %scan3A = arith.constant 0 : i32
      %scan3A_17 = arith.constant 0 : i32
      %scan3A_18 = arith.constant 40 : i32
      %scan3A_19 = arith.addi %scan3A_17, %scan3A_18 : i32
      %scan3A_20 = arith.constant 1 : i32
      scf.for %scan3A_80 = %scan3A_17 to %scan3A_19 step %scan3A_20  : i32 {
        %mul3A_81 = arith.constant 16 : i32
        %mul3A_82 = arith.muli %scan3A_80, %mul3A_81 : i32
        %swap3A = arith.index_cast %mul3A_82 : i32 to index
        %swap3A_83 = tpu.vector_load %arg14[%swap3A] {strides = array<i32>} : memref<640xf32, #tpu.memory_space<vmem>>, vector<16xf32>,
        %swap3A_84 = vector.shape_cast %swap3A_83 : vector<16xf32> to vector<16xf32>
        %swap3A_85 = vector.shape_cast %broadcast_in_dim3A_16 : vector<16xf32> to vector<16xf32>
        tpu.vector_store %arg14[%swap3A], %swap3A_85 {strides = array<i32>} : memref<640xf32, #tpu.memory_space<vmem>>, vector<16xf32>,
      }
      %scan3A_21 = arith.constant 40 : i32
      %dma_wait3A = tpu.memref_slice %arg4[%mul3A_13] : memref<10240xf32, #tpu.memory_space<hbm>> -> memref<640xf32, #tpu.memory_space<hbm>>
      %dma_wait3A_22 = tpu.memref_slice %arg4[%mul3A_13] : memref<10240xf32, #tpu.memory_space<hbm>> -> memref<640xf32, #tpu.memory_space<hbm>>
      tpu.wait_dma2 semaphore(%arg23 : memref<!tpu.dma_semaphore, #tpu.memory_space<semaphore_mem>>) src(%dma_wait3A_22 : memref<640xf32, #tpu.memory_space<hbm>>) dst(%arg16 : memref<640xf32, #tpu.memory_space<vmem>>)
      %mul3A_23 = arith.constant 640 : i32
      %mul3A_24 = arith.muli %arg1, %mul3A_23 : i32
      "tpu.region"() ({
        %run_scoped3A = tpu.sem_alloc : memref<!tpu.dma_semaphore, #tpu.memory_space<semaphore_mem>>
        %dma_start3A_80 = tpu.memref_slice %arg19[%mul3A_24] : memref<10240xf32, #tpu.memory_space<vmem_shared>> -> memref<640xf32, #tpu.memory_space<vmem_shared>>
        %dma_start3A_81 = tpu.memref_slice %arg19[%mul3A_24] : memref<10240xf32, #tpu.memory_space<vmem_shared>> -> memref<640xf32, #tpu.memory_space<vmem_shared>>
        tpu.enqueue_dma source(%arg16 : memref<640xf32, #tpu.memory_space<vmem>>) target(%dma_start3A_81 : memref<640xf32, #tpu.memory_space<vmem_shared>>) target_semaphore(%run_scoped3A : memref<!tpu.dma_semaphore, #tpu.memory_space<semaphore_mem>>)
        %dma_wait3A_82 = tpu.memref_slice %arg19[%mul3A_24] : memref<10240xf32, #tpu.memory_space<vmem_shared>> -> memref<640xf32, #tpu.memory_space<vmem_shared>>
        %dma_wait3A_83 = tpu.memref_slice %arg19[%mul3A_24] : memref<10240xf32, #tpu.memory_space<vmem_shared>> -> memref<640xf32, #tpu.memory_space<vmem_shared>>
        tpu.wait_dma2 semaphore(%run_scoped3A : memref<!tpu.dma_semaphore, #tpu.memory_space<semaphore_mem>>) src(%arg16 : memref<640xf32, #tpu.memory_space<vmem>>) dst(%dma_wait3A_83 : memref<640xf32, #tpu.memory_space<vmem_shared>>)
        tpu.yield
      }) : () -> ()
      %mul3A_25 = arith.constant 640 : i32
      %mul3A_26 = arith.muli %arg1, %mul3A_25 : i32
      "tpu.region"() ({
        %run_scoped3A = tpu.sem_alloc : memref<!tpu.dma_semaphore, #tpu.memory_space<semaphore_mem>>
        %dma_start3A_80 = tpu.memref_slice %arg20[%mul3A_26] : memref<10240xf32, #tpu.memory_space<vmem_shared>> -> memref<640xf32, #tpu.memory_space<vmem_shared>>
        %dma_start3A_81 = tpu.memref_slice %arg20[%mul3A_26] : memref<10240xf32, #tpu.memory_space<vmem_shared>> -> memref<640xf32, #tpu.memory_space<vmem_shared>>
        tpu.enqueue_dma source(%arg14 : memref<640xf32, #tpu.memory_space<vmem>>) target(%dma_start3A_81 : memref<640xf32, #tpu.memory_space<vmem_shared>>) target_semaphore(%run_scoped3A : memref<!tpu.dma_semaphore, #tpu.memory_space<semaphore_mem>>)
        %dma_wait3A_82 = tpu.memref_slice %arg20[%mul3A_26] : memref<10240xf32, #tpu.memory_space<vmem_shared>> -> memref<640xf32, #tpu.memory_space<vmem_shared>>
        %dma_wait3A_83 = tpu.memref_slice %arg20[%mul3A_26] : memref<10240xf32, #tpu.memory_space<vmem_shared>> -> memref<640xf32, #tpu.memory_space<vmem_shared>>
        tpu.wait_dma2 semaphore(%run_scoped3A : memref<!tpu.dma_semaphore, #tpu.memory_space<semaphore_mem>>) src(%arg14 : memref<640xf32, #tpu.memory_space<vmem>>) dst(%dma_wait3A_83 : memref<640xf32, #tpu.memory_space<vmem_shared>>)
        tpu.yield
      }) : () -> ()
      %dma_wait3A_27 = arith.constant 0 : i32
      %dma_wait3A_28 = tpu.memref_slice %arg2[%mul3A_2, %dma_wait3A_27] : memref<2560x128xi32, #tpu.memory_space<hbm>> -> memref<160x128xi32, #tpu.memory_space<hbm>>
      %dma_wait3A_29 = arith.constant 0 : i32
      %dma_wait3A_30 = tpu.memref_slice %arg2[%mul3A_2, %dma_wait3A_29] : memref<2560x128xi32, #tpu.memory_space<hbm>> -> memref<160x128xi32, #tpu.memory_space<hbm>>
      tpu.wait_dma2 semaphore(%arg21 : memref<!tpu.dma_semaphore, #tpu.memory_space<semaphore_mem>>) src(%dma_wait3A_30 : memref<160x128xi32, #tpu.memory_space<hbm>>) dst(%arg8 : memref<160x128xi32, #tpu.memory_space<vmem>>)
      %dma_wait3A_31 = arith.constant 0 : i32
      %dma_wait3A_32 = tpu.memref_slice %arg3[%mul3A_7, %dma_wait3A_31] : memref<2560x128xi32, #tpu.memory_space<hbm>> -> memref<160x128xi32, #tpu.memory_space<hbm>>
      %dma_wait3A_33 = arith.constant 0 : i32
      %dma_wait3A_34 = tpu.memref_slice %arg3[%mul3A_7, %dma_wait3A_33] : memref<2560x128xi32, #tpu.memory_space<hbm>> -> memref<160x128xi32, #tpu.memory_space<hbm>>
      tpu.wait_dma2 semaphore(%arg22 : memref<!tpu.dma_semaphore, #tpu.memory_space<semaphore_mem>>) src(%dma_wait3A_34 : memref<160x128xi32, #tpu.memory_space<hbm>>) dst(%arg9 : memref<160x128xi32, #tpu.memory_space<vmem>>)
      %barrier3A = arith.constant 0 : index
      tpu.barrier barrier_id(%barrier3A)
      %dma_start3A_35 = arith.constant 0 : i32
      %dma_start3A_36 = arith.constant 0 : i32
      %dma_start3A_37 = tpu.memref_slice %arg8[%dma_start3A_35, %dma_start3A_36] : memref<160x128xi32, #tpu.memory_space<vmem>> -> memref<1x128xi32, #tpu.memory_space<vmem>>
      %dma_start3A_38 = tpu.memref_squeeze %dma_start3A_37 : memref<1x128xi32, #tpu.memory_space<vmem>> -> memref<128xi32, #tpu.memory_space<vmem>>
      %dma_start3A_39 = arith.constant 0 : i32
      %dma_start3A_40 = tpu.memref_slice %arg19[%dma_start3A_39] : memref<10240xf32, #tpu.memory_space<vmem_shared>> -> memref<10240xf32, #tpu.memory_space<vmem_shared>>
      tpu.enqueue_indirect_dma source(%dma_start3A_40 : memref<10240xf32, #tpu.memory_space<vmem_shared>>) target(%arg10 : memref<128xf32, #tpu.memory_space<vmem>>) offsets(%dma_start3A_38 : memref<128xi32, #tpu.memory_space<vmem>>) semaphore(%arg21 : memref<!tpu.dma_semaphore, #tpu.memory_space<semaphore_mem>>)
      %dma_start3A_41 = arith.constant 1 : i32
      %dma_start3A_42 = arith.constant 0 : i32
      %dma_start3A_43 = tpu.memref_slice %arg8[%dma_start3A_41, %dma_start3A_42] : memref<160x128xi32, #tpu.memory_space<vmem>> -> memref<1x128xi32, #tpu.memory_space<vmem>>
      %dma_start3A_44 = tpu.memref_squeeze %dma_start3A_43 : memref<1x128xi32, #tpu.memory_space<vmem>> -> memref<128xi32, #tpu.memory_space<vmem>>
      %dma_start3A_45 = arith.constant 0 : i32
      %dma_start3A_46 = tpu.memref_slice %arg19[%dma_start3A_45] : memref<10240xf32, #tpu.memory_space<vmem_shared>> -> memref<10240xf32, #tpu.memory_space<vmem_shared>>
      tpu.enqueue_indirect_dma source(%dma_start3A_46 : memref<10240xf32, #tpu.memory_space<vmem_shared>>) target(%arg11 : memref<128xf32, #tpu.memory_space<vmem>>) offsets(%dma_start3A_44 : memref<128xi32, #tpu.memory_space<vmem>>) semaphore(%arg22 : memref<!tpu.dma_semaphore, #tpu.memory_space<semaphore_mem>>)
      %scan3A_47 = arith.constant 0 : i32
      %scan3A_48 = arith.constant 0 : i32
      %scan3A_49 = arith.constant 40 : i32
      %scan3A_50 = arith.addi %scan3A_48, %scan3A_49 : i32
      %scan3A_51 = arith.constant 1 : i32
      scf.for %scan3A_80 = %scan3A_48 to %scan3A_50 step %scan3A_51  : i32 {
        %mul3A_81 = arith.constant 4 : i32
        %mul3A_82 = arith.muli %scan3A_80, %mul3A_81 : i32
        %add3A = arith.constant 0 : i32
        %add3A_83 = arith.addi %mul3A_82, %add3A : i32
        %dma_wait3A_84 = arith.constant 0 : i32
        %dma_wait3A_85 = tpu.memref_slice %arg8[%add3A_83, %dma_wait3A_84] : memref<160x128xi32, #tpu.memory_space<vmem>> -> memref<1x128xi32, #tpu.memory_space<vmem>>
        %dma_wait3A_86 = tpu.memref_squeeze %dma_wait3A_85 : memref<1x128xi32, #tpu.memory_space<vmem>> -> memref<128xi32, #tpu.memory_space<vmem>>
        %dma_wait3A_87 = arith.constant 0 : i32
        %dma_wait3A_88 = tpu.memref_slice %arg19[%dma_wait3A_87] : memref<10240xf32, #tpu.memory_space<vmem_shared>> -> memref<10240xf32, #tpu.memory_space<vmem_shared>>
        tpu.wait_indirect_dma semaphore(%arg21 : memref<!tpu.dma_semaphore, #tpu.memory_space<semaphore_mem>>) src(%dma_wait3A_88 : memref<10240xf32, #tpu.memory_space<vmem_shared>>) dst(%arg10 : memref<128xf32, #tpu.memory_space<vmem>>)
        %dma_start3A_89 = arith.constant 0 : i32
        %dma_start3A_90 = tpu.memref_slice %arg9[%add3A_83, %dma_start3A_89] : memref<160x128xi32, #tpu.memory_space<vmem>> -> memref<1x128xi32, #tpu.memory_space<vmem>>
        %dma_start3A_91 = tpu.memref_squeeze %dma_start3A_90 : memref<1x128xi32, #tpu.memory_space<vmem>> -> memref<128xi32, #tpu.memory_space<vmem>>
        %dma_start3A_92 = arith.constant 0 : i32
        %dma_start3A_93 = tpu.memref_slice %arg20[%dma_start3A_92] : memref<10240xf32, #tpu.memory_space<vmem_shared>> -> memref<10240xf32, #tpu.memory_space<vmem_shared>>
        tpu.enqueue_indirect_dma source(%arg10 : memref<128xf32, #tpu.memory_space<vmem>>) target(%dma_start3A_93 : memref<10240xf32, #tpu.memory_space<vmem_shared>>) offsets(%dma_start3A_91 : memref<128xi32, #tpu.memory_space<vmem>>) semaphore(%arg25 : memref<!tpu.dma_semaphore, #tpu.memory_space<semaphore_mem>>) {add = true}
        %sub3A = arith.constant 2 : i32
        %sub3A_94 = arith.subi %add3A_83, %sub3A : i32
        %ge3A = arith.constant 0 : i32
        %ge3A_95 = arith.cmpi sge, %sub3A_94, %ge3A : i32
        %convert_element_type3A_96 = arith.extui %ge3A_95 : i1 to i32
        %cond3A_97 = arith.constant 0 : i32
        %cond3A_98 = arith.cmpi ne, %convert_element_type3A_96, %cond3A_97 : i32
        scf.if %cond3A_98 {
          %sub3A_189 = arith.constant 2 : i32
          %sub3A_190 = arith.subi %add3A_83, %sub3A_189 : i32
          %dma_wait3A_191 = arith.constant 0 : i32
          %dma_wait3A_192 = tpu.memref_slice %arg9[%sub3A_190, %dma_wait3A_191] : memref<160x128xi32, #tpu.memory_space<vmem>> -> memref<1x128xi32, #tpu.memory_space<vmem>>
          %dma_wait3A_193 = tpu.memref_squeeze %dma_wait3A_192 : memref<1x128xi32, #tpu.memory_space<vmem>> -> memref<128xi32, #tpu.memory_space<vmem>>
          %dma_wait3A_194 = arith.constant 0 : i32
          %dma_wait3A_195 = tpu.memref_slice %arg20[%dma_wait3A_194] : memref<10240xf32, #tpu.memory_space<vmem_shared>> -> memref<10240xf32, #tpu.memory_space<vmem_shared>>
          tpu.wait_indirect_dma semaphore(%arg27 : memref<!tpu.dma_semaphore, #tpu.memory_space<semaphore_mem>>) src(%arg12 : memref<128xf32, #tpu.memory_space<vmem>>) dst(%dma_wait3A_195 : memref<10240xf32, #tpu.memory_space<vmem_shared>>)
        } else {
        }
        %add3A_99 = arith.constant 2 : i32
        %add3A_100 = arith.addi %add3A_83, %add3A_99 : i32
        %lt3A = arith.constant 160 : i32
        %lt3A_101 = arith.cmpi slt, %add3A_100, %lt3A : i32
        %convert_element_type3A_102 = arith.extui %lt3A_101 : i1 to i32
        %cond3A_103 = arith.constant 0 : i32
        %cond3A_104 = arith.cmpi ne, %convert_element_type3A_102, %cond3A_103 : i32
        scf.if %cond3A_104 {
          %add3A_189 = arith.constant 2 : i32
          %add3A_190 = arith.addi %add3A_83, %add3A_189 : i32
          %dma_start3A_191 = arith.constant 0 : i32
          %dma_start3A_192 = tpu.memref_slice %arg8[%add3A_190, %dma_start3A_191] : memref<160x128xi32, #tpu.memory_space<vmem>> -> memref<1x128xi32, #tpu.memory_space<vmem>>
          %dma_start3A_193 = tpu.memref_squeeze %dma_start3A_192 : memref<1x128xi32, #tpu.memory_space<vmem>> -> memref<128xi32, #tpu.memory_space<vmem>>
          %dma_start3A_194 = arith.constant 0 : i32
          %dma_start3A_195 = tpu.memref_slice %arg19[%dma_start3A_194] : memref<10240xf32, #tpu.memory_space<vmem_shared>> -> memref<10240xf32, #tpu.memory_space<vmem_shared>>
          tpu.enqueue_indirect_dma source(%dma_start3A_195 : memref<10240xf32, #tpu.memory_space<vmem_shared>>) target(%arg12 : memref<128xf32, #tpu.memory_space<vmem>>) offsets(%dma_start3A_193 : memref<128xi32, #tpu.memory_space<vmem>>) semaphore(%arg23 : memref<!tpu.dma_semaphore, #tpu.memory_space<semaphore_mem>>)
        } else {
        }
        %mul3A_105 = arith.constant 4 : i32
        %mul3A_106 = arith.muli %scan3A_80, %mul3A_105 : i32
        %add3A_107 = arith.constant 1 : i32
        %add3A_108 = arith.addi %mul3A_106, %add3A_107 : i32
        %dma_wait3A_109 = arith.constant 0 : i32
        %dma_wait3A_110 = tpu.memref_slice %arg8[%add3A_108, %dma_wait3A_109] : memref<160x128xi32, #tpu.memory_space<vmem>> -> memref<1x128xi32, #tpu.memory_space<vmem>>
        %dma_wait3A_111 = tpu.memref_squeeze %dma_wait3A_110 : memref<1x128xi32, #tpu.memory_space<vmem>> -> memref<128xi32, #tpu.memory_space<vmem>>
        %dma_wait3A_112 = arith.constant 0 : i32
        %dma_wait3A_113 = tpu.memref_slice %arg19[%dma_wait3A_112] : memref<10240xf32, #tpu.memory_space<vmem_shared>> -> memref<10240xf32, #tpu.memory_space<vmem_shared>>
        tpu.wait_indirect_dma semaphore(%arg22 : memref<!tpu.dma_semaphore, #tpu.memory_space<semaphore_mem>>) src(%dma_wait3A_113 : memref<10240xf32, #tpu.memory_space<vmem_shared>>) dst(%arg11 : memref<128xf32, #tpu.memory_space<vmem>>)
        %dma_start3A_114 = arith.constant 0 : i32
        %dma_start3A_115 = tpu.memref_slice %arg9[%add3A_108, %dma_start3A_114] : memref<160x128xi32, #tpu.memory_space<vmem>> -> memref<1x128xi32, #tpu.memory_space<vmem>>
        %dma_start3A_116 = tpu.memref_squeeze %dma_start3A_115 : memref<1x128xi32, #tpu.memory_space<vmem>> -> memref<128xi32, #tpu.memory_space<vmem>>
        %dma_start3A_117 = arith.constant 0 : i32
        %dma_start3A_118 = tpu.memref_slice %arg20[%dma_start3A_117] : memref<10240xf32, #tpu.memory_space<vmem_shared>> -> memref<10240xf32, #tpu.memory_space<vmem_shared>>
        tpu.enqueue_indirect_dma source(%arg11 : memref<128xf32, #tpu.memory_space<vmem>>) target(%dma_start3A_118 : memref<10240xf32, #tpu.memory_space<vmem_shared>>) offsets(%dma_start3A_116 : memref<128xi32, #tpu.memory_space<vmem>>) semaphore(%arg26 : memref<!tpu.dma_semaphore, #tpu.memory_space<semaphore_mem>>) {add = true}
        %sub3A_119 = arith.constant 2 : i32
        %sub3A_120 = arith.subi %add3A_108, %sub3A_119 : i32
        %ge3A_121 = arith.constant 0 : i32
        %ge3A_122 = arith.cmpi sge, %sub3A_120, %ge3A_121 : i32
        %convert_element_type3A_123 = arith.extui %ge3A_122 : i1 to i32
        %cond3A_124 = arith.constant 0 : i32
        %cond3A_125 = arith.cmpi ne, %convert_element_type3A_123, %cond3A_124 : i32
        scf.if %cond3A_125 {
          %sub3A_189 = arith.constant 2 : i32
          %sub3A_190 = arith.subi %add3A_108, %sub3A_189 : i32
          %dma_wait3A_191 = arith.constant 0 : i32
          %dma_wait3A_192 = tpu.memref_slice %arg9[%sub3A_190, %dma_wait3A_191] : memref<160x128xi32, #tpu.memory_space<vmem>> -> memref<1x128xi32, #tpu.memory_space<vmem>>
          %dma_wait3A_193 = tpu.memref_squeeze %dma_wait3A_192 : memref<1x128xi32, #tpu.memory_space<vmem>> -> memref<128xi32, #tpu.memory_space<vmem>>
          %dma_wait3A_194 = arith.constant 0 : i32
          %dma_wait3A_195 = tpu.memref_slice %arg20[%dma_wait3A_194] : memref<10240xf32, #tpu.memory_space<vmem_shared>> -> memref<10240xf32, #tpu.memory_space<vmem_shared>>
          tpu.wait_indirect_dma semaphore(%arg28 : memref<!tpu.dma_semaphore, #tpu.memory_space<semaphore_mem>>) src(%arg13 : memref<128xf32, #tpu.memory_space<vmem>>) dst(%dma_wait3A_195 : memref<10240xf32, #tpu.memory_space<vmem_shared>>)
        } else {
        }
        %add3A_126 = arith.constant 2 : i32
        %add3A_127 = arith.addi %add3A_108, %add3A_126 : i32
        %lt3A_128 = arith.constant 160 : i32
        %lt3A_129 = arith.cmpi slt, %add3A_127, %lt3A_128 : i32
        %convert_element_type3A_130 = arith.extui %lt3A_129 : i1 to i32
        %cond3A_131 = arith.constant 0 : i32
        %cond3A_132 = arith.cmpi ne, %convert_element_type3A_130, %cond3A_131 : i32
        scf.if %cond3A_132 {
          %add3A_189 = arith.constant 2 : i32
          %add3A_190 = arith.addi %add3A_108, %add3A_189 : i32
          %dma_start3A_191 = arith.constant 0 : i32
          %dma_start3A_192 = tpu.memref_slice %arg8[%add3A_190, %dma_start3A_191] : memref<160x128xi32, #tpu.memory_space<vmem>> -> memref<1x128xi32, #tpu.memory_space<vmem>>
          %dma_start3A_193 = tpu.memref_squeeze %dma_start3A_192 : memref<1x128xi32, #tpu.memory_space<vmem>> -> memref<128xi32, #tpu.memory_space<vmem>>
          %dma_start3A_194 = arith.constant 0 : i32
          %dma_start3A_195 = tpu.memref_slice %arg19[%dma_start3A_194] : memref<10240xf32, #tpu.memory_space<vmem_shared>> -> memref<10240xf32, #tpu.memory_space<vmem_shared>>
          tpu.enqueue_indirect_dma source(%dma_start3A_195 : memref<10240xf32, #tpu.memory_space<vmem_shared>>) target(%arg13 : memref<128xf32, #tpu.memory_space<vmem>>) offsets(%dma_start3A_193 : memref<128xi32, #tpu.memory_space<vmem>>) semaphore(%arg24 : memref<!tpu.dma_semaphore, #tpu.memory_space<semaphore_mem>>)
        } else {
        }
        %mul3A_133 = arith.constant 4 : i32
        %mul3A_134 = arith.muli %scan3A_80, %mul3A_133 : i32
        %add3A_135 = arith.constant 2 : i32
        %add3A_136 = arith.addi %mul3A_134, %add3A_135 : i32
        %dma_wait3A_137 = arith.constant 0 : i32
        %dma_wait3A_138 = tpu.memref_slice %arg8[%add3A_136, %dma_wait3A_137] : memref<160x128xi32, #tpu.memory_space<vmem>> -> memref<1x128xi32, #tpu.memory_space<vmem>>
        %dma_wait3A_139 = tpu.memref_squeeze %dma_wait3A_138 : memref<1x128xi32, #tpu.memory_space<vmem>> -> memref<128xi32, #tpu.memory_space<vmem>>
        %dma_wait3A_140 = arith.constant 0 : i32
        %dma_wait3A_141 = tpu.memref_slice %arg19[%dma_wait3A_140] : memref<10240xf32, #tpu.memory_space<vmem_shared>> -> memref<10240xf32, #tpu.memory_space<vmem_shared>>
        tpu.wait_indirect_dma semaphore(%arg23 : memref<!tpu.dma_semaphore, #tpu.memory_space<semaphore_mem>>) src(%dma_wait3A_141 : memref<10240xf32, #tpu.memory_space<vmem_shared>>) dst(%arg12 : memref<128xf32, #tpu.memory_space<vmem>>)
        %dma_start3A_142 = arith.constant 0 : i32
        %dma_start3A_143 = tpu.memref_slice %arg9[%add3A_136, %dma_start3A_142] : memref<160x128xi32, #tpu.memory_space<vmem>> -> memref<1x128xi32, #tpu.memory_space<vmem>>
        %dma_start3A_144 = tpu.memref_squeeze %dma_start3A_143 : memref<1x128xi32, #tpu.memory_space<vmem>> -> memref<128xi32, #tpu.memory_space<vmem>>
        %dma_start3A_145 = arith.constant 0 : i32
        %dma_start3A_146 = tpu.memref_slice %arg20[%dma_start3A_145] : memref<10240xf32, #tpu.memory_space<vmem_shared>> -> memref<10240xf32, #tpu.memory_space<vmem_shared>>
        tpu.enqueue_indirect_dma source(%arg12 : memref<128xf32, #tpu.memory_space<vmem>>) target(%dma_start3A_146 : memref<10240xf32, #tpu.memory_space<vmem_shared>>) offsets(%dma_start3A_144 : memref<128xi32, #tpu.memory_space<vmem>>) semaphore(%arg27 : memref<!tpu.dma_semaphore, #tpu.memory_space<semaphore_mem>>) {add = true}
        %sub3A_147 = arith.constant 2 : i32
        %sub3A_148 = arith.subi %add3A_136, %sub3A_147 : i32
        %ge3A_149 = arith.constant 0 : i32
        %ge3A_150 = arith.cmpi sge, %sub3A_148, %ge3A_149 : i32
        %convert_element_type3A_151 = arith.extui %ge3A_150 : i1 to i32
        %cond3A_152 = arith.constant 0 : i32
        %cond3A_153 = arith.cmpi ne, %convert_element_type3A_151, %cond3A_152 : i32
        scf.if %cond3A_153 {
          %sub3A_189 = arith.constant 2 : i32
          %sub3A_190 = arith.subi %add3A_136, %sub3A_189 : i32
          %dma_wait3A_191 = arith.constant 0 : i32
          %dma_wait3A_192 = tpu.memref_slice %arg9[%sub3A_190, %dma_wait3A_191] : memref<160x128xi32, #tpu.memory_space<vmem>> -> memref<1x128xi32, #tpu.memory_space<vmem>>
          %dma_wait3A_193 = tpu.memref_squeeze %dma_wait3A_192 : memref<1x128xi32, #tpu.memory_space<vmem>> -> memref<128xi32, #tpu.memory_space<vmem>>
          %dma_wait3A_194 = arith.constant 0 : i32
          %dma_wait3A_195 = tpu.memref_slice %arg20[%dma_wait3A_194] : memref<10240xf32, #tpu.memory_space<vmem_shared>> -> memref<10240xf32, #tpu.memory_space<vmem_shared>>
          tpu.wait_indirect_dma semaphore(%arg25 : memref<!tpu.dma_semaphore, #tpu.memory_space<semaphore_mem>>) src(%arg10 : memref<128xf32, #tpu.memory_space<vmem>>) dst(%dma_wait3A_195 : memref<10240xf32, #tpu.memory_space<vmem_shared>>)
        } else {
        }
        %add3A_154 = arith.constant 2 : i32
        %add3A_155 = arith.addi %add3A_136, %add3A_154 : i32
        %lt3A_156 = arith.constant 160 : i32
        %lt3A_157 = arith.cmpi slt, %add3A_155, %lt3A_156 : i32
        %convert_element_type3A_158 = arith.extui %lt3A_157 : i1 to i32
        %cond3A_159 = arith.constant 0 : i32
        %cond3A_160 = arith.cmpi ne, %convert_element_type3A_158, %cond3A_159 : i32
        scf.if %cond3A_160 {
          %add3A_189 = arith.constant 2 : i32
          %add3A_190 = arith.addi %add3A_136, %add3A_189 : i32
          %dma_start3A_191 = arith.constant 0 : i32
          %dma_start3A_192 = tpu.memref_slice %arg8[%add3A_190, %dma_start3A_191] : memref<160x128xi32, #tpu.memory_space<vmem>> -> memref<1x128xi32, #tpu.memory_space<vmem>>
          %dma_start3A_193 = tpu.memref_squeeze %dma_start3A_192 : memref<1x128xi32, #tpu.memory_space<vmem>> -> memref<128xi32, #tpu.memory_space<vmem>>
          %dma_start3A_194 = arith.constant 0 : i32
          %dma_start3A_195 = tpu.memref_slice %arg19[%dma_start3A_194] : memref<10240xf32, #tpu.memory_space<vmem_shared>> -> memref<10240xf32, #tpu.memory_space<vmem_shared>>
          tpu.enqueue_indirect_dma source(%dma_start3A_195 : memref<10240xf32, #tpu.memory_space<vmem_shared>>) target(%arg10 : memref<128xf32, #tpu.memory_space<vmem>>) offsets(%dma_start3A_193 : memref<128xi32, #tpu.memory_space<vmem>>) semaphore(%arg21 : memref<!tpu.dma_semaphore, #tpu.memory_space<semaphore_mem>>)
        } else {
        }
        %mul3A_161 = arith.constant 4 : i32
        %mul3A_162 = arith.muli %scan3A_80, %mul3A_161 : i32
        %add3A_163 = arith.constant 3 : i32
        %add3A_164 = arith.addi %mul3A_162, %add3A_163 : i32
        %dma_wait3A_165 = arith.constant 0 : i32
        %dma_wait3A_166 = tpu.memref_slice %arg8[%add3A_164, %dma_wait3A_165] : memref<160x128xi32, #tpu.memory_space<vmem>> -> memref<1x128xi32, #tpu.memory_space<vmem>>
        %dma_wait3A_167 = tpu.memref_squeeze %dma_wait3A_166 : memref<1x128xi32, #tpu.memory_space<vmem>> -> memref<128xi32, #tpu.memory_space<vmem>>
        %dma_wait3A_168 = arith.constant 0 : i32
        %dma_wait3A_169 = tpu.memref_slice %arg19[%dma_wait3A_168] : memref<10240xf32, #tpu.memory_space<vmem_shared>> -> memref<10240xf32, #tpu.memory_space<vmem_shared>>
        tpu.wait_indirect_dma semaphore(%arg24 : memref<!tpu.dma_semaphore, #tpu.memory_space<semaphore_mem>>) src(%dma_wait3A_169 : memref<10240xf32, #tpu.memory_space<vmem_shared>>) dst(%arg13 : memref<128xf32, #tpu.memory_space<vmem>>)
        %dma_start3A_170 = arith.constant 0 : i32
        %dma_start3A_171 = tpu.memref_slice %arg9[%add3A_164, %dma_start3A_170] : memref<160x128xi32, #tpu.memory_space<vmem>> -> memref<1x128xi32, #tpu.memory_space<vmem>>
        %dma_start3A_172 = tpu.memref_squeeze %dma_start3A_171 : memref<1x128xi32, #tpu.memory_space<vmem>> -> memref<128xi32, #tpu.memory_space<vmem>>
        %dma_start3A_173 = arith.constant 0 : i32
        %dma_start3A_174 = tpu.memref_slice %arg20[%dma_start3A_173] : memref<10240xf32, #tpu.memory_space<vmem_shared>> -> memref<10240xf32, #tpu.memory_space<vmem_shared>>
        tpu.enqueue_indirect_dma source(%arg13 : memref<128xf32, #tpu.memory_space<vmem>>) target(%dma_start3A_174 : memref<10240xf32, #tpu.memory_space<vmem_shared>>) offsets(%dma_start3A_172 : memref<128xi32, #tpu.memory_space<vmem>>) semaphore(%arg28 : memref<!tpu.dma_semaphore, #tpu.memory_space<semaphore_mem>>) {add = true}
        %sub3A_175 = arith.constant 2 : i32
        %sub3A_176 = arith.subi %add3A_164, %sub3A_175 : i32
        %ge3A_177 = arith.constant 0 : i32
        %ge3A_178 = arith.cmpi sge, %sub3A_176, %ge3A_177 : i32
        %convert_element_type3A_179 = arith.extui %ge3A_178 : i1 to i32
        %cond3A_180 = arith.constant 0 : i32
        %cond3A_181 = arith.cmpi ne, %convert_element_type3A_179, %cond3A_180 : i32
        scf.if %cond3A_181 {
          %sub3A_189 = arith.constant 2 : i32
          %sub3A_190 = arith.subi %add3A_164, %sub3A_189 : i32
          %dma_wait3A_191 = arith.constant 0 : i32
          %dma_wait3A_192 = tpu.memref_slice %arg9[%sub3A_190, %dma_wait3A_191] : memref<160x128xi32, #tpu.memory_space<vmem>> -> memref<1x128xi32, #tpu.memory_space<vmem>>
          %dma_wait3A_193 = tpu.memref_squeeze %dma_wait3A_192 : memref<1x128xi32, #tpu.memory_space<vmem>> -> memref<128xi32, #tpu.memory_space<vmem>>
          %dma_wait3A_194 = arith.constant 0 : i32
          %dma_wait3A_195 = tpu.memref_slice %arg20[%dma_wait3A_194] : memref<10240xf32, #tpu.memory_space<vmem_shared>> -> memref<10240xf32, #tpu.memory_space<vmem_shared>>
          tpu.wait_indirect_dma semaphore(%arg26 : memref<!tpu.dma_semaphore, #tpu.memory_space<semaphore_mem>>) src(%arg11 : memref<128xf32, #tpu.memory_space<vmem>>) dst(%dma_wait3A_195 : memref<10240xf32, #tpu.memory_space<vmem_shared>>)
        } else {
        }
        %add3A_182 = arith.constant 2 : i32
        %add3A_183 = arith.addi %add3A_164, %add3A_182 : i32
        %lt3A_184 = arith.constant 160 : i32
        %lt3A_185 = arith.cmpi slt, %add3A_183, %lt3A_184 : i32
        %convert_element_type3A_186 = arith.extui %lt3A_185 : i1 to i32
        %cond3A_187 = arith.constant 0 : i32
        %cond3A_188 = arith.cmpi ne, %convert_element_type3A_186, %cond3A_187 : i32
        scf.if %cond3A_188 {
          %add3A_189 = arith.constant 2 : i32
          %add3A_190 = arith.addi %add3A_164, %add3A_189 : i32
          %dma_start3A_191 = arith.constant 0 : i32
          %dma_start3A_192 = tpu.memref_slice %arg8[%add3A_190, %dma_start3A_191] : memref<160x128xi32, #tpu.memory_space<vmem>> -> memref<1x128xi32, #tpu.memory_space<vmem>>
          %dma_start3A_193 = tpu.memref_squeeze %dma_start3A_192 : memref<1x128xi32, #tpu.memory_space<vmem>> -> memref<128xi32, #tpu.memory_space<vmem>>
          %dma_start3A_194 = arith.constant 0 : i32
          %dma_start3A_195 = tpu.memref_slice %arg19[%dma_start3A_194] : memref<10240xf32, #tpu.memory_space<vmem_shared>> -> memref<10240xf32, #tpu.memory_space<vmem_shared>>
          tpu.enqueue_indirect_dma source(%dma_start3A_195 : memref<10240xf32, #tpu.memory_space<vmem_shared>>) target(%arg11 : memref<128xf32, #tpu.memory_space<vmem>>) offsets(%dma_start3A_193 : memref<128xi32, #tpu.memory_space<vmem>>) semaphore(%arg22 : memref<!tpu.dma_semaphore, #tpu.memory_space<semaphore_mem>>)
        } else {
        }
      }
      %scan3A_52 = arith.constant 40 : i32
      %dma_wait3A_53 = arith.constant 158 : i32
      %dma_wait3A_54 = arith.constant 0 : i32
      %dma_wait3A_55 = tpu.memref_slice %arg9[%dma_wait3A_53, %dma_wait3A_54] : memref<160x128xi32, #tpu.memory_space<vmem>> -> memref<1x128xi32, #tpu.memory_space<vmem>>
      %dma_wait3A_56 = tpu.memref_squeeze %dma_wait3A_55 : memref<1x128xi32, #tpu.memory_space<vmem>> -> memref<128xi32, #tpu.memory_space<vmem>>
      %dma_wait3A_57 = arith.constant 0 : i32
      %dma_wait3A_58 = tpu.memref_slice %arg20[%dma_wait3A_57] : memref<10240xf32, #tpu.memory_space<vmem_shared>> -> memref<10240xf32, #tpu.memory_space<vmem_shared>>
      tpu.wait_indirect_dma semaphore(%arg27 : memref<!tpu.dma_semaphore, #tpu.memory_space<semaphore_mem>>) src(%arg12 : memref<128xf32, #tpu.memory_space<vmem>>) dst(%dma_wait3A_58 : memref<10240xf32, #tpu.memory_space<vmem_shared>>)
      %dma_wait3A_59 = arith.constant 159 : i32
      %dma_wait3A_60 = arith.constant 0 : i32
      %dma_wait3A_61 = tpu.memref_slice %arg9[%dma_wait3A_59, %dma_wait3A_60] : memref<160x128xi32, #tpu.memory_space<vmem>> -> memref<1x128xi32, #tpu.memory_space<vmem>>
      %dma_wait3A_62 = tpu.memref_squeeze %dma_wait3A_61 : memref<1x128xi32, #tpu.memory_space<vmem>> -> memref<128xi32, #tpu.memory_space<vmem>>
      %dma_wait3A_63 = arith.constant 0 : i32
      %dma_wait3A_64 = tpu.memref_slice %arg20[%dma_wait3A_63] : memref<10240xf32, #tpu.memory_space<vmem_shared>> -> memref<10240xf32, #tpu.memory_space<vmem_shared>>
      tpu.wait_indirect_dma semaphore(%arg28 : memref<!tpu.dma_semaphore, #tpu.memory_space<semaphore_mem>>) src(%arg13 : memref<128xf32, #tpu.memory_space<vmem>>) dst(%dma_wait3A_64 : memref<10240xf32, #tpu.memory_space<vmem_shared>>)
      %barrier3A_65 = arith.constant 0 : index
      tpu.barrier barrier_id(%barrier3A_65)
      %mul3A_66 = arith.constant 640 : i32
      %mul3A_67 = arith.muli %arg1, %mul3A_66 : i32
      "tpu.region"() ({
        %run_scoped3A = tpu.sem_alloc : memref<!tpu.dma_semaphore, #tpu.memory_space<semaphore_mem>>
        %dma_start3A_80 = tpu.memref_slice %arg20[%mul3A_67] : memref<10240xf32, #tpu.memory_space<vmem_shared>> -> memref<640xf32, #tpu.memory_space<vmem_shared>>
        %dma_start3A_81 = tpu.memref_slice %arg20[%mul3A_67] : memref<10240xf32, #tpu.memory_space<vmem_shared>> -> memref<640xf32, #tpu.memory_space<vmem_shared>>
        tpu.enqueue_dma source(%dma_start3A_81 : memref<640xf32, #tpu.memory_space<vmem_shared>>) target(%arg14 : memref<640xf32, #tpu.memory_space<vmem>>) target_semaphore(%run_scoped3A : memref<!tpu.dma_semaphore, #tpu.memory_space<semaphore_mem>>)
        %dma_wait3A_82 = tpu.memref_slice %arg20[%mul3A_67] : memref<10240xf32, #tpu.memory_space<vmem_shared>> -> memref<640xf32, #tpu.memory_space<vmem_shared>>
        %dma_wait3A_83 = tpu.memref_slice %arg20[%mul3A_67] : memref<10240xf32, #tpu.memory_space<vmem_shared>> -> memref<640xf32, #tpu.memory_space<vmem_shared>>
        tpu.wait_dma2 semaphore(%run_scoped3A : memref<!tpu.dma_semaphore, #tpu.memory_space<semaphore_mem>>) src(%dma_wait3A_83 : memref<640xf32, #tpu.memory_space<vmem_shared>>) dst(%arg14 : memref<640xf32, #tpu.memory_space<vmem>>)
        tpu.yield
      }) : () -> ()
      %mul3A_68 = arith.constant 640 : i32
      %mul3A_69 = arith.muli %arg1, %mul3A_68 : i32
      "tpu.region"() ({
        %run_scoped3A = tpu.sem_alloc : memref<!tpu.dma_semaphore, #tpu.memory_space<semaphore_mem>>
        %dma_start3A_80 = tpu.memref_slice %arg5[%mul3A_69] : memref<10240xf32, #tpu.memory_space<hbm>> -> memref<640xf32, #tpu.memory_space<hbm>>
        %dma_start3A_81 = tpu.memref_slice %arg5[%mul3A_69] : memref<10240xf32, #tpu.memory_space<hbm>> -> memref<640xf32, #tpu.memory_space<hbm>>
        tpu.enqueue_dma source(%dma_start3A_81 : memref<640xf32, #tpu.memory_space<hbm>>) target(%arg15 : memref<640xf32, #tpu.memory_space<vmem>>) target_semaphore(%run_scoped3A : memref<!tpu.dma_semaphore, #tpu.memory_space<semaphore_mem>>)
        %dma_wait3A_82 = tpu.memref_slice %arg5[%mul3A_69] : memref<10240xf32, #tpu.memory_space<hbm>> -> memref<640xf32, #tpu.memory_space<hbm>>
        %dma_wait3A_83 = tpu.memref_slice %arg5[%mul3A_69] : memref<10240xf32, #tpu.memory_space<hbm>> -> memref<640xf32, #tpu.memory_space<hbm>>
        tpu.wait_dma2 semaphore(%run_scoped3A : memref<!tpu.dma_semaphore, #tpu.memory_space<semaphore_mem>>) src(%dma_wait3A_83 : memref<640xf32, #tpu.memory_space<hbm>>) dst(%arg15 : memref<640xf32, #tpu.memory_space<vmem>>)
        tpu.yield
      }) : () -> ()
      %get3A = arith.constant 0 : index
      %get3A_70 = tpu.vector_load %arg18[%get3A] {strides = array<i32>} : memref<16xf32, #tpu.memory_space<vmem>>, vector<16xf32>,
      %get3A_71 = vector.shape_cast %get3A_70 : vector<16xf32> to vector<16xf32>
      %scan3A_72 = arith.constant 0 : i32
      %scan3A_73 = arith.constant 0 : i32
      %scan3A_74 = arith.constant 40 : i32
      %scan3A_75 = arith.addi %scan3A_73, %scan3A_74 : i32
      %scan3A_76 = arith.constant 1 : i32
      scf.for %scan3A_80 = %scan3A_73 to %scan3A_75 step %scan3A_76  : i32 {
        %mul3A_81 = arith.constant 16 : i32
        %mul3A_82 = arith.muli %scan3A_80, %mul3A_81 : i32
        %get3A_83 = arith.index_cast %mul3A_82 : i32 to index
        %get3A_84 = tpu.vector_load %arg14[%get3A_83] {strides = array<i32>} : memref<640xf32, #tpu.memory_space<vmem>>, vector<16xf32>,
        %get3A_85 = vector.shape_cast %get3A_84 : vector<16xf32> to vector<16xf32>
        %mul3A_86 = arith.constant 16 : i32
        %mul3A_87 = arith.muli %scan3A_80, %mul3A_86 : i32
        %get3A_88 = arith.index_cast %mul3A_87 : i32 to index
        %get3A_89 = tpu.vector_load %arg15[%get3A_88] {strides = array<i32>} : memref<640xf32, #tpu.memory_space<vmem>>, vector<16xf32>,
        %get3A_90 = vector.shape_cast %get3A_89 : vector<16xf32> to vector<16xf32>
        %mul3A_91 = arith.constant 16 : i32
        %mul3A_92 = arith.muli %scan3A_80, %mul3A_91 : i32
        %get3A_93 = arith.index_cast %mul3A_92 : i32 to index
        %get3A_94 = tpu.vector_load %arg16[%get3A_93] {strides = array<i32>} : memref<640xf32, #tpu.memory_space<vmem>>, vector<16xf32>,
        %get3A_95 = vector.shape_cast %get3A_94 : vector<16xf32> to vector<16xf32>
        %add3A = arith.addf %get3A_85, %get3A_95 : vector<16xf32>
        %mul3A_96 = arith.mulf %get3A_90, %add3A : vector<16xf32>
        %add3A_97 = arith.addf %mul3A_96, %get3A_71 : vector<16xf32>
        %mul3A_98 = arith.constant 16 : i32
        %mul3A_99 = arith.muli %scan3A_80, %mul3A_98 : i32
        %swap3A = arith.index_cast %mul3A_99 : i32 to index
        %swap3A_100 = tpu.vector_load %arg17[%swap3A] {strides = array<i32>} : memref<640xf32, #tpu.memory_space<vmem>>, vector<16xf32>,
        %swap3A_101 = vector.shape_cast %swap3A_100 : vector<16xf32> to vector<16xf32>
        %swap3A_102 = vector.shape_cast %add3A_97 : vector<16xf32> to vector<16xf32>
        tpu.vector_store %arg17[%swap3A], %swap3A_102 {strides = array<i32>} : memref<640xf32, #tpu.memory_space<vmem>>, vector<16xf32>,
      }
      %scan3A_77 = arith.constant 40 : i32
      %mul3A_78 = arith.constant 640 : i32
      %mul3A_79 = arith.muli %arg1, %mul3A_78 : i32
      "tpu.region"() ({
        %run_scoped3A = tpu.sem_alloc : memref<!tpu.dma_semaphore, #tpu.memory_space<semaphore_mem>>
        %dma_start3A_80 = tpu.memref_slice %arg7[%mul3A_79] : memref<10240xf32, #tpu.memory_space<hbm>> -> memref<640xf32, #tpu.memory_space<hbm>>
        %dma_start3A_81 = tpu.memref_slice %arg7[%mul3A_79] : memref<10240xf32, #tpu.memory_space<hbm>> -> memref<640xf32, #tpu.memory_space<hbm>>
        tpu.enqueue_dma source(%arg17 : memref<640xf32, #tpu.memory_space<vmem>>) target(%dma_start3A_81 : memref<640xf32, #tpu.memory_space<hbm>>) target_semaphore(%run_scoped3A : memref<!tpu.dma_semaphore, #tpu.memory_space<semaphore_mem>>)
        %dma_wait3A_82 = tpu.memref_slice %arg7[%mul3A_79] : memref<10240xf32, #tpu.memory_space<hbm>> -> memref<640xf32, #tpu.memory_space<hbm>>
        %dma_wait3A_83 = tpu.memref_slice %arg7[%mul3A_79] : memref<10240xf32, #tpu.memory_space<hbm>> -> memref<640xf32, #tpu.memory_space<hbm>>
        tpu.wait_dma2 semaphore(%run_scoped3A : memref<!tpu.dma_semaphore, #tpu.memory_space<semaphore_mem>>) src(%arg17 : memref<640xf32, #tpu.memory_space<vmem>>) dst(%dma_wait3A_83 : memref<640xf32, #tpu.memory_space<hbm>>)
        tpu.yield
      }) : () -> ()
    } else {
    }
    return
  }
}

module attributes {stable_mosaic.version = 14 : i64} {
  func.func @_tc1_body(%arg0: i32, %arg1: memref<1024x128xf32, #tpu.memory_space<vmem>>, %arg2: memref<128x128xf32, #tpu.memory_space<vmem>>, %arg3: memref<1024x2xf32, #tpu.memory_space<vmem>>, %arg4: memref<1024x128xf32, #tpu.memory_space<vmem>>, %arg5: memref<1024x1xf32, #tpu.memory_space<vmem>>) attributes {dimension_semantics = [#tpu.dimension_semantics<arbitrary>], iteration_bounds = array<i64: 10>, scalar_prefetch = 0 : i64, scratch_operands = 0 : i64, tpu.core_type = #tpu.core_type<tc>, window_params = [{transform_indices = @transform_0, window_bounds = array<i64: 1024, 128>}, {pipeline_mode = #tpu.pipeline_mode<synchronous>, transform_indices = @transform_1, window_bounds = array<i64: 128, 128>}, {transform_indices = @transform_2, window_bounds = array<i64: 1024, 2>}, {transform_indices = @transform_3, window_bounds = array<i64: 1024, 128>}, {transform_indices = @transform_4, window_bounds = array<i64: 1024, 1>}]} {
    %get3A = arith.constant 0 : index
    %get3A_0 = arith.constant 0 : index
    %get3A_1 = vector.load %arg3[%get3A, %get3A_0] : memref<1024x2xf32, #tpu.memory_space<vmem>>, vector<1024x1xf32>
    %add3A = arith.constant 1.000000e+00 : f32
    %add3A_2 = vector.broadcast %add3A : f32 to vector<1024x1xf32>
    %add3A_3 = arith.addf %add3A_2, %get3A_1 : vector<1024x1xf32>
    %get3A_4 = arith.constant 0 : index
    %get3A_5 = arith.constant 1 : index
    %get3A_6 = vector.load %arg3[%get3A_4, %get3A_5] : memref<1024x2xf32, #tpu.memory_space<vmem>>, vector<1024x1xf32>
    %add3A_7 = arith.addf %add3A_3, %get3A_6 : vector<1024x1xf32>
    %rsqrt3A = math.rsqrt %add3A_7 : vector<1024x1xf32>
    %get3A_8 = arith.constant 0 : index
    %get3A_9 = arith.constant 0 : index
    %get3A_10 = vector.load %arg1[%get3A_8, %get3A_9] : memref<1024x128xf32, #tpu.memory_space<vmem>>, vector<1024x128xf32>
    %get3A_11 = arith.constant 0 : index
    %get3A_12 = arith.constant 0 : index
    %get3A_13 = vector.load %arg2[%get3A_11, %get3A_12] : memref<128x128xf32, #tpu.memory_space<vmem>>, vector<128x128xf32>
    %dot_general3A = arith.constant dense<0.000000e+00> : vector<1024x128xf32>
    %dot_general3A_14 = tpu.matmul %get3A_10, %get3A_13, %dot_general3A {dimension_numbers = #tpu.dot_dimension_numbers<[1], [0], [0], [1], [0, 0, 1, 1], [], []>, transpose_lhs_hint = false} : vector<1024x128xf32>, vector<128x128xf32>, vector<1024x128xf32> -> vector<1024x128xf32>
    %mul3A = vector.broadcast %rsqrt3A : vector<1024x1xf32> to vector<1024x128xf32>
    %mul3A_15 = arith.mulf %dot_general3A_14, %mul3A : vector<1024x128xf32>
    %swap3A = arith.constant 0 : index
    %swap3A_16 = arith.constant 0 : index
    %swap3A_17 = vector.load %arg4[%swap3A, %swap3A_16] : memref<1024x128xf32, #tpu.memory_space<vmem>>, vector<1024x128xf32>
    tpu.vector_store %arg4[%swap3A, %swap3A_16], %mul3A_15 {strides = array<i32>} : memref<1024x128xf32, #tpu.memory_space<vmem>>, vector<1024x128xf32>,
    %swap3A_18 = arith.constant 0 : index
    %swap3A_19 = arith.constant 0 : index
    %swap3A_20 = vector.load %arg5[%swap3A_18, %swap3A_19] : memref<1024x1xf32, #tpu.memory_space<vmem>>, vector<1024x1xf32>
    tpu.vector_store %arg5[%swap3A_18, %swap3A_19], %rsqrt3A {strides = array<i32>} : memref<1024x1xf32, #tpu.memory_space<vmem>>, vector<1024x1xf32>,
    return
  }
  func.func @transform_0(%arg0: i32) -> (i32, i32) {
    %c0_i32 = arith.constant 0 : i32
    %c0_i32_0 = arith.constant 0 : i32
    return %arg0, %c0_i32 : i32, i32
  }
  func.func @transform_1(%arg0: i32) -> (i32, i32) {
    %c0_i32 = arith.constant 0 : i32
    %c0_i32_0 = arith.constant 0 : i32
    %c0_i32_1 = arith.constant 0 : i32
    return %c0_i32, %c0_i32_0 : i32, i32
  }
  func.func @transform_2(%arg0: i32) -> (i32, i32) {
    %c0_i32 = arith.constant 0 : i32
    %c0_i32_0 = arith.constant 0 : i32
    return %arg0, %c0_i32 : i32, i32
  }
  func.func @transform_3(%arg0: i32) -> (i32, i32) {
    %c0_i32 = arith.constant 0 : i32
    %c0_i32_0 = arith.constant 0 : i32
    return %arg0, %c0_i32 : i32, i32
  }
  func.func @transform_4(%arg0: i32) -> (i32, i32) {
    %c0_i32 = arith.constant 0 : i32
    %c0_i32_0 = arith.constant 0 : i32
    return %arg0, %c0_i32 : i32, i32
  }
}

module attributes {stable_mosaic.version = 14 : i64} {
  func.func @_tc2_body(%arg0: i32, %arg1: memref<2x1024x128xf32, #tpu.memory_space<vmem>>, %arg2: memref<1024x128xf32, #tpu.memory_space<vmem>>, %arg3: memref<1024x1xf32, #tpu.memory_space<vmem>>, %arg4: memref<1x128xf32, #tpu.memory_space<vmem>>, %arg5: memref<1x128xf32, #tpu.memory_space<vmem>>, %arg6: memref<1024x1xf32, #tpu.memory_space<vmem>>) attributes {dimension_semantics = [#tpu.dimension_semantics<arbitrary>], iteration_bounds = array<i64: 10>, scalar_prefetch = 0 : i64, scratch_operands = 0 : i64, tpu.core_type = #tpu.core_type<tc>, window_params = [{transform_indices = @transform_0, window_bounds = array<i64: 2, 1024, 128>}, {transform_indices = @transform_1, window_bounds = array<i64: 1024, 128>}, {transform_indices = @transform_2, window_bounds = array<i64: 1024, 1>}, {pipeline_mode = #tpu.pipeline_mode<synchronous>, transform_indices = @transform_3, window_bounds = array<i64: 1, 128>}, {pipeline_mode = #tpu.pipeline_mode<synchronous>, transform_indices = @transform_4, window_bounds = array<i64: 1, 128>}, {transform_indices = @transform_5, window_bounds = array<i64: 1024, 1>}]} {
    %get3A = arith.constant 0 : index
    %get3A_0 = arith.constant 0 : index
    %get3A_1 = arith.constant 0 : index
    %get3A_2 = vector.load %arg1[%get3A, %get3A_0, %get3A_1] : memref<2x1024x128xf32, #tpu.memory_space<vmem>>, vector<1x1024x128xf32>
    %get3A_3 = vector.shape_cast %get3A_2 : vector<1x1024x128xf32> to vector<1024x128xf32>
    %get3A_4 = arith.constant 1 : index
    %get3A_5 = arith.constant 0 : index
    %get3A_6 = arith.constant 0 : index
    %get3A_7 = vector.load %arg1[%get3A_4, %get3A_5, %get3A_6] : memref<2x1024x128xf32, #tpu.memory_space<vmem>>, vector<1x1024x128xf32>
    %get3A_8 = vector.shape_cast %get3A_7 : vector<1x1024x128xf32> to vector<1024x128xf32>
    %add3A = arith.addf %get3A_3, %get3A_8 : vector<1024x128xf32>
    %get3A_9 = arith.constant 0 : index
    %get3A_10 = arith.constant 0 : index
    %get3A_11 = vector.load %arg2[%get3A_9, %get3A_10] : memref<1024x128xf32, #tpu.memory_space<vmem>>, vector<1024x128xf32>
    %add3A_12 = arith.addf %add3A, %get3A_11 : vector<1024x128xf32>
    %get3A_13 = arith.constant 0 : index
    %get3A_14 = arith.constant 0 : index
    %get3A_15 = vector.load %arg3[%get3A_13, %get3A_14] : memref<1024x1xf32, #tpu.memory_space<vmem>>, vector<1024x1xf32>
    %mul3A = vector.broadcast %get3A_15 : vector<1024x1xf32> to vector<1024x128xf32>
    %mul3A_16 = arith.mulf %add3A_12, %mul3A : vector<1024x128xf32>
    %get3A_17 = arith.constant 0 : index
    %get3A_18 = arith.constant 0 : index
    %get3A_19 = vector.load %arg4[%get3A_17, %get3A_18] : memref<1x128xf32, #tpu.memory_space<vmem>>, vector<1x128xf32>
    %add3A_20 = vector.broadcast %get3A_19 : vector<1x128xf32> to vector<1024x128xf32>
    %add3A_21 = arith.addf %mul3A_16, %add3A_20 : vector<1024x128xf32>
    %max3A = arith.constant 0.000000e+00 : f32
    %max3A_22 = vector.broadcast %max3A : f32 to vector<1024x128xf32>
    %max3A_23 = arith.maximumf %add3A_21, %max3A_22 : vector<1024x128xf32>
    %get3A_24 = arith.constant 0 : index
    %get3A_25 = arith.constant 0 : index
    %get3A_26 = vector.load %arg5[%get3A_24, %get3A_25] : memref<1x128xf32, #tpu.memory_space<vmem>>, vector<1x128xf32>
    %mul3A_27 = vector.broadcast %get3A_26 : vector<1x128xf32> to vector<1024x128xf32>
    %mul3A_28 = arith.mulf %max3A_23, %mul3A_27 : vector<1024x128xf32>
    %reduce_sum3A = arith.constant dense<0.000000e+00> : vector<1024xf32>
    %reduce_sum3A_29 = vector.multi_reduction <add>, %mul3A_28, %reduce_sum3A [1] : vector<1024x128xf32> to vector<1024xf32>
    %broadcast_in_dim3A = vector.shape_cast %reduce_sum3A_29 : vector<1024xf32> to vector<1024x1xf32>
    %get3A_30 = arith.constant 0 : index
    %get3A_31 = arith.constant 0 : index
    %get3A_32 = vector.load %arg3[%get3A_30, %get3A_31] : memref<1024x1xf32, #tpu.memory_space<vmem>>, vector<1024x1xf32>
    %mul3A_33 = arith.mulf %broadcast_in_dim3A, %get3A_32 : vector<1024x1xf32>
    %swap3A = arith.constant 0 : index
    %swap3A_34 = arith.constant 0 : index
    %swap3A_35 = vector.load %arg6[%swap3A, %swap3A_34] : memref<1024x1xf32, #tpu.memory_space<vmem>>, vector<1024x1xf32>
    tpu.vector_store %arg6[%swap3A, %swap3A_34], %mul3A_33 {strides = array<i32>} : memref<1024x1xf32, #tpu.memory_space<vmem>>, vector<1024x1xf32>,
    return
  }
  func.func @transform_0(%arg0: i32) -> (i32, i32, i32) {
    %c0_i32 = arith.constant 0 : i32
    %c0_i32_0 = arith.constant 0 : i32
    %c0_i32_1 = arith.constant 0 : i32
    return %c0_i32, %arg0, %c0_i32_0 : i32, i32, i32
  }
  func.func @transform_1(%arg0: i32) -> (i32, i32) {
    %c0_i32 = arith.constant 0 : i32
    %c0_i32_0 = arith.constant 0 : i32
    return %arg0, %c0_i32 : i32, i32
  }
  func.func @transform_2(%arg0: i32) -> (i32, i32) {
    %c0_i32 = arith.constant 0 : i32
    %c0_i32_0 = arith.constant 0 : i32
    return %arg0, %c0_i32 : i32, i32
  }
  func.func @transform_3(%arg0: i32) -> (i32, i32) {
    %c0_i32 = arith.constant 0 : i32
    %c0_i32_0 = arith.constant 0 : i32
    %c0_i32_1 = arith.constant 0 : i32
    return %c0_i32, %c0_i32_0 : i32, i32
  }
  func.func @transform_4(%arg0: i32) -> (i32, i32) {
    %c0_i32 = arith.constant 0 : i32
    %c0_i32_0 = arith.constant 0 : i32
    %c0_i32_1 = arith.constant 0 : i32
    return %c0_i32, %c0_i32_0 : i32, i32
  }
  func.func @transform_5(%arg0: i32) -> (i32, i32) {
    %c0_i32 = arith.constant 0 : i32
    %c0_i32_0 = arith.constant 0 : i32
    return %arg0, %c0_i32 : i32, i32
  }
}

</mosaic_0001>

<sc_bundles>
// kernel: kernel.10.cloned.1.call-start
scs
__scs_entry_jumppad:
0x0: {  	(pc) =	sbr.rel $0x88, $3  }
0x1: {  	(tag) =	ssettag $0x0;
	lr =	simm.s32 $0x1  }
0x2: {  	[smem:$0x3F9B] =	sst lr;
	_ =	strace $0xD0000000  }
0x3: {  	_ = 	snop  }
0x4: {  	_ = 	snop  }
0x5: {  	_ = 	snop  }
0x6: {  	_ = 	snop  }
0x7: {  	_ = 	snop  }
__scs_overlays_trampoline_lowered:
0x8: {  	[smem:$0x3FAA] =	sst s0  }
0x9: {  	[smem:$0x3FAB] =	sst s1  }
0xa: {  	[smem:$0x3FAC] =	sst s2  }
0xb: {  	[smem:$0x3FAD] =	sst s3  }
0xc: {  	[smem:$0x3FAE] =	sst s4  }
0xd: {  	[smem:$0x3FAF] =	sst s5  }
0xe: {  	[smem:$0x3FB0] =	sst s6  }
0xf: {  	[smem:$0x3FB1] =	sst s7  }
0x10: {  	[smem:$0x3FB2] =	sst s8  }
0x11: {  	[smem:$0x3FB3] =	sst s9;
	s0 =	simm.s32 @!p0 $0x0  }
0x12: {  	s1 =	sld [smem:$0x3F99];
	s0 =	simm.s32 @p0 $0x1  }
0x13: {  	[smem:$0x3FB4] =	sst s0;
	s0 =	simm.s32 @!p1 $0x0  }
0x14: {  	s2 =	sld [smem:$0x3F98];
	s0 =	simm.s32 @p1 $0x1  }
0x15: {  	[smem:$0x3FB5] =	sst s0;
	s0 =	simm.s32 @!p2 $0x0  }
0x16: {  	s3 =	sld [smem:$0x3FDB];
	s0 =	simm.s32 @p2 $0x1  }
0x17: {  	s4 =	simm.s32 $0x1BF5;
	[smem:$0x3FB7] =	sst s0  }
0x18: {  	s0 =	sld [smem:$0x3F9A];
	_ =	swait.ge [sflag:s4], $0x0  }
0x19: {  	s7 =	sld [smem:$0x3F9B]  }
0x1a: {  	s8 =	sadd.s32 $0xFFFFE003, lr  }
0x1b: {  	s9 =	sadd.s32 $0xFFFFFEF7, lr;
	s5 =	simm.s32 $0xFFFFFFFF;
	p2 =	slt.u32 s8, $0xFFFFF086  }
0x1c: {  	p1 =	slt.u32 s9, $0xF7A;
	s5 =	simm.s32 @!p2 $0x0  }
0x1d: {  	s5 =	simm.s32 @p1 $0x1;
	p0 =	seq.s32 s7, s2  }
0x1e: {  	s7 =	smul.u32 @!p0 $0xF7A, s2;
	p2 =	seq.s32 @!p0 s5, $0x0  }
0x1f: {  	s9 =	smul.u32 $0xF7A, s1;
	s8 =	simm.s32 @!p0 $0x1BF5;
	p2 =	por !p2, p0  }
0x20: {  	[sflag:s8] =	ssyncset.s32 @!p0 $0xFFFFF086;
	s6 =	sadd.s32 @!p0 s3, s7;
	s7 =	simm.s32 @!p0 $0x108  }
0x21: {  	s3 =	sadd.s32 s3, s9;
	s6 =	sadd.s32 @!p0 $0x88, s6;
	s7 =	simm.s32 @p2 $0x1082  }
0x22: {  	[simem:s7], [sflag:s8] =	dma.local @!p0 [hbm:s6], $0xF7A  }
0x23: {  	s9 =	sor.u32 $0xD0000000, s2;
	s6 =	simm.s32 $0x108;
	_ =	swait.ge @!p0 [sflag:s8], $0x0  }
0x24: {  	s3 =	sadd.s32 $0x88, s3;
	s6 =	simm.s32 @!p1 $0x1082;
	[sflag:s4] =	ssyncset.s32 $0xFFFFF086  }
0x25: {  	[simem:s6], [sflag:s4] =	dma.local [hbm:s3], $0xF7A  }
0x26: {  	[smem:$0x3F9B] =	sst s1;
	(tag) =	ssettag s2;
	_ =	strace s9  }
0x27: {  	s1 =	sld [smem:$0x3FAB]  }
0x28: {  	s2 =	sld [smem:$0x3FAC]  }
0x29: {  	s4 =	sld [smem:$0x3FAE]  }
0x2a: {  	p0 =	seq.s32 s5, $0x0;
	s5 =	sld [smem:$0x3FAF]  }
0x2b: {  	s6 =	sld [smem:$0x3FB0]  }
0x2c: {  	s7 =	sld [smem:$0x3FB1]  }
0x2d: {  	s3 =	simm.s32 $0x108;
	s8 =	sld [smem:$0x3FB2]  }
0x2e: {  	s3 =	simm.s32 @!p0 $0x1082;
	s9 =	sld [smem:$0x3FB3]  }
0x2f: {  	lr =	sadd.s32 s0, s3;
	s0 =	sld [smem:$0x3FAA]  }
0x30: {  	s3 =	sld [smem:$0x3FAD]  }
0x31: {  	[smem:$0x3FB6] =	sst s10  }
0x32: {  	s10 =	sld [smem:$0x3FB4];
	_ =	sdelay $0x3  }
0x33: {  	p0 =	seq.s32 s10, $0x1;
	s10 =	sld [smem:$0x3FB6];
	_ =	sdelay $0x3  }
0x34: {  	[smem:$0x3FB6] =	sst s10  }
0x35: {  	s10 =	sld [smem:$0x3FB5];
	_ =	sdelay $0x3  }
0x36: {  	p1 =	seq.s32 s10, $0x1;
	s10 =	sld [smem:$0x3FB6];
	_ =	sdelay $0x3  }
0x37: {  	[smem:$0x3FB6] =	sst s10  }
0x38: {  	s10 =	sld [smem:$0x3FB7]  }
0x39: {  	_ = 	snop;
	(pc) =	sbr.ind lr, $3  }
0x3a: {  	_ = 	snop  }
0x3b: {  	_ = 	snop  }
0x3c: {  	p2 =	seq.s32 s10, $0x1;
	s10 =	sld [smem:$0x3FB6]  }
0x3d: {  	_ =	shalt  }
0x3e: {  	_ =	shalt  }
0x3f: {  	_ =	shalt  }
0x40: {  	_ =	shalt  }
0x41: {  	_ =	shalt  }
0x42: {  	_ =	shalt  }
0x43: {  	_ =	shalt  }
0x44: {  	_ =	shalt  }
0x45: {  	_ =	shalt  }
0x46: {  	_ =	shalt  }
0x47: {  	_ =	shalt  }
0x48: {  	_ =	shalt  }
0x49: {  	_ =	shalt  }
0x4a: {  	_ =	shalt  }
0x4b: {  	_ =	shalt  }
0x4c: {  	_ =	shalt  }
0x4d: {  	_ =	shalt  }
0x4e: {  	_ =	shalt  }
0x4f: {  	_ =	shalt  }
0x50: {  	_ =	shalt  }
0x51: {  	_ =	shalt  }
0x52: {  	_ =	shalt  }
0x53: {  	_ =	shalt  }
0x54: {  	_ =	shalt  }
0x55: {  	_ =	shalt  }
0x56: {  	_ =	shalt  }
0x57: {  	_ =	shalt  }
0x58: {  	_ =	shalt  }
0x59: {  	_ =	shalt  }
0x5a: {  	_ =	shalt  }
0x5b: {  	_ =	shalt  }
0x5c: {  	_ =	shalt  }
0x5d: {  	_ =	shalt  }
0x5e: {  	_ =	shalt  }
0x5f: {  	_ =	shalt  }
0x60: {  	_ =	shalt  }
0x61: {  	_ =	shalt  }
0x62: {  	_ =	shalt  }
0x63: {  	_ =	shalt  }
0x64: {  	_ =	shalt  }
0x65: {  	_ =	shalt  }
0x66: {  	_ =	shalt  }
0x67: {  	_ =	shalt  }
0x68: {  	_ =	shalt  }
0x69: {  	_ =	shalt  }
0x6a: {  	_ =	shalt  }
0x6b: {  	_ =	shalt  }
0x6c: {  	_ =	shalt  }
0x6d: {  	_ =	shalt  }
0x6e: {  	_ =	shalt  }
0x6f: {  	_ =	shalt  }
0x70: {  	_ =	shalt  }
0x71: {  	_ =	shalt  }
0x72: {  	_ =	shalt  }
0x73: {  	_ =	shalt  }
0x74: {  	_ =	shalt  }
0x75: {  	_ =	shalt  }
0x76: {  	_ =	shalt  }
0x77: {  	_ =	shalt  }
0x78: {  	_ =	shalt  }
0x79: {  	_ =	shalt  }
0x7a: {  	_ =	shalt  }
0x7b: {  	_ =	shalt  }
0x7c: {  	_ =	shalt  }
0x7d: {  	_ =	shalt  }
0x7e: {  	_ =	shalt  }
0x7f: {  	_ =	shalt  }
0x80: {  	_ =	shalt  }
0x81: {  	_ =	shalt  }
0x82: {  	_ =	shalt  }
0x83: {  	_ =	shalt  }
0x84: {  	_ =	shalt  }
0x85: {  	_ =	shalt  }
0x86: {  	_ =	shalt  }
0x87: {  	_ =	shalt  }
.Lfunc_end0:
.L_simem_size_0:
called_computation.1_lowered:
.L_overlay_start_0:
0x88: {  	s2 =	sld [smem:$0x3FD9]  }
0x89: {  	s3 =	sld [smem:$0x3FFE];
	_ =	sdelay $0x1  }
0x8a: {  	s1 =	srdreg.scid  }
0x8b: {  	s0 =	sand.u32 $0x1, s1  }
0x8c: {  	s16 =	sshll.u32 s0, $0xA;
	s2 =	sadd.s32 s3, s2  }
0x8d: {  	s2 =	sadd.s32 s2, s16  }
0x8e: {  	[smem:$0x3FC2] =	sst s2  }
0x8f: {  	_ = 	snop  }
0x90: {  	(tm) =	ssettm $0x1  }
0x91: {  	s17 =	sld [smem:$0x3FFB];
	_ =	sdelay $0x3  }
0x92: {  	_ =	strace s17  }
0x93: {  	s2 =	sld [smem:$0x3FFC];
	_ =	sdelay $0x3  }
0x94: {  	_ =	strace s2  }
0x95: {  	s2 =	sld [smem:$0x3FFD];
	_ =	sdelay $0x3  }
0x96: {  	_ =	strace s2  }
0x97: {  	_ =	strace $0x8FFFFFFF  }
0x98: {  	s18 =	sld [smem:$0x3FDB];
	_ =	sdelay $0x1  }
0x99: {  	s19 =	simm.s32 $_scs_section_size  }
0x9a: {  	s4 =	simm.s32 $_size__tile_overlayer_lowered;
	s5 =	simm.s32 $_tile_overlayer_lowered  }
0x9b: {  	s22 =	simm.s32 $0x1BFF;
	s21 =	sshll.u32 s5, $0x1;
	s2 =	sadd.s32 s19, s18  }
0x9c: {  	s6 =	simm.s32 $0x0;
	s20 =	sshll.u32 s4, $0x1;
	s4 =	sadd.s32 s21, s2  }
0x9d: {  	[timem:s6], [sflag:s22] =	dma.local [hbm:s4], s20  }
0x9e: {  	_ =	swait.ge [sflag:s22], s20  }
0x9f: {  	s3 =	ssub.s32 $0x0, s20;
	[sflag:s22] =	ssyncset.done $0x0  }
0xa0: {  	[sflag:s22] =	ssyncadd.s32 s3;
	_ =	sdelay $0x1  }
0xa1: {  	s23 =	simm.s32 $0x1B8B  }
0xa2: {  	_ =	swait.ge [sflag:s23], $0x1  }
0xa3: {  	[sflag:s23] =	ssyncset.done $0x0  }
0xa4: {  	s25 =	simm.s32 $0x1B8E;
	s24 =	sld [smem:$0x3FFE];
	[sflag:s23] =	ssyncadd.s32 $0xFFFFFFFF  }
0xa5: {  	s26 =	simm.s32 $execute0_lowered;
	[smem:$0x3FD2] =	sst s25  }
0xa6: {  	s4 =	sshll.u32 s26, $0x1;
	_ =	strace $0x80000049;
	[dreg:$0x1] =	wrdreg $0xFFFFFFFF  }
0xa7: {  	s28 =	simm.s32 $_size_execute0_lowered;
	s2 =	sadd.s32 s2, s4;
	[dreg:$0x0] =	wrdreg $0x0  }
0xa8: {  	s4 =	sshll.u32 s28, $0x1;
	[dreg:$0x2] =	wrdreg s2  }
0xa9: {  	[dreg:$0x3] =	wrdreg s4  }
0xaa: {  	[dreg:$0x4] =	wrdreg $0xC0  }
0xab: {  	_ =	task [dreg:s6], $0x5FFFF  }
0xac: {  	[dreg:$0x1] =	wrdreg $0xFFFFFFFF  }
0xad: {  	[dreg:$0x0] =	wrdreg $0x60  }
0xae: {  	[dreg:$0x2] =	wrdreg s24  }
0xaf: {  	[dreg:$0x3] =	wrdreg $0xAA000  }
0xb0: {  	[dreg:$0x4] =	wrdreg $0x9  }
0xb1: {  	_ =	task.clear_ibuf [dreg:s6], $0x5FFFF;
	_ =	strace $0x90000049  }
0xb2: {  	s29 =	simm.s32 $0x9;
	_ =	strace $0x8000004B  }
0xb3: {  	_ =	swait.ge [sflag:s29], $0x1  }
0xb4: {  	[sflag:s29] =	ssyncadd.s32 $0xFFFFFFFF  }
0xb5: {  	_ =	strace $0x9000004B  }
0xb6: {  	_ =	sfence  }
0xb7: {  	s30 =	sld [smem:$0x0];
	_ =	sdelay $0x2  }
0xb8: {  	s31 =	sshll.u32 s1, $0xD;
	s1 =	sshrl.u32 s1, $0x2  }
0xb9: {  	s3 =	sand.u32 $0x4000, s31;
	s1 =	sadd.s32 s1, s30  }
0xba: {  	s0 =	sor.u32 s3, s0;
	s1 =	sshll.u32 s1, $0x11  }
0xbb: {  	s0 =	sor.u32 s1, s0  }
0xbc: {  	s0 =	sadd.s32 $0x8F2B, s0  }
0xbd: {  	[sflag:s0] =	ssyncadd.remote.s32 $0x1  }
0xbe: {  	_ =	sfence.sel $0xFFFF  }
0xbf: {  	[dreg:$0x0] =	wrdreg $0xFFFFFFFF;
	(pc) =	sbr.abs _section_cstart, $3  }
0xc0: {  	[dreg:$0x1] =	wrdreg $0xFFFFFFFF  }
0xc1: {  	_ =	task.clear_ibuf [dreg:s6], $0x2FFFF;
	_ =	strace $0x9FFFFFFF  }
0xc2: {  	(tm) =	ssettm $0x7FFFFFFF  }
0xc3: {  	_ =	shalt  }
tec
execute0_lowered:
.L_overlay_start_1:
0x0: {  	(tag) =	ssettag $0x1  }
0x1: {  	s1 =	rddreg [dreg:$0x0]  }
0x2: {  	s0 =	srdreg.scid;
	s2 =	rddreg [dreg:$0x1]  }
0x3: {  	s9 =	stileid.u32;
	s3 =	simm.s32 $0x0;
	s19 =	simm.s32 $0x3  }
0x4: {  	s20 =	simm.s32 $0x80;
	s21 =	simm.s32 $0x2880;
	s22 =	simm.s32 $0x6A00  }
0x5: {  	s23 =	simm.s32 $0x2A00;
	s24 =	simm.s32 $0x1;
	s28 =	simm.s32 $0x2900  }
0x6: {  	s29 =	simm.s32 $0x5;
	s30 =	simm.s32 $0x2;
	s31 =	simm.s32 $0x2980  }
0x7: {  	s0 =	sand.u32 $0x1, s0;
	[smem:$0x7FF] =	sst s3;
	s7 =	smul.u32 $0x50000, s9  }
0x8: {  	s11 =	smul.u32 $0x14000, s9;
	s4 =	sshll.u32 s0, $0x4;
	_ =	strace $0x8000004A  }
0x9: {  	s5 =	ssub.s32 $0x2, s0;
	s0 =	smul.u32 $0x140000, s0;
	s4 =	sor.u32 s9, s4  }
0xa: {  	s8 =	sshrl.u32 s5, $0x1;
	s7 =	sshrl.u32 s7, $0x2;
	s12 =	sadd.s32 $0x4000, s11  }
0xb: {  	s14 =	sadd.s32 $0x8000, s11;
	s15 =	sadd.s32 $0xC000, s11;
	s16 =	sadd.s32 $0x10000, s11  }
0xc: {  	s4 =	smul.u32 $0x280, s4;
	s17 =	ssub.s32 s5, s8;
	s7 =	sadd.s32 s7, s2  }
0xd: {  	s8 =	sadd.s32 s12, s2;
	s9 =	sadd.s32 s14, s2;
	s10 =	sadd.s32 s15, s2  }
0xe: {  	s13 =	sadd.s32 s11, s0;
	s12 =	sadd.s32 s0, s12;
	s11 =	sadd.s32 s16, s2  }
0xf: {  	s14 =	sadd.s32 s0, s14;
	s15 =	sadd.s32 s0, s15;
	s0 =	sadd.s32 s0, s16  }
0x10: {  	s13 =	sshrl.u32 s13, $0x3;
	s18 =	sshrl.u32 s12, $0x3;
	s14 =	sshrl.u32 s14, $0x3  }
0x11: {  	s15 =	sshrl.u32 s15, $0x3;
	s0 =	sshrl.u32 s0, $0x3;
	s17 =	smax.u32 s17, $0x1  }
.Ltmp0:
0x12: {  	s6 =	sadd.s32 s4, s1;
	s4 =	sadd.s32 $0x1FE00, s1;
	(pc) =	sbr.rel .LBB2_1-.Ltmp0, $4  }
0x13: {  	s1 =	sadd.s32 $0x47E00, s1;
	s25 =	sadd.s32 $0x15E00, s6;
	s26 =	sadd.s32 $0x1AE00, s6  }
0x14: {  	s12 =	sadd.s32 s1, s13;
	s13 =	sadd.s32 s1, s18;
	s14 =	sadd.s32 s1, s14  }
0x15: {  	s15 =	sadd.s32 s1, s15;
	s16 =	sadd.s32 s1, s0;
	[dreg:$0x3] =	wrdreg s25  }
0x16: {  	v0 =	vimm.f32 $0.0e+00;
	s0 =	simm.s32 $0x0;
	[dreg:$0x4] =	wrdreg s26;
	s25 =	simm.s32 $0x4  }
.LBB2_6:
0x17: {  	[bflag:$0x0] =	sbarrier.arrive $0xFFFF  }
0x18: {  	[tilespmem:s23], [sflag:$0x5] =	stream.linear.gather [spmem:s7], $0x4000, $0x38;
	[tilespmem:$0x1EA00] =	vst v63  }
0x19: {  	_ =	swait.ge [sflag:s29], $0x4000  }
0x1a: {  	[sflag:s29] =	ssyncset.done $0x0  }
0x1b: {  	[sflag:s29] =	ssyncadd.s32 $0xFFFFC000  }
0x1c: {  	[hbm4b:s12+s3] =	stream.linear.scatter [tilespmem:s23], [sflag:$0x1], $0x4000, $0x38;
	[tilespmem:$0x1EA00] =	vst v63  }
0x1d: {  	_ = 	snop  }
0x1e: {  	[tilespmem:s22], [sflag:$0x5] =	stream.linear.gather [spmem:s8], $0x4000, $0x38;
	[tilespmem:$0x1EA00] =	vst v63  }
0x1f: {  	_ =	swait.ge [sflag:s29], $0x4000  }
0x20: {  	[sflag:s29] =	ssyncset.done $0x0  }
0x21: {  	[sflag:s29] =	ssyncadd.s32 $0xFFFFC000  }
0x22: {  	_ =	swait.ge [sflag:s24], $0x4000  }
0x23: {  	[sflag:s24] =	ssyncset.done $0x0  }
0x24: {  	[sflag:s24] =	ssyncadd.s32 $0xFFFFC000  }
0x25: {  	[hbm4b:s13+s3] =	stream.linear.scatter [tilespmem:s22], [sflag:$0x2], $0x4000, $0x38;
	[tilespmem:$0x1EA00] =	vst v63  }
0x26: {  	_ = 	snop  }
0x27: {  	[tilespmem:s23], [sflag:$0x5] =	stream.linear.gather [spmem:s9], $0x4000, $0x38;
	[tilespmem:$0x1EA00] =	vst v63  }
0x28: {  	_ =	swait.ge [sflag:s29], $0x4000  }
0x29: {  	[sflag:s29] =	ssyncset.done $0x0  }
0x2a: {  	[sflag:s29] =	ssyncadd.s32 $0xFFFFC000  }
0x2b: {  	_ =	swait.ge [sflag:s30], $0x4000  }
0x2c: {  	[sflag:s30] =	ssyncset.done $0x0  }
0x2d: {  	[sflag:s30] =	ssyncadd.s32 $0xFFFFC000  }
0x2e: {  	[hbm4b:s14+s3] =	stream.linear.scatter [tilespmem:s23], [sflag:$0x1], $0x4000, $0x38;
	[tilespmem:$0x1EA00] =	vst v63  }
0x2f: {  	_ = 	snop  }
0x30: {  	[tilespmem:s22], [sflag:$0x5] =	stream.linear.gather [spmem:s10], $0x4000, $0x38;
	[tilespmem:$0x1EA00] =	vst v63  }
0x31: {  	_ =	swait.ge [sflag:s29], $0x4000  }
0x32: {  	[sflag:s29] =	ssyncset.done $0x0  }
0x33: {  	[sflag:s29] =	ssyncadd.s32 $0xFFFFC000  }
0x34: {  	_ =	swait.ge [sflag:s24], $0x4000  }
0x35: {  	[sflag:s24] =	ssyncset.done $0x0  }
0x36: {  	[sflag:s24] =	ssyncadd.s32 $0xFFFFC000  }
0x37: {  	[hbm4b:s15+s3] =	stream.linear.scatter [tilespmem:s22], [sflag:$0x2], $0x4000, $0x38;
	[tilespmem:$0x1EA00] =	vst v63  }
0x38: {  	_ = 	snop  }
0x39: {  	[tilespmem:s23], [sflag:$0x5] =	stream.linear.gather [spmem:s11], $0x4000, $0x38;
	[tilespmem:$0x1EA00] =	vst v63  }
0x3a: {  	_ =	swait.ge [sflag:s29], $0x4000  }
0x3b: {  	[sflag:s29] =	ssyncset.done $0x0  }
0x3c: {  	[sflag:s29] =	ssyncadd.s32 $0xFFFFC000  }
0x3d: {  	s0 =	sadd.s32 $0x1, s0;
	_ =	swait.ge [sflag:s30], $0x4000  }
0x3e: {  	p0 =	sne.s32 s0, s17;
	[sflag:s30] =	ssyncset.done $0x0  }
.Ltmp1:
0x3f: {  	[sflag:s30] =	ssyncadd.s32 $0xFFFFC000;
	(pc) =	sbr.rel @!p0 .LBB2_7-.Ltmp1, $4  }
0x40: {  	[hbm4b:s16+s3] =	stream.linear.scatter [tilespmem:s23], [sflag:$0x1], $0x4000, $0x38;
	[tilespmem:$0x1EA00] =	vst v63  }
0x41: {  	_ =	swait.ge [sflag:s24], $0x4000  }
0x42: {  	[sflag:s24] =	ssyncset.done $0x0  }
0x43: {  	[sflag:s24] =	ssyncadd.s32 $0xFFFFC000  }
.LBB2_1:
0x44: {  	s1 =	rddreg [dreg:$0x3]  }
0x45: {  	[tilespmem:s3], [sflag:$0x3] =	stream.linear.gather [hbm4b:s1+s3], $0x1400, $0x38;
	[tilespmem:$0x1EA00] =	vst v63  }
0x46: {  	s26 =	rddreg [dreg:$0x4];
	s5 =	simm.s32 $0x1400  }
0x47: {  	[tilespmem:s5], [sflag:$0x4] =	stream.linear.gather [hbm4b:s26+s3], $0x1400, $0x38;
	[tilespmem:$0x1EA00] =	vst v63  }
0x48: {  	_ =	swait.ge [sflag:s19], $0x1400  }
0x49: {  	[sflag:s19] =	ssyncset.done $0x0  }
0x4a: {  	[sflag:s19] =	ssyncadd.s32 $0xFFFFEC00  }
0x4b: {  	v1 =	vld [tilespmem:$0x40];
	_ =	sdelay $0x1  }
0x4c: {  	v2 =	vld [tilespmem:$0x50];
	_ =	sdelay $0x1  }
0x4d: {  	v3 =	vld [tilespmem:$0x60]  }
0x4e: {  	v4 =	vand.u32 $0xFFFF, v1  }
0x4f: {  	v63 =	vld [tilespmem:$0x70];
	v1 =	vshrl.u32 v1, $0x10;
	[tilespmem:$0x2880] =	vst v4  }
0x50: {  	[tilespmem:$0x28C0] =	vst v1;
	v1 =	vand.u32 $0xFFFF, v2  }
0x51: {  	[tilespmem:$0x2890] =	vst v1;
	v1 =	vshrl.u32 v2, $0x10  }
0x52: {  	[tilespmem:$0x28D0] =	vst v1;
	v1 =	vand.u32 $0xFFFF, v3  }
0x53: {  	[tilespmem:$0x28A0] =	vst v1;
	v1 =	vshrl.u32 v3, $0x10  }
0x54: {  	[tilespmem:$0x28E0] =	vst v1;
	v1 =	vand.u32 $0xFFFF, v63  }
0x55: {  	[tilespmem:$0x28B0] =	vst v1;
	v1 =	vshrl.u32 v63, $0x10  }
0x56: {  	s18 =	simm.s32 $0x200;
	s1 =	simm.s32 $0x0;
	[tilespmem:$0x28F0] =	vst v1  }
0x57: {  	[tilespmem:s22], [sflag:$0x2] =	stream.indirect.gather [hbm4b:s4+s20], $0x80, s21, s20, $0xb8;
	[tilespmem:$0x1EA00] =	vst v63  }
.LBB2_2:
0x58: {  	p0 =	sne.s32 s18, $0xFE00;
	[tilespmem:s1+$0x2A70] =	vst v0  }
0x59: {  	[tilespmem:s1+$0x2A00] =	vst v0  }
0x5a: {  	[tilespmem:s1+$0x2A10] =	vst v0  }
.Ltmp2:
0x5b: {  	[tilespmem:s1+$0x2A20] =	vst v0;
	(pc) =	sbr.rel @p0 .LBB2_2-.Ltmp2, $4  }
0x5c: {  	[tilespmem:s1+$0x2A30] =	vst v0  }
0x5d: {  	[tilespmem:s1+$0x2A40] =	vst v0  }
0x5e: {  	[tilespmem:s1+$0x2A50] =	vst v0  }
0x5f: {  	[tilespmem:s1+$0x2A60] =	vst v0;
	s1 =	sshra.s32 s18, $0x2;
	s18 =	sadd.s32 $0x200, s18  }
0x60: {  	[tilespmem:s1+$0x2A70] =	vst v0  }
0x61: {  	[tilespmem:s1+$0x2A00] =	vst v0  }
0x62: {  	[tilespmem:s1+$0x2A10] =	vst v0  }
0x63: {  	[tilespmem:s1+$0x2A20] =	vst v0  }
0x64: {  	[tilespmem:s1+$0x2A30] =	vst v0  }
0x65: {  	[tilespmem:s1+$0x2A40] =	vst v0  }
0x66: {  	[tilespmem:s1+$0x2A50] =	vst v0  }
0x67: {  	[tilespmem:s1+$0x2A60] =	vst v0  }
0x68: {  	[spmem:s7] =	stream.linear.scatter [tilespmem:s23], [sflag:$0x1], $0x4000, $0x38;
	[tilespmem:$0x1EA00] =	vst v63  }
0x69: {  	_ = 	snop  }
0x6a: {  	[spmem:s8] =	stream.linear.scatter [tilespmem:s23], [sflag:$0x1], $0x4000, $0x38;
	[tilespmem:$0x1EA00] =	vst v63  }
0x6b: {  	_ = 	snop  }
0x6c: {  	[spmem:s9] =	stream.linear.scatter [tilespmem:s23], [sflag:$0x1], $0x4000, $0x38;
	[tilespmem:$0x1EA00] =	vst v63  }
0x6d: {  	_ = 	snop  }
0x6e: {  	[spmem:s10] =	stream.linear.scatter [tilespmem:s23], [sflag:$0x1], $0x4000, $0x38;
	[tilespmem:$0x1EA00] =	vst v63  }
0x6f: {  	_ = 	snop  }
0x70: {  	[spmem:s11] =	stream.linear.scatter [tilespmem:s23], [sflag:$0x1], $0x4000, $0x38;
	[tilespmem:$0x1EA00] =	vst v63  }
0x71: {  	_ =	swait.ge [sflag:s24], $0x4000  }
0x72: {  	[sflag:s24] =	ssyncset.done $0x0  }
0x73: {  	[sflag:s24] =	ssyncadd.s32 $0xFFFFC000  }
0x74: {  	_ =	swait.ge [sflag:s24], $0x4000  }
0x75: {  	[sflag:s24] =	ssyncset.done $0x0  }
0x76: {  	[sflag:s24] =	ssyncadd.s32 $0xFFFFC000  }
0x77: {  	_ =	swait.ge [sflag:s24], $0x4000  }
0x78: {  	[sflag:s24] =	ssyncset.done $0x0  }
0x79: {  	[sflag:s24] =	ssyncadd.s32 $0xFFFFC000  }
0x7a: {  	_ =	swait.ge [sflag:s24], $0x4000  }
0x7b: {  	[sflag:s24] =	ssyncset.done $0x0  }
0x7c: {  	[sflag:s24] =	ssyncadd.s32 $0xFFFFC000  }
0x7d: {  	_ =	swait.ge [sflag:s24], $0x4000  }
0x7e: {  	[sflag:s24] =	ssyncset.done $0x0  }
0x7f: {  	[sflag:s24] =	ssyncadd.s32 $0xFFFFC000  }
0x80: {  	_ =	swait.ge [sflag:s25], $0x1400  }
0x81: {  	[sflag:s25] =	ssyncset.done $0x0  }
0x82: {  	[sflag:s25] =	ssyncadd.s32 $0xFFFFEC00  }
0x83: {  	[bflag:$0x0] =	sbarrier.arrive $0xFFFF  }
0x84: {  	v1 =	vld [tilespmem:$0x0];
	_ =	sdelay $0x1  }
0x85: {  	v2 =	vld [tilespmem:$0x10];
	_ =	sdelay $0x1  }
0x86: {  	v3 =	vld [tilespmem:$0x20]  }
0x87: {  	v4 =	vand.u32 $0xFFFF, v1  }
0x88: {  	v63 =	vld [tilespmem:$0x30];
	v1 =	vshrl.u32 v1, $0x10;
	[tilespmem:$0x2800] =	vst v4  }
0x89: {  	[tilespmem:$0x2840] =	vst v1;
	v1 =	vand.u32 $0xFFFF, v2  }
0x8a: {  	[tilespmem:$0x2810] =	vst v1;
	v1 =	vshrl.u32 v2, $0x10  }
0x8b: {  	[tilespmem:$0x2850] =	vst v1;
	v1 =	vand.u32 $0xFFFF, v3  }
0x8c: {  	[tilespmem:$0x2820] =	vst v1;
	v1 =	vshrl.u32 v3, $0x10  }
0x8d: {  	[tilespmem:$0x2860] =	vst v1;
	v1 =	vand.u32 $0xFFFF, v63  }
0x8e: {  	[tilespmem:$0x2830] =	vst v1;
	v1 =	vshrl.u32 v63, $0x10  }
0x8f: {  	s26 =	simm.s32 $0x2800;
	s1 =	simm.s32 $0x0;
	[tilespmem:$0x2870] =	vst v1  }
0x90: {  	[tilespmem:s23], [sflag:$0x1] =	stream.indirect.gather [hbm4b:s4+s20], $0x80, s26, s20, $0xb8;
	[tilespmem:$0x1EA00] =	vst v63  }
.LBB2_4:
0x91: {  	_ =	swait.ge [sflag:s24], $0x4000  }
0x92: {  	[sflag:s24] =	ssyncset.done $0x0  }
0x93: {  	s18 =	sshra.s32 s1, $0x2;
	[sflag:s24] =	ssyncadd.s32 $0xFFFFC000  }
0x94: {  	v1 =	vld [tilespmem:s18+$0x1400];
	_ =	sdelay $0x4  }
0x95: {  	v2 =	vand.u32 $0xFFFF, v1  }
0x96: {  	v1 =	vshrl.u32 v1, $0x10;
	[tilespmem:$0x2900] =	vst v2  }
0x97: {  	[tilespmem:$0x2940] =	vst v1  }
0x98: {  	v1 =	vld [tilespmem:s18+$0x1410];
	_ =	sdelay $0x4  }
0x99: {  	v2 =	vand.u32 $0xFFFF, v1  }
0x9a: {  	v1 =	vshrl.u32 v1, $0x10;
	[tilespmem:$0x2910] =	vst v2  }
0x9b: {  	[tilespmem:$0x2950] =	vst v1  }
0x9c: {  	v1 =	vld [tilespmem:s18+$0x1420];
	_ =	sdelay $0x4  }
0x9d: {  	v2 =	vand.u32 $0xFFFF, v1  }
0x9e: {  	v1 =	vshrl.u32 v1, $0x10;
	[tilespmem:$0x2920] =	vst v2  }
0x9f: {  	[tilespmem:$0x2960] =	vst v1  }
0xa0: {  	v1 =	vld [tilespmem:s18+$0x1430];
	_ =	sdelay $0x4  }
0xa1: {  	v2 =	vand.u32 $0xFFFF, v1  }
0xa2: {  	v1 =	vshrl.u32 v1, $0x10;
	[tilespmem:$0x2930] =	vst v2  }
0xa3: {  	[tilespmem:$0x2970] =	vst v1  }
0xa4: {  	[spmem:s2] =	stream.indirect.scatter.add.f32 [tilespmem:s23], [sflag:$0x5], $0x80, s28, s20, $0xb8;
	[tilespmem:$0x1EA00] =	vst v63  }
0xa5: {  	_ =	swait.ge [sflag:s29], $0x4000  }
0xa6: {  	p0 =	seq.s32 s1, $0x4E00;
	[sflag:s29] =	ssyncset.done $0x0  }
0xa7: {  	s26 =	sshra.s32 @!p0 s1, $0x2;
	[sflag:s29] =	ssyncadd.s32 $0xFFFFC000  }
0xa8: {  	v1 =	vld @!p0 [tilespmem:s26+$0x80];
	_ =	sdelay $0x4  }
0xa9: {  	v2 =	vand.u32 @!p0 $0xFFFF, v1  }
0xaa: {  	v1 =	vshrl.u32 @!p0 v1, $0x10;
	[tilespmem:$0x2800] =	vst @!p0 v2  }
0xab: {  	[tilespmem:$0x2840] =	vst @!p0 v1  }
0xac: {  	v1 =	vld @!p0 [tilespmem:s26+$0x90];
	_ =	sdelay $0x4  }
0xad: {  	v2 =	vand.u32 @!p0 $0xFFFF, v1  }
0xae: {  	v1 =	vshrl.u32 @!p0 v1, $0x10;
	[tilespmem:$0x2810] =	vst @!p0 v2  }
0xaf: {  	[tilespmem:$0x2850] =	vst @!p0 v1  }
0xb0: {  	v1 =	vld @!p0 [tilespmem:s26+$0xA0];
	_ =	sdelay $0x4  }
0xb1: {  	v2 =	vand.u32 @!p0 $0xFFFF, v1  }
0xb2: {  	v1 =	vshrl.u32 @!p0 v1, $0x10;
	[tilespmem:$0x2820] =	vst @!p0 v2  }
0xb3: {  	[tilespmem:$0x2860] =	vst @!p0 v1  }
0xb4: {  	v1 =	vld @!p0 [tilespmem:s26+$0xB0];
	_ =	sdelay $0x4  }
0xb5: {  	v2 =	vand.u32 @!p0 $0xFFFF, v1  }
0xb6: {  	v1 =	vshrl.u32 @!p0 v1, $0x10;
	[tilespmem:$0x2830] =	vst @!p0 v2  }
0xb7: {  	s5 =	simm.s32 @!p0 $0x2800;
	s6 =	simm.s32 @!p0 $0x2A00;
	s26 =	simm.s32 @!p0 $0x80;
	[tilespmem:$0x2870] =	vst @!p0 v1  }
0xb8: {  	[tilespmem:s6], [sflag:$0x1] =	stream.indirect.gather @!p0 [hbm4b:s4+s26], $0x80, s5, s26, $0xb8;
	[tilespmem:$0x1EA00] =	vst v63  }
0xb9: {  	_ =	swait.ge [sflag:s30], $0x4000  }
0xba: {  	[sflag:s30] =	ssyncset.done $0x0  }
0xbb: {  	[sflag:s30] =	ssyncadd.s32 $0xFFFFC000  }
0xbc: {  	v1 =	vld [tilespmem:s18+$0x1440];
	_ =	sdelay $0x4  }
0xbd: {  	v2 =	vand.u32 $0xFFFF, v1  }
0xbe: {  	v1 =	vshrl.u32 v1, $0x10;
	[tilespmem:$0x2980] =	vst v2  }
0xbf: {  	[tilespmem:$0x29C0] =	vst v1  }
0xc0: {  	v1 =	vld [tilespmem:s18+$0x1450];
	_ =	sdelay $0x4  }
0xc1: {  	v2 =	vand.u32 $0xFFFF, v1  }
0xc2: {  	v1 =	vshrl.u32 v1, $0x10;
	[tilespmem:$0x2990] =	vst v2  }
0xc3: {  	[tilespmem:$0x29D0] =	vst v1  }
0xc4: {  	v1 =	vld [tilespmem:s18+$0x1460];
	_ =	sdelay $0x4  }
0xc5: {  	v2 =	vand.u32 $0xFFFF, v1  }
0xc6: {  	v1 =	vshrl.u32 v1, $0x10;
	[tilespmem:$0x29A0] =	vst v2  }
0xc7: {  	[tilespmem:$0x29E0] =	vst v1  }
0xc8: {  	v1 =	vld [tilespmem:s18+$0x1470];
	_ =	sdelay $0x4  }
0xc9: {  	v2 =	vand.u32 $0xFFFF, v1  }
0xca: {  	v1 =	vshrl.u32 v1, $0x10;
	[tilespmem:$0x29B0] =	vst v2  }
.Ltmp3:
0xcb: {  	[tilespmem:$0x29F0] =	vst v1;
	(pc) =	sbr.rel @p0 .LBB2_6-.Ltmp3, $4  }
0xcc: {  	[spmem:s2] =	stream.indirect.scatter.add.f32 [tilespmem:s22], [sflag:$0x5], $0x80, s31, s20, $0xb8;
	[tilespmem:$0x1EA00] =	vst v63  }
0xcd: {  	_ =	swait.ge [sflag:s29], $0x4000  }
0xce: {  	[sflag:s29] =	ssyncset.done $0x0  }
0xcf: {  	[sflag:s29] =	ssyncadd.s32 $0xFFFFC000  }
0xd0: {  	v1 =	vld [tilespmem:s18+$0xC0];
	_ =	sdelay $0x4  }
0xd1: {  	v2 =	vand.u32 $0xFFFF, v1  }
0xd2: {  	v1 =	vshrl.u32 v1, $0x10;
	[tilespmem:$0x2880] =	vst v2  }
0xd3: {  	[tilespmem:$0x28C0] =	vst v1  }
0xd4: {  	v1 =	vld [tilespmem:s18+$0xD0];
	_ =	sdelay $0x4  }
0xd5: {  	v2 =	vand.u32 $0xFFFF, v1  }
0xd6: {  	v1 =	vshrl.u32 v1, $0x10;
	[tilespmem:$0x2890] =	vst v2  }
0xd7: {  	[tilespmem:$0x28D0] =	vst v1  }
0xd8: {  	v1 =	vld [tilespmem:s18+$0xE0];
	_ =	sdelay $0x4  }
0xd9: {  	v2 =	vand.u32 $0xFFFF, v1  }
0xda: {  	v1 =	vshrl.u32 v1, $0x10;
	[tilespmem:$0x28A0] =	vst v2  }
0xdb: {  	[tilespmem:$0x28E0] =	vst v1  }
0xdc: {  	v1 =	vld [tilespmem:s18+$0xF0];
	_ =	sdelay $0x3  }
.Ltmp4:
0xdd: {  	_ = 	snop;
	(pc) =	sbr.rel .LBB2_4-.Ltmp4, $4  }
0xde: {  	v2 =	vand.u32 $0xFFFF, v1  }
0xdf: {  	v1 =	vshrl.u32 v1, $0x10;
	[tilespmem:$0x28B0] =	vst v2  }
0xe0: {  	s1 =	sadd.s32 $0x200, s1;
	[tilespmem:$0x28F0] =	vst v1  }
0xe1: {  	[tilespmem:s22], [sflag:$0x2] =	stream.indirect.gather [hbm4b:s4+s20], $0x80, s21, s20, $0xb8;
	[tilespmem:$0x1EA00] =	vst v63  }
.LBB2_7:
0xe2: {  	_ =	sfence.sel $0x180000  }
0xe3: {  	[bflag:$0x0] =	sbarrier.arrive $0xFFFF  }
0xe4: {  	_ =	strace $0x9000004A  }
0xe5: {  	s0 =	stileid.u32;
	[bflag:$0x2] =	sbarrier.arrive $0xFFFF  }
0xe6: {  	p0 =	sne.s32 s0, $0x0;
	s0 =	rddreg [dreg:$0x2]  }
0xe7: {  	s0 =	sadd.s32 @!p0 $0x100000, s0  }
0xe8: {  	[sflag:s0] =	ssyncadd.tile.s32 @!p0 $0x1;
	_ =	shalt  }
.Lfunc_end2:
_tile_overlayer_lowered:
.L_overlay_start_2:
0xe9: {  	(tag) =	ssettag $0x2  }
0xea: {  	s0 =	rddreg [dreg:$0x0];
	s2 =	stileid.u32  }
0xeb: {  	s1 =	rddreg [dreg:$0x1];
	p0 =	sne.s32 s2, $0x0  }
0xec: {  	s3 =	rddreg [dreg:$0x2];
	[bflag:$0x3] =	sbarrier.arrive $0xFFFF;
	s2 =	simm.s32 @!p0 $0x1C05  }
0xed: {  	[timem:s3], [sflag:s2] =	dma.local @!p0 [hbm:s0], s1  }
0xee: {  	s0 =	simm.s32 @!p0 $0x5  }
0xef: {  	_ =	swait.ge @!p0 [sflag:s0], s1  }
0xf0: {  	s1 =	ssub.s32 @!p0 $0x0, s1;
	[sflag:s0] =	ssyncset.done @!p0 $0x0  }
0xf1: {  	[sflag:s0] =	ssyncadd.s32 @!p0 s1  }
0xf2: {  	[bflag:$0x3] =	sbarrier.arrive $0xFFFF  }
0xf3: {  	_ =	shalt  }

// kernel: kernel.13.cloned.1.call-start
scs
__scs_entry_jumppad:
0x0: {  	(pc) =	sbr.rel $0x88, $3  }
0x1: {  	(tag) =	ssettag $0x0;
	lr =	simm.s32 $0x1  }
0x2: {  	[smem:$0x3F9B] =	sst lr;
	_ =	strace $0xD0000000  }
0x3: {  	_ = 	snop  }
0x4: {  	_ = 	snop  }
0x5: {  	_ = 	snop  }
0x6: {  	_ = 	snop  }
0x7: {  	_ = 	snop  }
__scs_overlays_trampoline_lowered:
0x8: {  	[smem:$0x3FAA] =	sst s0  }
0x9: {  	[smem:$0x3FAB] =	sst s1  }
0xa: {  	[smem:$0x3FAC] =	sst s2  }
0xb: {  	[smem:$0x3FAD] =	sst s3  }
0xc: {  	[smem:$0x3FAE] =	sst s4  }
0xd: {  	[smem:$0x3FAF] =	sst s5  }
0xe: {  	[smem:$0x3FB0] =	sst s6  }
0xf: {  	[smem:$0x3FB1] =	sst s7  }
0x10: {  	[smem:$0x3FB2] =	sst s8  }
0x11: {  	[smem:$0x3FB3] =	sst s9;
	s0 =	simm.s32 @!p0 $0x0  }
0x12: {  	s1 =	sld [smem:$0x3F99];
	s0 =	simm.s32 @p0 $0x1  }
0x13: {  	[smem:$0x3FB4] =	sst s0;
	s0 =	simm.s32 @!p1 $0x0  }
0x14: {  	s2 =	sld [smem:$0x3F98];
	s0 =	simm.s32 @p1 $0x1  }
0x15: {  	[smem:$0x3FB5] =	sst s0;
	s0 =	simm.s32 @!p2 $0x0  }
0x16: {  	s3 =	sld [smem:$0x3FDB];
	s0 =	simm.s32 @p2 $0x1  }
0x17: {  	s4 =	simm.s32 $0x1BF5;
	[smem:$0x3FB7] =	sst s0  }
0x18: {  	s0 =	sld [smem:$0x3F9A];
	_ =	swait.ge [sflag:s4], $0x0  }
0x19: {  	s7 =	sld [smem:$0x3F9B]  }
0x1a: {  	s8 =	sadd.s32 $0xFFFFE003, lr  }
0x1b: {  	s9 =	sadd.s32 $0xFFFFFEF7, lr;
	s5 =	simm.s32 $0xFFFFFFFF;
	p2 =	slt.u32 s8, $0xFFFFF086  }
0x1c: {  	p1 =	slt.u32 s9, $0xF7A;
	s5 =	simm.s32 @!p2 $0x0  }
0x1d: {  	s5 =	simm.s32 @p1 $0x1;
	p0 =	seq.s32 s7, s2  }
0x1e: {  	s7 =	smul.u32 @!p0 $0xF7A, s2;
	p2 =	seq.s32 @!p0 s5, $0x0  }
0x1f: {  	s9 =	smul.u32 $0xF7A, s1;
	s8 =	simm.s32 @!p0 $0x1BF5;
	p2 =	por !p2, p0  }
0x20: {  	[sflag:s8] =	ssyncset.s32 @!p0 $0xFFFFF086;
	s6 =	sadd.s32 @!p0 s3, s7;
	s7 =	simm.s32 @!p0 $0x108  }
0x21: {  	s3 =	sadd.s32 s3, s9;
	s6 =	sadd.s32 @!p0 $0x88, s6;
	s7 =	simm.s32 @p2 $0x1082  }
0x22: {  	[simem:s7], [sflag:s8] =	dma.local @!p0 [hbm:s6], $0xF7A  }
0x23: {  	s9 =	sor.u32 $0xD0000000, s2;
	s6 =	simm.s32 $0x108;
	_ =	swait.ge @!p0 [sflag:s8], $0x0  }
0x24: {  	s3 =	sadd.s32 $0x88, s3;
	s6 =	simm.s32 @!p1 $0x1082;
	[sflag:s4] =	ssyncset.s32 $0xFFFFF086  }
0x25: {  	[simem:s6], [sflag:s4] =	dma.local [hbm:s3], $0xF7A  }
0x26: {  	[smem:$0x3F9B] =	sst s1;
	(tag) =	ssettag s2;
	_ =	strace s9  }
0x27: {  	s1 =	sld [smem:$0x3FAB]  }
0x28: {  	s2 =	sld [smem:$0x3FAC]  }
0x29: {  	s4 =	sld [smem:$0x3FAE]  }
0x2a: {  	p0 =	seq.s32 s5, $0x0;
	s5 =	sld [smem:$0x3FAF]  }
0x2b: {  	s6 =	sld [smem:$0x3FB0]  }
0x2c: {  	s7 =	sld [smem:$0x3FB1]  }
0x2d: {  	s3 =	simm.s32 $0x108;
	s8 =	sld [smem:$0x3FB2]  }
0x2e: {  	s3 =	simm.s32 @!p0 $0x1082;
	s9 =	sld [smem:$0x3FB3]  }
0x2f: {  	lr =	sadd.s32 s0, s3;
	s0 =	sld [smem:$0x3FAA]  }
0x30: {  	s3 =	sld [smem:$0x3FAD]  }
0x31: {  	[smem:$0x3FB6] =	sst s10  }
0x32: {  	s10 =	sld [smem:$0x3FB4];
	_ =	sdelay $0x3  }
0x33: {  	p0 =	seq.s32 s10, $0x1;
	s10 =	sld [smem:$0x3FB6];
	_ =	sdelay $0x3  }
0x34: {  	[smem:$0x3FB6] =	sst s10  }
0x35: {  	s10 =	sld [smem:$0x3FB5];
	_ =	sdelay $0x3  }
0x36: {  	p1 =	seq.s32 s10, $0x1;
	s10 =	sld [smem:$0x3FB6];
	_ =	sdelay $0x3  }
0x37: {  	[smem:$0x3FB6] =	sst s10  }
0x38: {  	s10 =	sld [smem:$0x3FB7]  }
0x39: {  	_ = 	snop;
	(pc) =	sbr.ind lr, $3  }
0x3a: {  	_ = 	snop  }
0x3b: {  	_ = 	snop  }
0x3c: {  	p2 =	seq.s32 s10, $0x1;
	s10 =	sld [smem:$0x3FB6]  }
0x3d: {  	_ =	shalt  }
0x3e: {  	_ =	shalt  }
0x3f: {  	_ =	shalt  }
0x40: {  	_ =	shalt  }
0x41: {  	_ =	shalt  }
0x42: {  	_ =	shalt  }
0x43: {  	_ =	shalt  }
0x44: {  	_ =	shalt  }
0x45: {  	_ =	shalt  }
0x46: {  	_ =	shalt  }
0x47: {  	_ =	shalt  }
0x48: {  	_ =	shalt  }
0x49: {  	_ =	shalt  }
0x4a: {  	_ =	shalt  }
0x4b: {  	_ =	shalt  }
0x4c: {  	_ =	shalt  }
0x4d: {  	_ =	shalt  }
0x4e: {  	_ =	shalt  }
0x4f: {  	_ =	shalt  }
0x50: {  	_ =	shalt  }
0x51: {  	_ =	shalt  }
0x52: {  	_ =	shalt  }
0x53: {  	_ =	shalt  }
0x54: {  	_ =	shalt  }
0x55: {  	_ =	shalt  }
0x56: {  	_ =	shalt  }
0x57: {  	_ =	shalt  }
0x58: {  	_ =	shalt  }
0x59: {  	_ =	shalt  }
0x5a: {  	_ =	shalt  }
0x5b: {  	_ =	shalt  }
0x5c: {  	_ =	shalt  }
0x5d: {  	_ =	shalt  }
0x5e: {  	_ =	shalt  }
0x5f: {  	_ =	shalt  }
0x60: {  	_ =	shalt  }
0x61: {  	_ =	shalt  }
0x62: {  	_ =	shalt  }
0x63: {  	_ =	shalt  }
0x64: {  	_ =	shalt  }
0x65: {  	_ =	shalt  }
0x66: {  	_ =	shalt  }
0x67: {  	_ =	shalt  }
0x68: {  	_ =	shalt  }
0x69: {  	_ =	shalt  }
0x6a: {  	_ =	shalt  }
0x6b: {  	_ =	shalt  }
0x6c: {  	_ =	shalt  }
0x6d: {  	_ =	shalt  }
0x6e: {  	_ =	shalt  }
0x6f: {  	_ =	shalt  }
0x70: {  	_ =	shalt  }
0x71: {  	_ =	shalt  }
0x72: {  	_ =	shalt  }
0x73: {  	_ =	shalt  }
0x74: {  	_ =	shalt  }
0x75: {  	_ =	shalt  }
0x76: {  	_ =	shalt  }
0x77: {  	_ =	shalt  }
0x78: {  	_ =	shalt  }
0x79: {  	_ =	shalt  }
0x7a: {  	_ =	shalt  }
0x7b: {  	_ =	shalt  }
0x7c: {  	_ =	shalt  }
0x7d: {  	_ =	shalt  }
0x7e: {  	_ =	shalt  }
0x7f: {  	_ =	shalt  }
0x80: {  	_ =	shalt  }
0x81: {  	_ =	shalt  }
0x82: {  	_ =	shalt  }
0x83: {  	_ =	shalt  }
0x84: {  	_ =	shalt  }
0x85: {  	_ =	shalt  }
0x86: {  	_ =	shalt  }
0x87: {  	_ =	shalt  }
.Lfunc_end0:
.L_simem_size_0:
called_computation.2_lowered:
.L_overlay_start_0:
0x88: {  	s2 =	sld [smem:$0x3FD9]  }
0x89: {  	s3 =	sld [smem:$0x3FFE];
	_ =	sdelay $0x1  }
0x8a: {  	s1 =	srdreg.scid  }
0x8b: {  	s0 =	sand.u32 $0x1, s1  }
0x8c: {  	s17 =	sshll.u32 s0, $0xA;
	s2 =	sadd.s32 s3, s2  }
0x8d: {  	s2 =	sadd.s32 s2, s17  }
0x8e: {  	[smem:$0x3FC2] =	sst s2  }
0x8f: {  	_ = 	snop  }
0x90: {  	s2 =	sld [smem:$0x3FD0];
	(tm) =	ssettm $0x1  }
0x91: {  	s18 =	sld [smem:$0x3FFB];
	_ =	sdelay $0x3  }
0x92: {  	_ =	strace s18  }
0x93: {  	s3 =	sld [smem:$0x3FFC];
	_ =	sdelay $0x3  }
0x94: {  	_ =	strace s3  }
0x95: {  	s3 =	sld [smem:$0x3FFD];
	_ =	sdelay $0x3  }
0x96: {  	_ =	strace s3  }
0x97: {  	_ =	strace $0x8FFFFFFF  }
0x98: {  	s19 =	sld [smem:$0x3FDB];
	_ =	sdelay $0x1  }
0x99: {  	s4 =	simm.s32 $_scs_section_size  }
0x9a: {  	s5 =	simm.s32 $_size__tile_overlayer_lowered;
	s6 =	simm.s32 $_tile_overlayer_lowered  }
0x9b: {  	s22 =	simm.s32 $0x1BFF;
	s21 =	sshll.u32 s6, $0x1;
	s3 =	sadd.s32 s4, s19  }
0x9c: {  	s7 =	simm.s32 $0x0;
	s20 =	sshll.u32 s5, $0x1;
	s5 =	sadd.s32 s21, s3  }
0x9d: {  	[timem:s7], [sflag:s22] =	dma.local [hbm:s5], s20  }
0x9e: {  	_ =	swait.ge [sflag:s22], s20  }
0x9f: {  	s4 =	ssub.s32 $0x0, s20;
	[sflag:s22] =	ssyncset.done $0x0  }
0xa0: {  	[sflag:s22] =	ssyncadd.s32 s4;
	_ =	sdelay $0x1  }
0xa1: {  	s23 =	simm.s32 $0x1B8B  }
0xa2: {  	_ =	swait.ge [sflag:s23], $0x1  }
0xa3: {  	[sflag:s23] =	ssyncset.done $0x0  }
0xa4: {  	s25 =	simm.s32 $0x1B8E;
	s24 =	sld [smem:$0x3FFE];
	[sflag:s23] =	ssyncadd.s32 $0xFFFFFFFF  }
0xa5: {  	s26 =	simm.s32 $execute0_lowered;
	[smem:$0x3FD2] =	sst s25  }
0xa6: {  	s5 =	sshll.u32 s26, $0x1;
	_ =	strace $0x8000004C;
	[dreg:$0x1] =	wrdreg $0xFFFFFFFF  }
0xa7: {  	s28 =	simm.s32 $_size_execute0_lowered;
	s3 =	sadd.s32 s3, s5;
	[dreg:$0x0] =	wrdreg $0x0  }
0xa8: {  	s5 =	sshll.u32 s28, $0x1;
	[dreg:$0x2] =	wrdreg s3  }
0xa9: {  	[dreg:$0x3] =	wrdreg s5  }
0xaa: {  	[dreg:$0x4] =	wrdreg $0xC0  }
0xab: {  	_ =	task [dreg:s7], $0x5FFFF  }
0xac: {  	[dreg:$0x1] =	wrdreg $0xFFFFFFFF  }
0xad: {  	[dreg:$0x0] =	wrdreg $0x60  }
0xae: {  	[dreg:$0x2] =	wrdreg s24  }
0xaf: {  	[dreg:$0x3] =	wrdreg s2  }
0xb0: {  	[dreg:$0x4] =	wrdreg $0xAC800  }
0xb1: {  	[dreg:$0x5] =	wrdreg $0xAF000  }
0xb2: {  	[dreg:$0x6] =	wrdreg $0x9  }
0xb3: {  	_ =	task.clear_ibuf [dreg:s7], $0x7FFFF;
	_ =	strace $0x9000004C  }
0xb4: {  	s29 =	simm.s32 $0x9;
	_ =	strace $0x8000004E  }
0xb5: {  	_ =	swait.ge [sflag:s29], $0x1  }
0xb6: {  	[sflag:s29] =	ssyncadd.s32 $0xFFFFFFFF  }
0xb7: {  	_ =	strace $0x9000004E  }
0xb8: {  	_ =	sfence  }
0xb9: {  	s30 =	sld [smem:$0x0];
	_ =	sdelay $0x2  }
0xba: {  	s31 =	sshll.u32 s1, $0xD;
	s1 =	sshrl.u32 s1, $0x2  }
0xbb: {  	s3 =	sand.u32 $0x4000, s31;
	s1 =	sadd.s32 s1, s30  }
0xbc: {  	s0 =	sor.u32 s3, s0;
	s1 =	sshll.u32 s1, $0x11  }
0xbd: {  	s0 =	sor.u32 s1, s0  }
0xbe: {  	s0 =	sadd.s32 $0x8F2B, s0  }
0xbf: {  	[sflag:s0] =	ssyncadd.remote.s32 $0x1  }
0xc0: {  	_ =	sfence.sel $0xFFFF  }
0xc1: {  	[dreg:$0x0] =	wrdreg $0xFFFFFFFF;
	(pc) =	sbr.abs _section_cstart, $3  }
0xc2: {  	[dreg:$0x1] =	wrdreg $0xFFFFFFFF  }
0xc3: {  	_ =	task.clear_ibuf [dreg:s7], $0x2FFFF;
	_ =	strace $0x9FFFFFFF  }
0xc4: {  	(tm) =	ssettm $0x7FFFFFFF  }
0xc5: {  	_ =	shalt  }
tec
execute0_lowered:
.L_overlay_start_1:
0x0: {  	(tag) =	ssettag $0x1  }
0x1: {  	s1 =	srdreg.scid  }
0x2: {  	s1 =	sand.u32 $0x1, s1  }
0x3: {  	s6 =	rddreg [dreg:$0x0];
	p0 =	seq.s32 s1, $0x1  }
.Ltmp0:
0x4: {  	s5 =	rddreg [dreg:$0x1];
	(pc) =	sbr.rel @p0 .LBB2_7-.Ltmp0, $4  }
0x5: {  	s3 =	rddreg [dreg:$0x2]  }
0x6: {  	s2 =	rddreg [dreg:$0x3];
	s4 =	simm.s32 $0x0  }
0x7: {  	[smem:$0x7FF] =	sst s4  }
0x8: {  	s0 =	rddreg [dreg:$0x4];
	_ =	strace $0x8000004D;
	s1 =	stileid.u32  }
0x9: {  	s9 =	smul.u32 $0xA00, s1  }
0xa: {  	s8 =	sadd.s32 $0xB400, s6;
	s10 =	sadd.s32 $0x1400, s6  }
0xb: {  	s11 =	sadd.s32 $0x15A00, s6;
	s7 =	smul.u32 $0x280, s1;
	s8 =	sadd.s32 s8, s9  }
0xc: {  	[tilespmem:s4], [sflag:$0x1] =	stream.linear.gather [hbm4b:s8+s4], $0x5000, $0x38;
	[tilespmem:$0xB180] =	vst v63  }
0xd: {  	s15 =	simm.s32 $0x5000;
	s21 =	sshrl.u32 s7, $0x3;
	s9 =	sadd.s32 s10, s9  }
0xe: {  	[tilespmem:s15], [sflag:$0x2] =	stream.linear.gather [hbm4b:s9+s4], $0x5000, $0x38;
	[tilespmem:$0xB180] =	vst v63  }
0xf: {  	s23 =	simm.s32 $0xA700;
	s22 =	sadd.s32 s11, s21  }
0x10: {  	[tilespmem:s23], [sflag:$0x3] =	stream.linear.gather [hbm4b:s22+s4], $0x280, $0x38;
	[tilespmem:$0xB180] =	vst v63  }
0x11: {  	s24 =	sadd.s32 $0x16000, s6;
	s25 =	simm.s32 $0xAC00;
	s26 =	simm.s32 $0x9  }
0x12: {  	[tilespmem:s25], [sflag:$0x9] =	stream.linear.gather [hbm4b:s24+s4], $0x80, $0x38;
	[tilespmem:$0xB180] =	vst v63  }
0x13: {  	_ =	swait.ge [sflag:s26], $0x80  }
0x14: {  	[sflag:s26] =	ssyncset.done $0x0  }
0x15: {  	v0 =	vimm.f32 $0.0e+00;
	[sflag:s26] =	ssyncadd.s32 $0xFFFFFF80  }
0x16: {  	[tilespmem:$0xA200] =	vst v0  }
0x17: {  	[tilespmem:$0xA210] =	vst v0  }
0x18: {  	[tilespmem:$0xA220] =	vst v0  }
0x19: {  	[tilespmem:$0xA230] =	vst v0  }
0x1a: {  	[tilespmem:$0xA240] =	vst v0  }
0x1b: {  	[tilespmem:$0xA250] =	vst v0  }
0x1c: {  	[tilespmem:$0xA260] =	vst v0  }
0x1d: {  	[tilespmem:$0xA270] =	vst v0  }
0x1e: {  	[tilespmem:$0xA280] =	vst v0  }
0x1f: {  	[tilespmem:$0xA290] =	vst v0  }
0x20: {  	[tilespmem:$0xA2A0] =	vst v0  }
0x21: {  	[tilespmem:$0xA2B0] =	vst v0  }
0x22: {  	[tilespmem:$0xA2C0] =	vst v0  }
0x23: {  	[tilespmem:$0xA2D0] =	vst v0  }
0x24: {  	[tilespmem:$0xA2E0] =	vst v0  }
0x25: {  	[tilespmem:$0xA2F0] =	vst v0  }
0x26: {  	[tilespmem:$0xA300] =	vst v0  }
0x27: {  	[tilespmem:$0xA310] =	vst v0  }
0x28: {  	[tilespmem:$0xA320] =	vst v0  }
0x29: {  	[tilespmem:$0xA330] =	vst v0  }
0x2a: {  	[tilespmem:$0xA340] =	vst v0  }
0x2b: {  	[tilespmem:$0xA350] =	vst v0  }
0x2c: {  	[tilespmem:$0xA360] =	vst v0  }
0x2d: {  	[tilespmem:$0xA370] =	vst v0  }
0x2e: {  	[tilespmem:$0xA380] =	vst v0  }
0x2f: {  	[tilespmem:$0xA390] =	vst v0  }
0x30: {  	[tilespmem:$0xA3A0] =	vst v0  }
0x31: {  	[tilespmem:$0xA3B0] =	vst v0  }
0x32: {  	[tilespmem:$0xA3C0] =	vst v0  }
0x33: {  	[tilespmem:$0xA3D0] =	vst v0  }
0x34: {  	[tilespmem:$0xA3E0] =	vst v0  }
0x35: {  	[tilespmem:$0xA3F0] =	vst v0  }
0x36: {  	[tilespmem:$0xA400] =	vst v0  }
0x37: {  	[tilespmem:$0xA410] =	vst v0  }
0x38: {  	[tilespmem:$0xA420] =	vst v0  }
0x39: {  	[tilespmem:$0xA430] =	vst v0  }
0x3a: {  	[tilespmem:$0xA440] =	vst v0  }
0x3b: {  	[tilespmem:$0xA450] =	vst v0  }
0x3c: {  	[tilespmem:$0xA460] =	vst v0  }
0x3d: {  	s9 =	simm.s32 $0x3;
	[tilespmem:$0xA470] =	vst v0  }
0x3e: {  	_ =	swait.ge [sflag:s9], $0x280  }
0x3f: {  	[sflag:s9] =	ssyncset.done $0x0  }
0x40: {  	s12 =	sadd.s32 s7, s3;
	[sflag:s9] =	ssyncadd.s32 $0xFFFFFD80  }
0x41: {  	[spmem:s12] =	stream.linear.scatter [tilespmem:s23], [sflag:$0x9], $0x280, $0x38;
	[tilespmem:$0xB180] =	vst v63  }
0x42: {  	_ =	swait.ge [sflag:s26], $0x280  }
0x43: {  	[sflag:s26] =	ssyncset.done $0x0  }
0x44: {  	s28 =	simm.s32 $0xA200;
	s7 =	sadd.s32 s7, s2;
	[sflag:s26] =	ssyncadd.s32 $0xFFFFFD80  }
0x45: {  	[spmem:s7] =	stream.linear.scatter [tilespmem:s28], [sflag:$0x9], $0x280, $0x38;
	[tilespmem:$0xB180] =	vst v63  }
0x46: {  	_ =	swait.ge [sflag:s26], $0x280  }
0x47: {  	[sflag:s26] =	ssyncset.done $0x0  }
0x48: {  	s10 =	simm.s32 $0x1;
	[sflag:s26] =	ssyncadd.s32 $0xFFFFFD80  }
0x49: {  	_ =	swait.ge [sflag:s10], $0x5000  }
0x4a: {  	[sflag:s10] =	ssyncset.done $0x0  }
0x4b: {  	s11 =	simm.s32 $0x2;
	[sflag:s10] =	ssyncadd.s32 $0xFFFFB000  }
0x4c: {  	_ =	swait.ge [sflag:s11], $0x5000  }
0x4d: {  	[sflag:s11] =	ssyncset.done $0x0  }
0x4e: {  	[sflag:s11] =	ssyncadd.s32 $0xFFFFB000  }
0x4f: {  	s13 =	simm.s32 $0xA000;
	s12 =	simm.s32 $0x80;
	[bflag:$0x0] =	sbarrier.arrive $0xFFFF  }
0x50: {  	[tilespmem:s13], [sflag:$0x1] =	stream.indirect.gather [spmem:s3], $0x1, s4, s12, $0xb8;
	[tilespmem:$0xB180] =	vst v63  }
0x51: {  	s14 =	simm.s32 $0xA080  }
0x52: {  	[tilespmem:s14], [sflag:$0x2] =	stream.indirect.gather [spmem:s3], $0x1, s12, s12, $0xb8;
	[tilespmem:$0xB180] =	vst v63  }
0x53: {  	_ =	swait.ge [sflag:s10], $0x80  }
0x54: {  	[sflag:s10] =	ssyncset.done $0x0  }
0x55: {  	[sflag:s10] =	ssyncadd.s32 $0xFFFFFF80  }
0x56: {  	[spmem:s2] =	stream.indirect.scatter.add.f32 [tilespmem:s13], [sflag:$0x5], $0x1, s15, s12, $0xb8;
	[tilespmem:$0xB180] =	vst v63  }
0x57: {  	s16 =	simm.s32 $0x100;
	s15 =	simm.s32 $0xA100  }
0x58: {  	[tilespmem:s15], [sflag:$0x3] =	stream.indirect.gather [spmem:s3], $0x1, s16, s12, $0xb8;
	[tilespmem:$0xB180] =	vst v63  }
0x59: {  	_ =	swait.ge [sflag:s11], $0x80  }
0x5a: {  	[sflag:s11] =	ssyncset.done $0x0  }
0x5b: {  	s29 =	simm.s32 $0x5080;
	[sflag:s11] =	ssyncadd.s32 $0xFFFFFF80  }
0x5c: {  	[spmem:s2] =	stream.indirect.scatter.add.f32 [tilespmem:s14], [sflag:$0x6], $0x1, s29, s12, $0xb8;
	[tilespmem:$0xB180] =	vst v63  }
0x5d: {  	s17 =	simm.s32 $0x180;
	s16 =	simm.s32 $0xA180  }
0x5e: {  	[tilespmem:s16], [sflag:$0x4] =	stream.indirect.gather [spmem:s3], $0x1, s17, s12, $0xb8;
	[tilespmem:$0xB180] =	vst v63  }
0x5f: {  	_ =	swait.ge [sflag:s9], $0x80  }
0x60: {  	[sflag:s9] =	ssyncset.done $0x0  }
0x61: {  	s30 =	simm.s32 $0x5100;
	s17 =	simm.s32 $0x5;
	[sflag:s9] =	ssyncadd.s32 $0xFFFFFF80  }
0x62: {  	[spmem:s2] =	stream.indirect.scatter.add.f32 [tilespmem:s15], [sflag:$0x7], $0x1, s30, s12, $0xb8;
	[tilespmem:$0xB180] =	vst v63  }
0x63: {  	_ =	swait.ge [sflag:s17], $0x80  }
0x64: {  	[sflag:s17] =	ssyncset.done $0x0  }
0x65: {  	s18 =	simm.s32 $0x200;
	[sflag:s17] =	ssyncadd.s32 $0xFFFFFF80  }
0x66: {  	[tilespmem:s13], [sflag:$0x1] =	stream.indirect.gather [spmem:s3], $0x1, s18, s12, $0xb8;
	[tilespmem:$0xB180] =	vst v63  }
0x67: {  	s18 =	simm.s32 $0x4  }
0x68: {  	_ =	swait.ge [sflag:s18], $0x80  }
0x69: {  	[sflag:s18] =	ssyncset.done $0x0  }
0x6a: {  	s19 =	simm.s32 $0x5180;
	[sflag:s18] =	ssyncadd.s32 $0xFFFFFF80  }
0x6b: {  	[spmem:s2] =	stream.indirect.scatter.add.f32 [tilespmem:s16], [sflag:$0x8], $0x1, s19, s12, $0xb8;
	[tilespmem:$0xB180] =	vst v63  }
0x6c: {  	s19 =	simm.s32 $0x6  }
0x6d: {  	_ =	swait.ge [sflag:s19], $0x80  }
0x6e: {  	s20 =	simm.s32 $0x280;
	[sflag:s19] =	ssyncset.done $0x0  }
0x6f: {  	s31 =	sadd.s32 s21, s6;
	s5 =	sadd.s32 s5, s21;
	[sflag:s19] =	ssyncadd.s32 $0xFFFFFF80  }
0x70: {  	[tilespmem:s14], [sflag:$0x2] =	stream.indirect.gather [spmem:s3], $0x1, s20, s12, $0xb8;
	[tilespmem:$0xB180] =	vst v63  }
0x71: {  	s8 =	simm.s32 $0x7;
	s6 =	sadd.s32 $0x15400, s31;
	s20 =	simm.s32 $0x8  }
.LBB2_2:
0x72: {  	_ =	swait.ge [sflag:s10], $0x80  }
0x73: {  	s21 =	sshra.s32 s4, $0x2;
	[sflag:s10] =	ssyncset.done $0x0  }
0x74: {  	s22 =	sadd.s32 $0x5200, s21;
	[sflag:s10] =	ssyncadd.s32 $0xFFFFFF80  }
0x75: {  	[spmem:s2] =	stream.indirect.scatter.add.f32 [tilespmem:s13], [sflag:$0x5], $0x1, s22, s12, $0xb8;
	[tilespmem:$0xB180] =	vst v63  }
0x76: {  	_ =	swait.ge [sflag:s8], $0x80  }
0x77: {  	[sflag:s8] =	ssyncset.done $0x0  }
0x78: {  	s28 =	sadd.s32 $0x300, s21;
	[sflag:s8] =	ssyncadd.s32 $0xFFFFFF80  }
0x79: {  	[tilespmem:s15], [sflag:$0x3] =	stream.indirect.gather [spmem:s3], $0x1, s28, s12, $0xb8;
	[tilespmem:$0xB180] =	vst v63  }
0x7a: {  	_ =	swait.ge [sflag:s11], $0x80  }
0x7b: {  	[sflag:s11] =	ssyncset.done $0x0  }
0x7c: {  	s29 =	sadd.s32 $0x5280, s21;
	[sflag:s11] =	ssyncadd.s32 $0xFFFFFF80  }
0x7d: {  	[spmem:s2] =	stream.indirect.scatter.add.f32 [tilespmem:s14], [sflag:$0x6], $0x1, s29, s12, $0xb8;
	[tilespmem:$0xB180] =	vst v63  }
0x7e: {  	_ =	swait.ge [sflag:s20], $0x80  }
0x7f: {  	[sflag:s20] =	ssyncset.done $0x0  }
0x80: {  	s30 =	sadd.s32 $0x380, s21;
	[sflag:s20] =	ssyncadd.s32 $0xFFFFFF80  }
0x81: {  	[tilespmem:s16], [sflag:$0x4] =	stream.indirect.gather [spmem:s3], $0x1, s30, s12, $0xb8;
	[tilespmem:$0xB180] =	vst v63  }
0x82: {  	_ =	swait.ge [sflag:s9], $0x80  }
0x83: {  	p0 =	seq.s32 s4, $0x13000;
	[sflag:s9] =	ssyncset.done $0x0  }
.Ltmp1:
0x84: {  	s31 =	sadd.s32 $0x5300, s21;
	[sflag:s9] =	ssyncadd.s32 $0xFFFFFF80;
	(pc) =	sbr.rel @p0 .LBB2_4-.Ltmp1, $4  }
0x85: {  	[spmem:s2] =	stream.indirect.scatter.add.f32 [tilespmem:s15], [sflag:$0x7], $0x1, s31, s12, $0xb8;
	[tilespmem:$0xB180] =	vst v63  }
0x86: {  	_ =	swait.ge [sflag:s17], $0x80  }
0x87: {  	[sflag:s17] =	ssyncset.done $0x0  }
0x88: {  	[sflag:s17] =	ssyncadd.s32 $0xFFFFFF80  }
0x89: {  	s22 =	sadd.s32 $0x400, s21  }
0x8a: {  	[tilespmem:s13], [sflag:$0x1] =	stream.indirect.gather [spmem:s3], $0x1, s22, s12, $0xb8;
	[tilespmem:$0xB180] =	vst v63  }
0x8b: {  	_ =	swait.ge [sflag:s18], $0x80  }
0x8c: {  	[sflag:s18] =	ssyncset.done $0x0  }
0x8d: {  	s30 =	sadd.s32 $0x5380, s21;
	[sflag:s18] =	ssyncadd.s32 $0xFFFFFF80  }
0x8e: {  	[spmem:s2] =	stream.indirect.scatter.add.f32 [tilespmem:s16], [sflag:$0x8], $0x1, s30, s12, $0xb8;
	[tilespmem:$0xB180] =	vst v63  }
.Ltmp2:
0x8f: {  	_ = 	snop;
	(pc) =	sbr.rel .LBB2_2-.Ltmp2, $4  }
0x90: {  	_ =	swait.ge [sflag:s19], $0x80  }
0x91: {  	[sflag:s19] =	ssyncset.done $0x0  }
0x92: {  	s31 =	sadd.s32 $0x480, s21;
	s4 =	sadd.s32 $0x800, s4;
	[sflag:s19] =	ssyncadd.s32 $0xFFFFFF80  }
0x93: {  	[tilespmem:s14], [sflag:$0x2] =	stream.indirect.gather [spmem:s3], $0x1, s31, s12, $0xb8;
	[tilespmem:$0xB180] =	vst v63  }
.LBB2_4:
0x94: {  	s3 =	simm.s32 $0x4  }
0x95: {  	_ =	swait.ge [sflag:s3], $0x80  }
0x96: {  	s23 =	sadd.s32 $0x5380, s21;
	s4 =	simm.s32 $0x80;
	[sflag:s3] =	ssyncset.done $0x0  }
0x97: {  	s8 =	simm.s32 $0xA180;
	s24 =	simm.s32 $0x6;
	[sflag:s3] =	ssyncadd.s32 $0xFFFFFF80  }
0x98: {  	[spmem:s2] =	stream.indirect.scatter.add.f32 [tilespmem:s8], [sflag:$0x8], $0x1, s23, s4, $0xb8;
	[tilespmem:$0xB180] =	vst v63  }
0x99: {  	_ =	swait.ge [sflag:s24], $0x80  }
0x9a: {  	[sflag:s24] =	ssyncset.done $0x0  }
0x9b: {  	s25 =	simm.s32 $0x7;
	[sflag:s24] =	ssyncadd.s32 $0xFFFFFF80  }
0x9c: {  	_ =	swait.ge [sflag:s25], $0x80  }
0x9d: {  	[sflag:s25] =	ssyncset.done $0x0  }
0x9e: {  	s26 =	simm.s32 $0x8;
	[sflag:s25] =	ssyncadd.s32 $0xFFFFFF80  }
0x9f: {  	_ =	swait.ge [sflag:s26], $0x80  }
0xa0: {  	[sflag:s26] =	ssyncset.done $0x0  }
0xa1: {  	[sflag:s26] =	ssyncadd.s32 $0xFFFFFF80  }
0xa2: {  	s28 =	simm.s32 $0xA200;
	s29 =	simm.s32 $0x9;
	[bflag:$0x0] =	sbarrier.arrive $0xFFFF  }
0xa3: {  	[tilespmem:s28], [sflag:$0x9] =	stream.linear.gather [spmem:s7], $0x280, $0x38;
	[tilespmem:$0xB180] =	vst v63  }
0xa4: {  	_ =	swait.ge [sflag:s29], $0x280  }
0xa5: {  	[sflag:s29] =	ssyncset.done $0x0  }
0xa6: {  	s30 =	simm.s32 $0x0;
	s31 =	simm.s32 $0xA480;
	[sflag:s29] =	ssyncadd.s32 $0xFFFFFD80  }
0xa7: {  	[tilespmem:s31], [sflag:$0x9] =	stream.linear.gather [hbm4b:s6+s30], $0x280, $0x38;
	[tilespmem:$0xB180] =	vst v63  }
0xa8: {  	_ =	swait.ge [sflag:s29], $0x280  }
0xa9: {  	[sflag:s29] =	ssyncset.done $0x0  }
0xaa: {  	s2 =	simm.s32 $0x0;
	[sflag:s29] =	ssyncadd.s32 $0xFFFFFD80  }
0xab: {  	v1 =	vld [tilespmem:s2+$0xA200]  }
0xac: {  	v2 =	vld [tilespmem:s2+$0xA700];
	_ =	sdelay $0x1  }
0xad: {  	v3 =	vld [tilespmem:s2+$0xA480];
	_ =	sdelay $0x2  }
0xae: {  	s3 =	simm.s32 $0x10;
	v0 =	vld [tilespmem:$0xAC00];
	v2 =	vadd.f32 v2, v1  }
0xaf: {  	v1 =	vld [tilespmem:s3+$0xA200]  }
0xb0: {  	v4 =	vmul.f32 v2, v3;
	v3 =	vld [tilespmem:s3+$0xA700];
	_ =	sdelay $0x1  }
0xb1: {  	v2 =	vld [tilespmem:s3+$0xA480]  }
0xb2: {  	s4 =	simm.s32 $0x80;
	v4 =	vadd.f32 v4, v0  }
.LBB2_5:
0xb3: {  	s6 =	sshra.s32 s4, $0x2;
	p0 =	sne.s32 s4, $0x9C0  }
.Ltmp3:
0xb4: {  	s4 =	sadd.s32 $0x40, s4;
	v5 =	vadd.f32 v3, v1;
	v1 =	vld [tilespmem:s6+$0xA200];
	[tilespmem:s2+$0xA980] =	vst v4;
	(pc) =	sbr.rel @p0 .LBB2_5-.Ltmp3, $4  }
0xb5: {  	s2 =	smov.u32 s3;
	s3 =	smov.u32 s6;
	v3 =	vld [tilespmem:s6+$0xA700]  }
0xb6: {  	v4 =	vmul.f32 v5, v2  }
0xb7: {  	v2 =	vld [tilespmem:s3+$0xA480]  }
0xb8: {  	v4 =	vadd.f32 v4, v0  }
0xb9: {  	_ = 	snop  }
0xba: {  	v1 =	vadd.f32 v3, v1;
	_ =	sdelay $0x1  }
0xbb: {  	v1 =	vmul.f32 v1, v2;
	_ =	sdelay $0x1  }
0xbc: {  	v0 =	vadd.f32 v1, v0  }
0xbd: {  	[tilespmem:s2+$0xA980] =	vst v4  }
0xbe: {  	s29 =	simm.s32 $0x0;
	s30 =	simm.s32 $0xA980;
	s31 =	simm.s32 $0x9;
	[tilespmem:s3+$0xA980] =	vst v0  }
0xbf: {  	[hbm4b:s5+s29] =	stream.linear.scatter [tilespmem:s30], [sflag:$0x9], $0x280, $0x38;
	[tilespmem:$0xB180] =	vst v63  }
0xc0: {  	_ =	swait.ge [sflag:s31], $0x280  }
0xc1: {  	[sflag:s31] =	ssyncset.done $0x0  }
0xc2: {  	[sflag:s31] =	ssyncadd.s32 $0xFFFFFD80  }
.LBB2_7:
0xc3: {  	_ =	sfence.sel $0x180000  }
0xc4: {  	[bflag:$0x0] =	sbarrier.arrive $0xFFFF  }
0xc5: {  	p0 =	sne.s32 s1, $0x0;
	_ =	strace $0x9000004D  }
0xc6: {  	s0 =	sadd.s32 @!p0 $0x100000, s0;
	[bflag:$0x2] =	sbarrier.arrive $0xFFFF  }
0xc7: {  	[sflag:s0] =	ssyncadd.tile.s32 @!p0 $0x1;
	_ =	shalt  }
.Lfunc_end2:
_tile_overlayer_lowered:
.L_overlay_start_2:
0xc8: {  	(tag) =	ssettag $0x2  }
0xc9: {  	s0 =	rddreg [dreg:$0x0];
	s2 =	stileid.u32  }
0xca: {  	s1 =	rddreg [dreg:$0x1];
	p0 =	sne.s32 s2, $0x0  }
0xcb: {  	s3 =	rddreg [dreg:$0x2];
	[bflag:$0x3] =	sbarrier.arrive $0xFFFF;
	s2 =	simm.s32 @!p0 $0x1C09  }
0xcc: {  	[timem:s3], [sflag:s2] =	dma.local @!p0 [hbm:s0], s1  }
0xcd: {  	s0 =	simm.s32 @!p0 $0x9  }
0xce: {  	_ =	swait.ge @!p0 [sflag:s0], s1  }
0xcf: {  	s1 =	ssub.s32 @!p0 $0x0, s1;
	[sflag:s0] =	ssyncset.done @!p0 $0x0  }
0xd0: {  	[sflag:s0] =	ssyncadd.s32 @!p0 s1  }
0xd1: {  	[bflag:$0x3] =	sbarrier.arrive $0xFFFF  }
0xd2: {  	_ =	shalt  }

// kernel: kernel.7.cloned.1.call-start
scs
__scs_entry_jumppad:
0x0: {  	(pc) =	sbr.rel $0x88, $3  }
0x1: {  	(tag) =	ssettag $0x0;
	lr =	simm.s32 $0x1  }
0x2: {  	[smem:$0x3F9B] =	sst lr;
	_ =	strace $0xD0000000  }
0x3: {  	_ = 	snop  }
0x4: {  	_ = 	snop  }
0x5: {  	_ = 	snop  }
0x6: {  	_ = 	snop  }
0x7: {  	_ = 	snop  }
__scs_overlays_trampoline_lowered:
0x8: {  	[smem:$0x3FAA] =	sst s0  }
0x9: {  	[smem:$0x3FAB] =	sst s1  }
0xa: {  	[smem:$0x3FAC] =	sst s2  }
0xb: {  	[smem:$0x3FAD] =	sst s3  }
0xc: {  	[smem:$0x3FAE] =	sst s4  }
0xd: {  	[smem:$0x3FAF] =	sst s5  }
0xe: {  	[smem:$0x3FB0] =	sst s6  }
0xf: {  	[smem:$0x3FB1] =	sst s7  }
0x10: {  	[smem:$0x3FB2] =	sst s8  }
0x11: {  	[smem:$0x3FB3] =	sst s9;
	s0 =	simm.s32 @!p0 $0x0  }
0x12: {  	s1 =	sld [smem:$0x3F99];
	s0 =	simm.s32 @p0 $0x1  }
0x13: {  	[smem:$0x3FB4] =	sst s0;
	s0 =	simm.s32 @!p1 $0x0  }
0x14: {  	s2 =	sld [smem:$0x3F98];
	s0 =	simm.s32 @p1 $0x1  }
0x15: {  	[smem:$0x3FB5] =	sst s0;
	s0 =	simm.s32 @!p2 $0x0  }
0x16: {  	s3 =	sld [smem:$0x3FDB];
	s0 =	simm.s32 @p2 $0x1  }
0x17: {  	s4 =	simm.s32 $0x1BF5;
	[smem:$0x3FB7] =	sst s0  }
0x18: {  	s0 =	sld [smem:$0x3F9A];
	_ =	swait.ge [sflag:s4], $0x0  }
0x19: {  	s7 =	sld [smem:$0x3F9B]  }
0x1a: {  	s8 =	sadd.s32 $0xFFFFE003, lr  }
0x1b: {  	s9 =	sadd.s32 $0xFFFFFEF7, lr;
	s5 =	simm.s32 $0xFFFFFFFF;
	p2 =	slt.u32 s8, $0xFFFFF086  }
0x1c: {  	p1 =	slt.u32 s9, $0xF7A;
	s5 =	simm.s32 @!p2 $0x0  }
0x1d: {  	s5 =	simm.s32 @p1 $0x1;
	p0 =	seq.s32 s7, s2  }
0x1e: {  	s7 =	smul.u32 @!p0 $0xF7A, s2;
	p2 =	seq.s32 @!p0 s5, $0x0  }
0x1f: {  	s9 =	smul.u32 $0xF7A, s1;
	s8 =	simm.s32 @!p0 $0x1BF5;
	p2 =	por !p2, p0  }
0x20: {  	[sflag:s8] =	ssyncset.s32 @!p0 $0xFFFFF086;
	s6 =	sadd.s32 @!p0 s3, s7;
	s7 =	simm.s32 @!p0 $0x108  }
0x21: {  	s3 =	sadd.s32 s3, s9;
	s6 =	sadd.s32 @!p0 $0x88, s6;
	s7 =	simm.s32 @p2 $0x1082  }
0x22: {  	[simem:s7], [sflag:s8] =	dma.local @!p0 [hbm:s6], $0xF7A  }
0x23: {  	s9 =	sor.u32 $0xD0000000, s2;
	s6 =	simm.s32 $0x108;
	_ =	swait.ge @!p0 [sflag:s8], $0x0  }
0x24: {  	s3 =	sadd.s32 $0x88, s3;
	s6 =	simm.s32 @!p1 $0x1082;
	[sflag:s4] =	ssyncset.s32 $0xFFFFF086  }
0x25: {  	[simem:s6], [sflag:s4] =	dma.local [hbm:s3], $0xF7A  }
0x26: {  	[smem:$0x3F9B] =	sst s1;
	(tag) =	ssettag s2;
	_ =	strace s9  }
0x27: {  	s1 =	sld [smem:$0x3FAB]  }
0x28: {  	s2 =	sld [smem:$0x3FAC]  }
0x29: {  	s4 =	sld [smem:$0x3FAE]  }
0x2a: {  	p0 =	seq.s32 s5, $0x0;
	s5 =	sld [smem:$0x3FAF]  }
0x2b: {  	s6 =	sld [smem:$0x3FB0]  }
0x2c: {  	s7 =	sld [smem:$0x3FB1]  }
0x2d: {  	s3 =	simm.s32 $0x108;
	s8 =	sld [smem:$0x3FB2]  }
0x2e: {  	s3 =	simm.s32 @!p0 $0x1082;
	s9 =	sld [smem:$0x3FB3]  }
0x2f: {  	lr =	sadd.s32 s0, s3;
	s0 =	sld [smem:$0x3FAA]  }
0x30: {  	s3 =	sld [smem:$0x3FAD]  }
0x31: {  	[smem:$0x3FB6] =	sst s10  }
0x32: {  	s10 =	sld [smem:$0x3FB4];
	_ =	sdelay $0x3  }
0x33: {  	p0 =	seq.s32 s10, $0x1;
	s10 =	sld [smem:$0x3FB6];
	_ =	sdelay $0x3  }
0x34: {  	[smem:$0x3FB6] =	sst s10  }
0x35: {  	s10 =	sld [smem:$0x3FB5];
	_ =	sdelay $0x3  }
0x36: {  	p1 =	seq.s32 s10, $0x1;
	s10 =	sld [smem:$0x3FB6];
	_ =	sdelay $0x3  }
0x37: {  	[smem:$0x3FB6] =	sst s10  }
0x38: {  	s10 =	sld [smem:$0x3FB7]  }
0x39: {  	_ = 	snop;
	(pc) =	sbr.ind lr, $3  }
0x3a: {  	_ = 	snop  }
0x3b: {  	_ = 	snop  }
0x3c: {  	p2 =	seq.s32 s10, $0x1;
	s10 =	sld [smem:$0x3FB6]  }
0x3d: {  	_ =	shalt  }
0x3e: {  	_ =	shalt  }
0x3f: {  	_ =	shalt  }
0x40: {  	_ =	shalt  }
0x41: {  	_ =	shalt  }
0x42: {  	_ =	shalt  }
0x43: {  	_ =	shalt  }
0x44: {  	_ =	shalt  }
0x45: {  	_ =	shalt  }
0x46: {  	_ =	shalt  }
0x47: {  	_ =	shalt  }
0x48: {  	_ =	shalt  }
0x49: {  	_ =	shalt  }
0x4a: {  	_ =	shalt  }
0x4b: {  	_ =	shalt  }
0x4c: {  	_ =	shalt  }
0x4d: {  	_ =	shalt  }
0x4e: {  	_ =	shalt  }
0x4f: {  	_ =	shalt  }
0x50: {  	_ =	shalt  }
0x51: {  	_ =	shalt  }
0x52: {  	_ =	shalt  }
0x53: {  	_ =	shalt  }
0x54: {  	_ =	shalt  }
0x55: {  	_ =	shalt  }
0x56: {  	_ =	shalt  }
0x57: {  	_ =	shalt  }
0x58: {  	_ =	shalt  }
0x59: {  	_ =	shalt  }
0x5a: {  	_ =	shalt  }
0x5b: {  	_ =	shalt  }
0x5c: {  	_ =	shalt  }
0x5d: {  	_ =	shalt  }
0x5e: {  	_ =	shalt  }
0x5f: {  	_ =	shalt  }
0x60: {  	_ =	shalt  }
0x61: {  	_ =	shalt  }
0x62: {  	_ =	shalt  }
0x63: {  	_ =	shalt  }
0x64: {  	_ =	shalt  }
0x65: {  	_ =	shalt  }
0x66: {  	_ =	shalt  }
0x67: {  	_ =	shalt  }
0x68: {  	_ =	shalt  }
0x69: {  	_ =	shalt  }
0x6a: {  	_ =	shalt  }
0x6b: {  	_ =	shalt  }
0x6c: {  	_ =	shalt  }
0x6d: {  	_ =	shalt  }
0x6e: {  	_ =	shalt  }
0x6f: {  	_ =	shalt  }
0x70: {  	_ =	shalt  }
0x71: {  	_ =	shalt  }
0x72: {  	_ =	shalt  }
0x73: {  	_ =	shalt  }
0x74: {  	_ =	shalt  }
0x75: {  	_ =	shalt  }
0x76: {  	_ =	shalt  }
0x77: {  	_ =	shalt  }
0x78: {  	_ =	shalt  }
0x79: {  	_ =	shalt  }
0x7a: {  	_ =	shalt  }
0x7b: {  	_ =	shalt  }
0x7c: {  	_ =	shalt  }
0x7d: {  	_ =	shalt  }
0x7e: {  	_ =	shalt  }
0x7f: {  	_ =	shalt  }
0x80: {  	_ =	shalt  }
0x81: {  	_ =	shalt  }
0x82: {  	_ =	shalt  }
0x83: {  	_ =	shalt  }
0x84: {  	_ =	shalt  }
0x85: {  	_ =	shalt  }
0x86: {  	_ =	shalt  }
0x87: {  	_ =	shalt  }
.Lfunc_end0:
.L_simem_size_0:
called_computation_lowered:
.L_overlay_start_0:
0x88: {  	s2 =	sld [smem:$0x3FD9]  }
0x89: {  	s3 =	sld [smem:$0x3FFE];
	_ =	sdelay $0x1  }
0x8a: {  	s1 =	srdreg.scid  }
0x8b: {  	s0 =	sand.u32 $0x1, s1  }
0x8c: {  	s16 =	sshll.u32 s0, $0xA;
	s2 =	sadd.s32 s3, s2  }
0x8d: {  	s2 =	sadd.s32 s2, s16  }
0x8e: {  	[smem:$0x3FC2] =	sst s2  }
0x8f: {  	_ = 	snop  }
0x90: {  	(tm) =	ssettm $0x1  }
0x91: {  	s17 =	sld [smem:$0x3FFB];
	_ =	sdelay $0x3  }
0x92: {  	_ =	strace s17  }
0x93: {  	s2 =	sld [smem:$0x3FFC];
	_ =	sdelay $0x3  }
0x94: {  	_ =	strace s2  }
0x95: {  	s2 =	sld [smem:$0x3FFD];
	_ =	sdelay $0x3  }
0x96: {  	_ =	strace s2  }
0x97: {  	_ =	strace $0x8FFFFFFF  }
0x98: {  	s18 =	sld [smem:$0x3FDB];
	_ =	sdelay $0x1  }
0x99: {  	s19 =	simm.s32 $_scs_section_size  }
0x9a: {  	s4 =	simm.s32 $_size__tile_overlayer_lowered;
	s5 =	simm.s32 $_tile_overlayer_lowered  }
0x9b: {  	s22 =	simm.s32 $0x1BFF;
	s21 =	sshll.u32 s5, $0x1;
	s2 =	sadd.s32 s19, s18  }
0x9c: {  	s6 =	simm.s32 $0x0;
	s20 =	sshll.u32 s4, $0x1;
	s4 =	sadd.s32 s21, s2  }
0x9d: {  	[timem:s6], [sflag:s22] =	dma.local [hbm:s4], s20  }
0x9e: {  	_ =	swait.ge [sflag:s22], s20  }
0x9f: {  	s3 =	ssub.s32 $0x0, s20;
	[sflag:s22] =	ssyncset.done $0x0  }
0xa0: {  	[sflag:s22] =	ssyncadd.s32 s3;
	_ =	sdelay $0x1  }
0xa1: {  	s23 =	simm.s32 $0x1B8B  }
0xa2: {  	_ =	swait.ge [sflag:s23], $0x1  }
0xa3: {  	[sflag:s23] =	ssyncset.done $0x0  }
0xa4: {  	s25 =	simm.s32 $0x1B8E;
	s24 =	sld [smem:$0x3FFE];
	[sflag:s23] =	ssyncadd.s32 $0xFFFFFFFF  }
0xa5: {  	s26 =	simm.s32 $execute0_lowered;
	[smem:$0x3FD2] =	sst s25  }
0xa6: {  	s4 =	sshll.u32 s26, $0x1;
	_ =	strace $0x80000046;
	[dreg:$0x1] =	wrdreg $0xFFFFFFFF  }
0xa7: {  	s28 =	simm.s32 $_size_execute0_lowered;
	s2 =	sadd.s32 s2, s4;
	[dreg:$0x0] =	wrdreg $0x0  }
0xa8: {  	s4 =	sshll.u32 s28, $0x1;
	[dreg:$0x2] =	wrdreg s2  }
0xa9: {  	[dreg:$0x3] =	wrdreg s4  }
0xaa: {  	[dreg:$0x4] =	wrdreg $0xC0  }
0xab: {  	_ =	task [dreg:s6], $0x5FFFF  }
0xac: {  	[dreg:$0x1] =	wrdreg $0xFFFFFFFF  }
0xad: {  	[dreg:$0x0] =	wrdreg $0x60  }
0xae: {  	[dreg:$0x2] =	wrdreg s24  }
0xaf: {  	[dreg:$0x3] =	wrdreg $0x2B000  }
0xb0: {  	[dreg:$0x4] =	wrdreg $0x9  }
0xb1: {  	_ =	task.clear_ibuf [dreg:s6], $0x5FFFF;
	_ =	strace $0x90000046  }
0xb2: {  	s29 =	simm.s32 $0x9;
	_ =	strace $0x80000048  }
0xb3: {  	_ =	swait.ge [sflag:s29], $0x1  }
0xb4: {  	[sflag:s29] =	ssyncadd.s32 $0xFFFFFFFF  }
0xb5: {  	_ =	strace $0x90000048  }
0xb6: {  	_ =	sfence  }
0xb7: {  	s30 =	sld [smem:$0x0];
	_ =	sdelay $0x2  }
0xb8: {  	s31 =	sshll.u32 s1, $0xD;
	s1 =	sshrl.u32 s1, $0x2  }
0xb9: {  	s3 =	sand.u32 $0x4000, s31;
	s1 =	sadd.s32 s1, s30  }
0xba: {  	s0 =	sor.u32 s3, s0;
	s1 =	sshll.u32 s1, $0x11  }
0xbb: {  	s0 =	sor.u32 s1, s0  }
0xbc: {  	s0 =	sadd.s32 $0x8F2B, s0  }
0xbd: {  	[sflag:s0] =	ssyncadd.remote.s32 $0x1  }
0xbe: {  	_ =	sfence.sel $0xFFFF  }
0xbf: {  	[dreg:$0x0] =	wrdreg $0xFFFFFFFF;
	(pc) =	sbr.abs _section_cstart, $3  }
0xc0: {  	[dreg:$0x1] =	wrdreg $0xFFFFFFFF  }
0xc1: {  	_ =	task.clear_ibuf [dreg:s6], $0x2FFFF;
	_ =	strace $0x9FFFFFFF  }
0xc2: {  	(tm) =	ssettm $0x7FFFFFFF  }
0xc3: {  	_ =	shalt  }
tec
execute0_lowered:
.L_overlay_start_1:
0x0: {  	(tag) =	ssettag $0x1  }
0x1: {  	s4 =	rddreg [dreg:$0x0]  }
0x2: {  	s1 =	rddreg [dreg:$0x1]  }
0x3: {  	s2 =	srdreg.scid;
	s0 =	rddreg [dreg:$0x2];
	s3 =	simm.s32 $0x0  }
0x4: {  	s10 =	simm.s32 $0x1;
	s11 =	simm.s32 $0x80;
	s12 =	simm.s32 $0x2800  }
0x5: {  	s13 =	simm.s32 $0x100;
	s14 =	simm.s32 $0x180;
	s15 =	simm.s32 $0x2  }
0x6: {  	s16 =	simm.s32 $0x3;
	s17 =	simm.s32 $0x4;
	s18 =	simm.s32 $0x0  }
0x7: {  	s5 =	sand.u32 $0x1, s2;
	s2 =	stileid.u32;
	[smem:$0x7FF] =	sst s3  }
0x8: {  	s6 =	sshll.u32 s5, $0x4;
	s7 =	smul.u32 $0x500, s2;
	s8 =	sshll.u32 s5, $0x7  }
0x9: {  	s5 =	ssub.s32 $0x2, s5;
	s30 =	smul.u32 $0xA00, s2;
	s6 =	sor.u32 s2, s6  }
0xa: {  	_ =	strace $0x80000047;
	s9 =	sshrl.u32 s5, $0x1;
	s6 =	smul.u32 $0x500, s6  }
0xb: {  	s7 =	sor.u32 s8, s7;
	s9 =	ssub.s32 s5, s9;
	s31 =	sshrl.u32 s30, $0x2  }
0xc: {  	s8 =	simm.s32 $0x2880;
	s7 =	sshrl.u32 s7, $0x3;
	s6 =	sadd.s32 s6, s4  }
0xd: {  	s5 =	sadd.s32 s31, s1;
	s7 =	sadd.s32 s7, s4;
	s4 =	sadd.s32 $0x1400, s6  }
0xe: {  	v0 =	vimm.f32 $1.000000000e+00;
	v1 =	vimm.f32 $0.0e+00;
	s6 =	sadd.s32 $0x15400, s7;
	s7 =	smax.u32 s9, $0x1;
	s9 =	simm.s32 $0x5  }
.LBB2_1:
0xf: {  	[tilespmem:s3], [sflag:$0x1] =	stream.linear.gather [hbm4b:s4+s3], $0x2800, $0x38;
	[tilespmem:$0x2D80] =	vst v63  }
0x10: {  	[tilespmem:$0x2800] =	vst v0  }
0x11: {  	[tilespmem:$0x2810] =	vst v0  }
0x12: {  	[tilespmem:$0x2820] =	vst v0  }
0x13: {  	[tilespmem:$0x2830] =	vst v0  }
0x14: {  	[tilespmem:$0x2840] =	vst v0  }
0x15: {  	[tilespmem:$0x2850] =	vst v0  }
0x16: {  	[tilespmem:$0x2860] =	vst v0  }
0x17: {  	[tilespmem:$0x2870] =	vst v0  }
0x18: {  	[tilespmem:$0x2880] =	vst v1  }
0x19: {  	[tilespmem:$0x2890] =	vst v1  }
0x1a: {  	[tilespmem:$0x28A0] =	vst v1  }
0x1b: {  	[tilespmem:$0x28B0] =	vst v1  }
0x1c: {  	[tilespmem:$0x28C0] =	vst v1  }
0x1d: {  	[tilespmem:$0x28D0] =	vst v1  }
0x1e: {  	[tilespmem:$0x28E0] =	vst v1  }
0x1f: {  	[tilespmem:$0x28F0] =	vst v1  }
0x20: {  	[tilespmem:$0x2900] =	vst v1  }
0x21: {  	[tilespmem:$0x2910] =	vst v1  }
0x22: {  	[tilespmem:$0x2920] =	vst v1  }
0x23: {  	[tilespmem:$0x2930] =	vst v1  }
0x24: {  	[tilespmem:$0x2940] =	vst v1  }
0x25: {  	[tilespmem:$0x2950] =	vst v1  }
0x26: {  	[tilespmem:$0x2960] =	vst v1  }
0x27: {  	[tilespmem:$0x2970] =	vst v1  }
0x28: {  	[tilespmem:$0x2980] =	vst v1  }
0x29: {  	[tilespmem:$0x2990] =	vst v1  }
0x2a: {  	[tilespmem:$0x29A0] =	vst v1  }
0x2b: {  	[tilespmem:$0x29B0] =	vst v1  }
0x2c: {  	[tilespmem:$0x29C0] =	vst v1  }
0x2d: {  	[tilespmem:$0x29D0] =	vst v1  }
0x2e: {  	[tilespmem:$0x29E0] =	vst v1  }
0x2f: {  	[tilespmem:$0x29F0] =	vst v1  }
0x30: {  	[tilespmem:$0x2A00] =	vst v1  }
0x31: {  	[tilespmem:$0x2A10] =	vst v1  }
0x32: {  	[tilespmem:$0x2A20] =	vst v1  }
0x33: {  	[tilespmem:$0x2A30] =	vst v1  }
0x34: {  	[tilespmem:$0x2A40] =	vst v1  }
0x35: {  	[tilespmem:$0x2A50] =	vst v1  }
0x36: {  	[tilespmem:$0x2A60] =	vst v1  }
0x37: {  	[tilespmem:$0x2A70] =	vst v1  }
0x38: {  	[tilespmem:$0x2A80] =	vst v1  }
0x39: {  	[tilespmem:$0x2A90] =	vst v1  }
0x3a: {  	[tilespmem:$0x2AA0] =	vst v1  }
0x3b: {  	[tilespmem:$0x2AB0] =	vst v1  }
0x3c: {  	[tilespmem:$0x2AC0] =	vst v1  }
0x3d: {  	[tilespmem:$0x2AD0] =	vst v1  }
0x3e: {  	[tilespmem:$0x2AE0] =	vst v1  }
0x3f: {  	[tilespmem:$0x2AF0] =	vst v1  }
0x40: {  	[spmem:s5] =	stream.linear.scatter [tilespmem:s8], [sflag:$0x5], $0x280, $0x38;
	[tilespmem:$0x2D80] =	vst v63  }
0x41: {  	_ =	swait.ge [sflag:s9], $0x280  }
0x42: {  	[sflag:s9] =	ssyncset.done $0x0  }
0x43: {  	[sflag:s9] =	ssyncadd.s32 $0xFFFFFD80  }
0x44: {  	_ =	swait.ge [sflag:s10], $0x2800  }
0x45: {  	[sflag:s10] =	ssyncset.done $0x0  }
0x46: {  	[sflag:s10] =	ssyncadd.s32 $0xFFFFD800  }
0x47: {  	[bflag:$0x0] =	sbarrier.arrive $0xFFFF  }
0x48: {  	[spmem:s1] =	stream.indirect.scatter.add.f32 [tilespmem:s12], [sflag:$0x1], $0x1, s3, s11, $0xb8;
	[tilespmem:$0x2D80] =	vst v63  }
0x49: {  	_ = 	snop  }
0x4a: {  	[spmem:s1] =	stream.indirect.scatter.add.f32 [tilespmem:s12], [sflag:$0x2], $0x1, s11, s11, $0xb8;
	[tilespmem:$0x2D80] =	vst v63  }
0x4b: {  	_ = 	snop  }
0x4c: {  	[spmem:s1] =	stream.indirect.scatter.add.f32 [tilespmem:s12], [sflag:$0x3], $0x1, s13, s11, $0xb8;
	[tilespmem:$0x2D80] =	vst v63  }
0x4d: {  	_ = 	snop  }
0x4e: {  	[spmem:s1] =	stream.indirect.scatter.add.f32 [tilespmem:s12], [sflag:$0x4], $0x1, s14, s11, $0xb8;
	[tilespmem:$0x2D80] =	vst v63  }
0x4f: {  	_ =	swait.ge [sflag:s10], $0x80  }
0x50: {  	[sflag:s10] =	ssyncset.done $0x0  }
0x51: {  	s19 =	simm.s32 $0x200;
	[sflag:s10] =	ssyncadd.s32 $0xFFFFFF80  }
0x52: {  	[spmem:s1] =	stream.indirect.scatter.add.f32 [tilespmem:s12], [sflag:$0x1], $0x1, s19, s11, $0xb8;
	[tilespmem:$0x2D80] =	vst v63  }
0x53: {  	_ =	swait.ge [sflag:s15], $0x80  }
0x54: {  	[sflag:s15] =	ssyncset.done $0x0  }
0x55: {  	s30 =	simm.s32 $0x280;
	[sflag:s15] =	ssyncadd.s32 $0xFFFFFF80  }
0x56: {  	[spmem:s1] =	stream.indirect.scatter.add.f32 [tilespmem:s12], [sflag:$0x2], $0x1, s30, s11, $0xb8;
	[tilespmem:$0x2D80] =	vst v63  }
0x57: {  	_ =	swait.ge [sflag:s16], $0x80  }
0x58: {  	[sflag:s16] =	ssyncset.done $0x0  }
0x59: {  	s31 =	simm.s32 $0x300;
	[sflag:s16] =	ssyncadd.s32 $0xFFFFFF80  }
0x5a: {  	[spmem:s1] =	stream.indirect.scatter.add.f32 [tilespmem:s12], [sflag:$0x3], $0x1, s31, s11, $0xb8;
	[tilespmem:$0x2D80] =	vst v63  }
0x5b: {  	_ =	swait.ge [sflag:s17], $0x80  }
0x5c: {  	[sflag:s17] =	ssyncset.done $0x0  }
0x5d: {  	s20 =	simm.s32 $0x380;
	s19 =	simm.s32 $0xFFFF7000;
	[sflag:s17] =	ssyncadd.s32 $0xFFFFFF80  }
.LBB2_2:
0x5e: {  	[spmem:s1] =	stream.indirect.scatter.add.f32 [tilespmem:s12], [sflag:$0x4], $0x1, s20, s11, $0xb8;
	[tilespmem:$0x2D80] =	vst v63  }
0x5f: {  	s20 =	smov.u32 s19  }
0x60: {  	p0 =	sne.s32 s19, $0xFFFFF800;
	s19 =	sadd.s32 $0x800, s19;
	_ =	swait.ge [sflag:s10], $0x80  }
0x61: {  	s20 =	sshra.s32 s20, $0x2;
	[sflag:s10] =	ssyncset.done $0x0  }
0x62: {  	s21 =	sadd.s32 $0x2800, s20;
	[sflag:s10] =	ssyncadd.s32 $0xFFFFFF80  }
0x63: {  	[spmem:s1] =	stream.indirect.scatter.add.f32 [tilespmem:s12], [sflag:$0x1], $0x1, s21, s11, $0xb8;
	[tilespmem:$0x2D80] =	vst v63  }
0x64: {  	_ =	swait.ge [sflag:s15], $0x80  }
0x65: {  	[sflag:s15] =	ssyncset.done $0x0  }
0x66: {  	s21 =	sadd.s32 $0x2880, s20;
	[sflag:s15] =	ssyncadd.s32 $0xFFFFFF80  }
0x67: {  	[spmem:s1] =	stream.indirect.scatter.add.f32 [tilespmem:s12], [sflag:$0x2], $0x1, s21, s11, $0xb8;
	[tilespmem:$0x2D80] =	vst v63  }
0x68: {  	_ =	swait.ge [sflag:s16], $0x80  }
0x69: {  	[sflag:s16] =	ssyncset.done $0x0  }
.Ltmp0:
0x6a: {  	s21 =	sadd.s32 $0x2900, s20;
	[sflag:s16] =	ssyncadd.s32 $0xFFFFFF80;
	(pc) =	sbr.rel @p0 .LBB2_2-.Ltmp0, $4  }
0x6b: {  	[spmem:s1] =	stream.indirect.scatter.add.f32 [tilespmem:s12], [sflag:$0x3], $0x1, s21, s11, $0xb8;
	[tilespmem:$0x2D80] =	vst v63  }
0x6c: {  	_ =	swait.ge [sflag:s17], $0x80  }
0x6d: {  	[sflag:s17] =	ssyncset.done $0x0  }
0x6e: {  	s20 =	sadd.s32 $0x2980, s20;
	[sflag:s17] =	ssyncadd.s32 $0xFFFFFF80  }
0x6f: {  	[spmem:s1] =	stream.indirect.scatter.add.f32 [tilespmem:s12], [sflag:$0x4], $0x1, s20, s11, $0xb8;
	[tilespmem:$0x2D80] =	vst v63  }
0x70: {  	_ =	swait.ge [sflag:s10], $0x80  }
0x71: {  	[sflag:s10] =	ssyncset.done $0x0  }
0x72: {  	[sflag:s10] =	ssyncadd.s32 $0xFFFFFF80  }
0x73: {  	_ =	swait.ge [sflag:s15], $0x80  }
0x74: {  	[sflag:s15] =	ssyncset.done $0x0  }
0x75: {  	[sflag:s15] =	ssyncadd.s32 $0xFFFFFF80  }
0x76: {  	_ =	swait.ge [sflag:s16], $0x80  }
0x77: {  	[sflag:s16] =	ssyncset.done $0x0  }
0x78: {  	[sflag:s16] =	ssyncadd.s32 $0xFFFFFF80  }
0x79: {  	_ =	swait.ge [sflag:s17], $0x80  }
0x7a: {  	[sflag:s17] =	ssyncset.done $0x0  }
0x7b: {  	[sflag:s17] =	ssyncadd.s32 $0xFFFFFF80  }
0x7c: {  	[bflag:$0x0] =	sbarrier.arrive $0xFFFF  }
0x7d: {  	[tilespmem:s8], [sflag:$0x5] =	stream.linear.gather [spmem:s5], $0x280, $0x38;
	[tilespmem:$0x2D80] =	vst v63  }
0x7e: {  	s18 =	sadd.s32 $0x1, s18;
	_ =	swait.ge [sflag:s9], $0x280  }
0x7f: {  	p0 =	sne.s32 s18, s7;
	[sflag:s9] =	ssyncset.done $0x0  }
.Ltmp1:
0x80: {  	[sflag:s9] =	ssyncadd.s32 $0xFFFFFD80;
	(pc) =	sbr.rel @p0 .LBB2_1-.Ltmp1, $4  }
0x81: {  	[hbm4b:s6+s11] =	stream.strided.scatter [tilespmem:s8], [sflag:$0x5], $0x280, s13, s11, $0x38;
	[tilespmem:$0x2D80] =	vst v63  }
0x82: {  	_ =	swait.ge [sflag:s9], $0x280  }
0x83: {  	[sflag:s9] =	ssyncset.done $0x0  }
0x84: {  	[sflag:s9] =	ssyncadd.s32 $0xFFFFFD80  }
0x85: {  	_ =	sfence.sel $0x180000  }
0x86: {  	[bflag:$0x0] =	sbarrier.arrive $0xFFFF  }
0x87: {  	p0 =	sne.s32 s2, $0x0;
	_ =	strace $0x90000047  }
0x88: {  	s0 =	sadd.s32 @!p0 $0x100000, s0;
	[bflag:$0x2] =	sbarrier.arrive $0xFFFF  }
0x89: {  	[sflag:s0] =	ssyncadd.tile.s32 @!p0 $0x1;
	_ =	shalt  }
.Lfunc_end2:
_tile_overlayer_lowered:
.L_overlay_start_2:
0x8a: {  	(tag) =	ssettag $0x2  }
0x8b: {  	s0 =	rddreg [dreg:$0x0];
	s2 =	stileid.u32  }
0x8c: {  	s1 =	rddreg [dreg:$0x1];
	p0 =	sne.s32 s2, $0x0  }
0x8d: {  	s3 =	rddreg [dreg:$0x2];
	[bflag:$0x3] =	sbarrier.arrive $0xFFFF;
	s2 =	simm.s32 @!p0 $0x1C05  }
0x8e: {  	[timem:s3], [sflag:s2] =	dma.local @!p0 [hbm:s0], s1  }
0x8f: {  	s0 =	simm.s32 @!p0 $0x5  }
0x90: {  	_ =	swait.ge @!p0 [sflag:s0], s1  }
0x91: {  	s1 =	ssub.s32 @!p0 $0x0, s1;
	[sflag:s0] =	ssyncset.done @!p0 $0x0  }
0x92: {  	[sflag:s0] =	ssyncadd.s32 @!p0 s1  }
0x93: {  	[bflag:$0x3] =	sbarrier.arrive $0xFFFF  }
0x94: {  	_ =	shalt  }

</sc_bundles>
